<compile_context>
chip_gen: v7x
topology: tpu7x:2x2x1
jax: 0.10.2.dev20260603
libtpu: 0.0.44.dev20260713+nightly
codegen_flags: <defaults>
</compile_context>

<pallas_src>
import functools

import jax
import jax.numpy as jnp
from jax import lax
from jax.experimental import pallas as pl
from jax.experimental.pallas import tpu as pltpu
from jax.experimental.pallas import tpu_sc as plsc

NEI = 8
D = 64
REL = NEI * 2
LAT = NEI * D
SUB = LAT // 16
ROWS = SUB + 1
L = 16


def kernel(idx_flat, latents, idxcache, relpos_cache):
    B = idx_flat.shape[0]
    grid = idxcache.shape[0]
    gtiles = grid // 128
    lat16 = latents.reshape(latents.shape[0] * (D // 16), 16)
    cache_nat = idxcache.reshape(gtiles, 128, NEI).transpose(0, 2, 1).reshape(grid * NEI)
    rel_nat = relpos_cache.reshape(gtiles, 128, NEI, 2).transpose(2, 0, 3, 1).reshape(grid * REL)

    info = plsc.get_sparse_core_info()
    nw = info.num_cores * info.num_subcores
    per_w = B // nw
    C = 64
    n_chunks = per_w // C
    CR = C * SUB

    mesh = plsc.VectorSubcoreMesh(core_axis_name="c", subcore_axis_name="s")

    @functools.partial(
        pl.kernel,
        mesh=mesh,
        compiler_params=pltpu.CompilerParams(
            needs_layout_passes=False, use_tc_tiling_on_sc=False),
        out_type=(jax.ShapeDtypeStruct((B * NEI,), jnp.int32),
                  jax.ShapeDtypeStruct((B, REL), jnp.float32)),
        scratch_types=[
            pltpu.VMEM((per_w,), jnp.int32),
            pltpu.VMEM((per_w * NEI,), jnp.int32),
            pltpu.VMEM((per_w * NEI,), jnp.int32),
            pltpu.VMEM((per_w * REL,), jnp.int32),
            pltpu.VMEM((per_w * REL,), jnp.float32),
            pltpu.VMEM((per_w, REL), jnp.float32),
            pltpu.SemaphoreType.DMA,
            pltpu.SemaphoreType.DMA,
        ],
    )
    def stage_a(idx_hbm, cache_hbm, rel_hbm, nbr_hbm, relrow_hbm,
                idx_v, fidx_v, nbr_v, ridx16_v, rel1_v, rel_v, sem_c, sem_r):
        wid = lax.axis_index("s") * info.num_cores + lax.axis_index("c")
        base = wid * per_w
        pltpu.sync_copy(idx_hbm.at[pl.ds(base, per_w)], idx_v)
        iota = lax.iota(jnp.int32, L)

        @pl.loop(0, per_w // L)
        def _fidx(k):
            g = idx_v[pl.ds(k * L, L)]
            t = lax.shift_right_logical(g, 7)
            m = lax.bitwise_and(g, 127)
            cbase = lax.shift_left(t, 10) + m
            pos = iota * NEI + k * L * NEI
            for j in range(NEI):
                plsc.store_scatter(fidx_v, [pos + j], cbase + j * 128)
        cache_cp = pltpu.async_copy(cache_hbm.at[fidx_v], nbr_v, sem_c)

        @pl.loop(0, per_w // L)
        def _ridx(k):
            g = idx_v[pl.ds(k * L, L)]
            t = lax.shift_right_logical(g, 7)
            m = lax.bitwise_and(g, 127)
            rbase = lax.shift_left(t, 8) + m
            rpos = iota * REL + k * L * REL
            for j in range(NEI):
                for k2 in range(2):
                    plsc.store_scatter(
                        ridx16_v, [rpos + (j * 2 + k2)],
                        rbase + (j * grid * 2 + k2 * 128))
        rel_cp = pltpu.async_copy(rel_hbm.at[ridx16_v], rel1_v, sem_r)
        cache_cp.wait()
        pltpu.sync_copy(nbr_v, nbr_hbm.at[pl.ds(base * NEI, per_w * NEI)])
        rel_cp.wait()

        @pl.loop(0, per_w)
        def _repack(e):
            rel_v[e, :] = rel1_v[pl.ds(e * REL, REL)]
        pltpu.sync_copy(rel_v, relrow_hbm.at[pl.ds(base, per_w)])

    @functools.partial(
        pl.kernel,
        mesh=mesh,
        compiler_params=pltpu.CompilerParams(
            needs_layout_passes=False, use_tc_tiling_on_sc=False),
        out_type=jax.ShapeDtypeStruct((B * ROWS, 16), jnp.float32),
        scratch_types=[
            pltpu.VMEM((per_w * NEI,), jnp.int32),
            pltpu.VMEM((per_w, REL), jnp.float32),
            pltpu.VMEM((3, CR), jnp.int32),
            pltpu.VMEM((3, CR, 16), jnp.float32),
            pltpu.VMEM((CR,), jnp.int32),
            pltpu.VMEM((per_w,), jnp.int32),
            pltpu.SemaphoreType.DMA,
            pltpu.SemaphoreType.DMA,
            pltpu.SemaphoreType.DMA,
            pltpu.SemaphoreType.DMA,
            pltpu.SemaphoreType.DMA,
            pltpu.SemaphoreType.DMA,
            pltpu.SemaphoreType.DMA,
        ],
    )
    def stage_b(nbr_hbm, relrow_hbm, lat_hbm, out_hbm,
                nbr_v, rel_v, lidx_v, lat_v, opat_v, ridx_v,
                sem_l0, sem_l1, sem_l2, sem_s0, sem_s1, sem_s2, sem_rs):
        wid = lax.axis_index("s") * info.num_cores + lax.axis_index("c")
        base = wid * per_w
        iota = lax.iota(jnp.int32, L)
        pltpu.sync_copy(nbr_hbm.at[pl.ds(base * NEI, per_w * NEI)], nbr_v)
        rel_in = pltpu.async_copy(
            relrow_hbm.at[pl.ds(base, per_w)], rel_v, sem_rs)

        @pl.loop(0, CR // L)
        def _opat(k):
            e = lax.shift_right_logical(k, 1)
            s0 = lax.shift_left(lax.bitwise_and(k, 1), 4)
            opat_v[pl.ds(k * L, L)] = iota + (e * ROWS + s0)

        sems_l = (sem_l0, sem_l1, sem_l2)
        sems_s = (sem_s0, sem_s1, sem_s2)

        def stage(ci, p):
            @pl.loop(0, C * NEI // L)
            def _lidx(k):
                n4 = nbr_v[pl.ds(ci * C * NEI + k * L, L)] * 4
                pos = iota * 4 + k * L * 4
                for j in range(4):
                    plsc.store_scatter(lidx_v.at[p], [pos + j], n4 + j)
            return pltpu.async_copy(
                lat_hbm.at[lidx_v.at[p]], lat_v.at[p], sems_l[p])

        def scat(ci, p):
            row0 = base + ci * C
            return pltpu.async_copy(
                lat_v.at[p],
                out_hbm.at[pl.ds(row0 * ROWS, C * ROWS)].at[opat_v],
                sems_s[p])

        cps, sts = {}, {}
        for ci in range(n_chunks):
            p = ci % 3
            if ci >= 3:
                sts[ci - 3].wait()
            cps[ci] = stage(ci, p)
            if ci >= 1:
                cps[ci - 1].wait()
                sts[ci - 1] = scat(ci - 1, (ci - 1) % 3)
        cps[n_chunks - 1].wait()
        sts[n_chunks - 1] = scat(n_chunks - 1, (n_chunks - 1) % 3)
        for ci in range(max(0, n_chunks - 3), n_chunks):
            sts[ci].wait()

        rel_in.wait()

        @pl.loop(0, per_w // L)
        def _ridxout(k):
            ridx_v[pl.ds(k * L, L)] = (iota + (base + k * L)) * ROWS + SUB
        pltpu.async_copy(rel_v, out_hbm.at[ridx_v], sem_rs).wait()

    nbr_all, rel_all = stage_a(idx_flat, cache_nat, rel_nat)
    out = stage_b(nbr_all, rel_all, lat16)
    return out.reshape(B, ROWS * 16)

# --- scband reference (transcript-rebuilt; emitter-appended) ---
"""Pipeline reference for scband-arc-relative-pos-encoder-26242250178832 (READ-ONLY COPY).

The authoritative reference and input builder live on the scoring server;
editing this copy changes nothing except your own understanding.
"""

import jax, jax.numpy as jnp
import numpy as np

NUM_LATENTS = 100000
LATENT_DIM = 64
NUM_NEIGHS = 8
GRID = 262144  # 512x512 integer grid cached by get_NN_information
BATCH = 16384


def setup_inputs(seed: int = 0) -> dict:
    key = jax.random.key(seed)
    k1, k2, k3, k4 = jax.random.split(key, 4)
    # forward arg
    idx_flat = jax.random.randint(k1, (BATCH,), 0, GRID, dtype=jnp.int32)
    # learned embedding table (init uniform(-1e-4, 1e-4) per latent_init_distribution)
    latents = jax.random.uniform(k2, (NUM_LATENTS, LATENT_DIM), dtype=jnp.float32,
                                 minval=-0.0001, maxval=0.0001)
    # buffers produced by get_NN_information:
    # idxcache[g] = indices of num_neighbours nearest latents to grid point g
    idxcache = jax.random.randint(k3, (GRID, NUM_NEIGHS), 0, NUM_LATENTS, dtype=jnp.int32)
    # relpos_cache[g] = normalised relative positions (mean 0, std 1 after normalisation)
    relpos_cache = jax.random.normal(k4, (GRID, NUM_NEIGHS, 2), dtype=jnp.float32)
    return {"idx_flat": idx_flat, "latents": latents,
            "idxcache": idxcache, "relpos_cache": relpos_cache}


def reference(idx_flat, latents, idxcache, relpos_cache):
    # latent_vecs = self.latents(self.idxcache[idx_flat])
    neigh_idx = jnp.take(idxcache, idx_flat, axis=0)          # [B, NUM_NEIGHS]
    latent_vecs = jnp.take(latents, neigh_idx, axis=0)         # [B, NUM_NEIGHS, LATENT_DIM]
    # relative_pos = self.relpos_cache[idx_flat]
    relative_pos = jnp.take(relpos_cache, idx_flat, axis=0)    # [B, NUM_NEIGHS, 2]
    B = latent_vecs.shape[0]
    out = jnp.concatenate([latent_vecs.reshape(B, -1),
                           relative_pos.reshape(B, -1)], axis=1)  # [B, NUM_NEIGHS*LATENT_DIM + NUM_NEIGHS*2]
    return out

if __name__ == "__main__":
    import jax
    _d = setup_inputs()
    print(jax.jit(kernel)(*tuple(_d.values())))

</pallas_src>

<mosaic_0001>
#map = affine_map<(d0, d1) -> (0)>
#map1 = affine_map<(d0, d1) -> (0, 0)>
module attributes {stable_mosaic.version = 14 : i64} {
  func.func @stage_a(%arg0: i32, %arg1: i32, %arg2: memref<16384xi32, #tpu.memory_space<hbm>>, %arg3: memref<2097152xi32, #tpu.memory_space<hbm>>, %arg4: memref<4194304xf32, #tpu.memory_space<hbm>>, %arg5: memref<131072xi32, #tpu.memory_space<hbm>>, %arg6: memref<16384x16xf32, #tpu.memory_space<hbm>>, %arg7: memref<512xi32, #tpu.memory_space<vmem>>, %arg8: memref<4096xi32, #tpu.memory_space<vmem>>, %arg9: memref<4096xi32, #tpu.memory_space<vmem>>, %arg10: memref<8192xi32, #tpu.memory_space<vmem>>, %arg11: memref<8192xf32, #tpu.memory_space<vmem>>, %arg12: memref<512x16xf32, #tpu.memory_space<vmem>>, %arg13: memref<!tpu.dma_semaphore, #tpu.memory_space<semaphore_mem>>, %arg14: memref<!tpu.dma_semaphore, #tpu.memory_space<semaphore_mem>>) attributes {dimension_semantics = [#tpu.dimension_semantics<core_parallel>, #tpu.dimension_semantics<subcore_parallel>], iteration_bounds = array<i64: 2, 16>, scalar_prefetch = 0 : i64, scratch_operands = 8 : i64, tpu.core_type = #tpu.core_type<sc_vector_subcore>, window_params = [{transform_indices = #map}, {transform_indices = #map}, {transform_indices = #map}, {transform_indices = #map}, {transform_indices = #map1}]} {
    %mul3A = arith.constant 2 : i32
    %mul3A_0 = arith.muli %arg1, %mul3A : i32
    %add3A = arith.addi %mul3A_0, %arg0 : i32
    %mul3A_1 = arith.constant 512 : i32
    %mul3A_2 = arith.muli %add3A, %mul3A_1 : i32
    "tpu.region"() ({
      %run_scoped3A = tpu.sem_alloc : memref<!tpu.dma_semaphore, #tpu.memory_space<semaphore_mem>>
      %dma_start3A_25 = tpu.memref_slice %arg2[%mul3A_2] : memref<16384xi32, #tpu.memory_space<hbm>> -> memref<512xi32, #tpu.memory_space<hbm>>
      %dma_start3A_26 = tpu.memref_slice %arg2[%mul3A_2] : memref<16384xi32, #tpu.memory_space<hbm>> -> memref<512xi32, #tpu.memory_space<hbm>>
      tpu.enqueue_dma source(%dma_start3A_26 : memref<512xi32, #tpu.memory_space<hbm>>) target(%arg7 : memref<512xi32, #tpu.memory_space<vmem>>) target_semaphore(%run_scoped3A : memref<!tpu.dma_semaphore, #tpu.memory_space<semaphore_mem>>)
      %dma_wait3A_27 = tpu.memref_slice %arg2[%mul3A_2] : memref<16384xi32, #tpu.memory_space<hbm>> -> memref<512xi32, #tpu.memory_space<hbm>>
      %dma_wait3A_28 = tpu.memref_slice %arg2[%mul3A_2] : memref<16384xi32, #tpu.memory_space<hbm>> -> memref<512xi32, #tpu.memory_space<hbm>>
      tpu.wait_dma2 semaphore(%run_scoped3A : memref<!tpu.dma_semaphore, #tpu.memory_space<semaphore_mem>>) src(%dma_wait3A_28 : memref<512xi32, #tpu.memory_space<hbm>>) dst(%arg7 : memref<512xi32, #tpu.memory_space<vmem>>)
      tpu.yield
    }) : () -> ()
    %iota3A = tpu.iota {dimensions = array<i32: 0>} : vector<16xi32>
    %scan3A = arith.constant 0 : i32
    %scan3A_3 = arith.constant 32 : i32
    %scan3A_4 = arith.addi %scan3A, %scan3A_3 : i32
    %scan3A_5 = arith.constant 1 : i32
    scf.for %scan3A_25 = %scan3A to %scan3A_4 step %scan3A_5  : i32 {
      %mul3A_26 = arith.constant 1 : i32
      %mul3A_27 = arith.muli %scan3A_25, %mul3A_26 : i32
      %add3A_28 = arith.constant 0 : i32
      %add3A_29 = arith.addi %add3A_28, %mul3A_27 : i32
      %mul3A_30 = arith.constant 16 : i32
      %mul3A_31 = arith.muli %add3A_29, %mul3A_30 : i32
      %get3A = arith.index_cast %mul3A_31 : i32 to index
      %get3A_32 = tpu.vector_load %arg7[%get3A] {strides = array<i32>} : memref<512xi32, #tpu.memory_space<vmem>>, vector<16xi32>,
      %shift_right_logical3A = arith.constant 7 : i32
      %shift_right_logical3A_33 = vector.broadcast %shift_right_logical3A : i32 to vector<16xi32>
      %shift_right_logical3A_34 = arith.shrui %get3A_32, %shift_right_logical3A_33 : vector<16xi32>
      %and3A = arith.constant 127 : i32
      %and3A_35 = vector.broadcast %and3A : i32 to vector<16xi32>
      %and3A_36 = arith.andi %get3A_32, %and3A_35 : vector<16xi32>
      %shift_left3A = arith.constant 10 : i32
      %shift_left3A_37 = vector.broadcast %shift_left3A : i32 to vector<16xi32>
      %shift_left3A_38 = arith.shli %shift_right_logical3A_34, %shift_left3A_37 : vector<16xi32>
      %add3A_39 = arith.addi %shift_left3A_38, %and3A_36 : vector<16xi32>
      %mul3A_40 = arith.constant 8 : i32
      %mul3A_41 = vector.broadcast %mul3A_40 : i32 to vector<16xi32>
      %mul3A_42 = arith.muli %iota3A, %mul3A_41 : vector<16xi32>
      %mul3A_43 = arith.constant 16 : i32
      %mul3A_44 = arith.muli %add3A_29, %mul3A_43 : i32
      %mul3A_45 = arith.constant 8 : i32
      %mul3A_46 = arith.muli %mul3A_44, %mul3A_45 : i32
      %add3A_47 = vector.broadcast %mul3A_46 : i32 to vector<16xi32>
      %add3A_48 = arith.addi %mul3A_42, %add3A_47 : vector<16xi32>
      %add3A_49 = arith.constant 0 : i32
      %add3A_50 = vector.broadcast %add3A_49 : i32 to vector<16xi32>
      %add3A_51 = arith.addi %add3A_48, %add3A_50 : vector<16xi32>
      %add3A_52 = arith.constant 0 : i32
      %add3A_53 = vector.broadcast %add3A_52 : i32 to vector<16xi32>
      %add3A_54 = arith.addi %add3A_39, %add3A_53 : vector<16xi32>
      tpu.vector_store_idx %arg8[%add3A_51], %add3A_54 : memref<4096xi32, #tpu.memory_space<vmem>>[vector<16xi32>], vector<16xi32>,
      %add3A_55 = arith.constant 1 : i32
      %add3A_56 = vector.broadcast %add3A_55 : i32 to vector<16xi32>
      %add3A_57 = arith.addi %add3A_48, %add3A_56 : vector<16xi32>
      %add3A_58 = arith.constant 128 : i32
      %add3A_59 = vector.broadcast %add3A_58 : i32 to vector<16xi32>
      %add3A_60 = arith.addi %add3A_39, %add3A_59 : vector<16xi32>
      tpu.vector_store_idx %arg8[%add3A_57], %add3A_60 : memref<4096xi32, #tpu.memory_space<vmem>>[vector<16xi32>], vector<16xi32>,
      %add3A_61 = arith.constant 2 : i32
      %add3A_62 = vector.broadcast %add3A_61 : i32 to vector<16xi32>
      %add3A_63 = arith.addi %add3A_48, %add3A_62 : vector<16xi32>
      %add3A_64 = arith.constant 256 : i32
      %add3A_65 = vector.broadcast %add3A_64 : i32 to vector<16xi32>
      %add3A_66 = arith.addi %add3A_39, %add3A_65 : vector<16xi32>
      tpu.vector_store_idx %arg8[%add3A_63], %add3A_66 : memref<4096xi32, #tpu.memory_space<vmem>>[vector<16xi32>], vector<16xi32>,
      %add3A_67 = arith.constant 3 : i32
      %add3A_68 = vector.broadcast %add3A_67 : i32 to vector<16xi32>
      %add3A_69 = arith.addi %add3A_48, %add3A_68 : vector<16xi32>
      %add3A_70 = arith.constant 384 : i32
      %add3A_71 = vector.broadcast %add3A_70 : i32 to vector<16xi32>
      %add3A_72 = arith.addi %add3A_39, %add3A_71 : vector<16xi32>
      tpu.vector_store_idx %arg8[%add3A_69], %add3A_72 : memref<4096xi32, #tpu.memory_space<vmem>>[vector<16xi32>], vector<16xi32>,
      %add3A_73 = arith.constant 4 : i32
      %add3A_74 = vector.broadcast %add3A_73 : i32 to vector<16xi32>
      %add3A_75 = arith.addi %add3A_48, %add3A_74 : vector<16xi32>
      %add3A_76 = arith.constant 512 : i32
      %add3A_77 = vector.broadcast %add3A_76 : i32 to vector<16xi32>
      %add3A_78 = arith.addi %add3A_39, %add3A_77 : vector<16xi32>
      tpu.vector_store_idx %arg8[%add3A_75], %add3A_78 : memref<4096xi32, #tpu.memory_space<vmem>>[vector<16xi32>], vector<16xi32>,
      %add3A_79 = arith.constant 5 : i32
      %add3A_80 = vector.broadcast %add3A_79 : i32 to vector<16xi32>
      %add3A_81 = arith.addi %add3A_48, %add3A_80 : vector<16xi32>
      %add3A_82 = arith.constant 640 : i32
      %add3A_83 = vector.broadcast %add3A_82 : i32 to vector<16xi32>
      %add3A_84 = arith.addi %add3A_39, %add3A_83 : vector<16xi32>
      tpu.vector_store_idx %arg8[%add3A_81], %add3A_84 : memref<4096xi32, #tpu.memory_space<vmem>>[vector<16xi32>], vector<16xi32>,
      %add3A_85 = arith.constant 6 : i32
      %add3A_86 = vector.broadcast %add3A_85 : i32 to vector<16xi32>
      %add3A_87 = arith.addi %add3A_48, %add3A_86 : vector<16xi32>
      %add3A_88 = arith.constant 768 : i32
      %add3A_89 = vector.broadcast %add3A_88 : i32 to vector<16xi32>
      %add3A_90 = arith.addi %add3A_39, %add3A_89 : vector<16xi32>
      tpu.vector_store_idx %arg8[%add3A_87], %add3A_90 : memref<4096xi32, #tpu.memory_space<vmem>>[vector<16xi32>], vector<16xi32>,
      %add3A_91 = arith.constant 7 : i32
      %add3A_92 = vector.broadcast %add3A_91 : i32 to vector<16xi32>
      %add3A_93 = arith.addi %add3A_48, %add3A_92 : vector<16xi32>
      %add3A_94 = arith.constant 896 : i32
      %add3A_95 = vector.broadcast %add3A_94 : i32 to vector<16xi32>
      %add3A_96 = arith.addi %add3A_39, %add3A_95 : vector<16xi32>
      tpu.vector_store_idx %arg8[%add3A_93], %add3A_96 : memref<4096xi32, #tpu.memory_space<vmem>>[vector<16xi32>], vector<16xi32>,
    }
    %scan3A_6 = arith.constant 32 : i32
    %dma_start3A = arith.constant 0 : i32
    %dma_start3A_7 = tpu.memref_slice %arg3[%dma_start3A] : memref<2097152xi32, #tpu.memory_space<hbm>> -> memref<2097152xi32, #tpu.memory_space<hbm>>
    tpu.enqueue_indirect_dma source(%dma_start3A_7 : memref<2097152xi32, #tpu.memory_space<hbm>>) target(%arg9 : memref<4096xi32, #tpu.memory_space<vmem>>) offsets(%arg8 : memref<4096xi32, #tpu.memory_space<vmem>>) semaphore(%arg13 : memref<!tpu.dma_semaphore, #tpu.memory_space<semaphore_mem>>)
    %scan3A_8 = arith.constant 0 : i32
    %scan3A_9 = arith.constant 32 : i32
    %scan3A_10 = arith.addi %scan3A_8, %scan3A_9 : i32
    %scan3A_11 = arith.constant 1 : i32
    scf.for %scan3A_25 = %scan3A_8 to %scan3A_10 step %scan3A_11  : i32 {
      %mul3A_26 = arith.constant 1 : i32
      %mul3A_27 = arith.muli %scan3A_25, %mul3A_26 : i32
      %add3A_28 = arith.constant 0 : i32
      %add3A_29 = arith.addi %add3A_28, %mul3A_27 : i32
      %mul3A_30 = arith.constant 16 : i32
      %mul3A_31 = arith.muli %add3A_29, %mul3A_30 : i32
      %get3A = arith.index_cast %mul3A_31 : i32 to index
      %get3A_32 = tpu.vector_load %arg7[%get3A] {strides = array<i32>} : memref<512xi32, #tpu.memory_space<vmem>>, vector<16xi32>,
      %shift_right_logical3A = arith.constant 7 : i32
      %shift_right_logical3A_33 = vector.broadcast %shift_right_logical3A : i32 to vector<16xi32>
      %shift_right_logical3A_34 = arith.shrui %get3A_32, %shift_right_logical3A_33 : vector<16xi32>
      %and3A = arith.constant 127 : i32
      %and3A_35 = vector.broadcast %and3A : i32 to vector<16xi32>
      %and3A_36 = arith.andi %get3A_32, %and3A_35 : vector<16xi32>
      %shift_left3A = arith.constant 8 : i32
      %shift_left3A_37 = vector.broadcast %shift_left3A : i32 to vector<16xi32>
      %shift_left3A_38 = arith.shli %shift_right_logical3A_34, %shift_left3A_37 : vector<16xi32>
      %add3A_39 = arith.addi %shift_left3A_38, %and3A_36 : vector<16xi32>
      %mul3A_40 = arith.constant 16 : i32
      %mul3A_41 = vector.broadcast %mul3A_40 : i32 to vector<16xi32>
      %mul3A_42 = arith.muli %iota3A, %mul3A_41 : vector<16xi32>
      %mul3A_43 = arith.constant 16 : i32
      %mul3A_44 = arith.muli %add3A_29, %mul3A_43 : i32
      %mul3A_45 = arith.constant 16 : i32
      %mul3A_46 = arith.muli %mul3A_44, %mul3A_45 : i32
      %add3A_47 = vector.broadcast %mul3A_46 : i32 to vector<16xi32>
      %add3A_48 = arith.addi %mul3A_42, %add3A_47 : vector<16xi32>
      %add3A_49 = arith.constant 0 : i32
      %add3A_50 = vector.broadcast %add3A_49 : i32 to vector<16xi32>
      %add3A_51 = arith.addi %add3A_48, %add3A_50 : vector<16xi32>
      %add3A_52 = arith.constant 0 : i32
      %add3A_53 = vector.broadcast %add3A_52 : i32 to vector<16xi32>
      %add3A_54 = arith.addi %add3A_39, %add3A_53 : vector<16xi32>
      tpu.vector_store_idx %arg10[%add3A_51], %add3A_54 : memref<8192xi32, #tpu.memory_space<vmem>>[vector<16xi32>], vector<16xi32>,
      %add3A_55 = arith.constant 1 : i32
      %add3A_56 = vector.broadcast %add3A_55 : i32 to vector<16xi32>
      %add3A_57 = arith.addi %add3A_48, %add3A_56 : vector<16xi32>
      %add3A_58 = arith.constant 128 : i32
      %add3A_59 = vector.broadcast %add3A_58 : i32 to vector<16xi32>
      %add3A_60 = arith.addi %add3A_39, %add3A_59 : vector<16xi32>
      tpu.vector_store_idx %arg10[%add3A_57], %add3A_60 : memref<8192xi32, #tpu.memory_space<vmem>>[vector<16xi32>], vector<16xi32>,
      %add3A_61 = arith.constant 2 : i32
      %add3A_62 = vector.broadcast %add3A_61 : i32 to vector<16xi32>
      %add3A_63 = arith.addi %add3A_48, %add3A_62 : vector<16xi32>
      %add3A_64 = arith.constant 524288 : i32
      %add3A_65 = vector.broadcast %add3A_64 : i32 to vector<16xi32>
      %add3A_66 = arith.addi %add3A_39, %add3A_65 : vector<16xi32>
      tpu.vector_store_idx %arg10[%add3A_63], %add3A_66 : memref<8192xi32, #tpu.memory_space<vmem>>[vector<16xi32>], vector<16xi32>,
      %add3A_67 = arith.constant 3 : i32
      %add3A_68 = vector.broadcast %add3A_67 : i32 to vector<16xi32>
      %add3A_69 = arith.addi %add3A_48, %add3A_68 : vector<16xi32>
      %add3A_70 = arith.constant 524416 : i32
      %add3A_71 = vector.broadcast %add3A_70 : i32 to vector<16xi32>
      %add3A_72 = arith.addi %add3A_39, %add3A_71 : vector<16xi32>
      tpu.vector_store_idx %arg10[%add3A_69], %add3A_72 : memref<8192xi32, #tpu.memory_space<vmem>>[vector<16xi32>], vector<16xi32>,
      %add3A_73 = arith.constant 4 : i32
      %add3A_74 = vector.broadcast %add3A_73 : i32 to vector<16xi32>
      %add3A_75 = arith.addi %add3A_48, %add3A_74 : vector<16xi32>
      %add3A_76 = arith.constant 1048576 : i32
      %add3A_77 = vector.broadcast %add3A_76 : i32 to vector<16xi32>
      %add3A_78 = arith.addi %add3A_39, %add3A_77 : vector<16xi32>
      tpu.vector_store_idx %arg10[%add3A_75], %add3A_78 : memref<8192xi32, #tpu.memory_space<vmem>>[vector<16xi32>], vector<16xi32>,
      %add3A_79 = arith.constant 5 : i32
      %add3A_80 = vector.broadcast %add3A_79 : i32 to vector<16xi32>
      %add3A_81 = arith.addi %add3A_48, %add3A_80 : vector<16xi32>
      %add3A_82 = arith.constant 1048704 : i32
      %add3A_83 = vector.broadcast %add3A_82 : i32 to vector<16xi32>
      %add3A_84 = arith.addi %add3A_39, %add3A_83 : vector<16xi32>
      tpu.vector_store_idx %arg10[%add3A_81], %add3A_84 : memref<8192xi32, #tpu.memory_space<vmem>>[vector<16xi32>], vector<16xi32>,
      %add3A_85 = arith.constant 6 : i32
      %add3A_86 = vector.broadcast %add3A_85 : i32 to vector<16xi32>
      %add3A_87 = arith.addi %add3A_48, %add3A_86 : vector<16xi32>
      %add3A_88 = arith.constant 1572864 : i32
      %add3A_89 = vector.broadcast %add3A_88 : i32 to vector<16xi32>
      %add3A_90 = arith.addi %add3A_39, %add3A_89 : vector<16xi32>
      tpu.vector_store_idx %arg10[%add3A_87], %add3A_90 : memref<8192xi32, #tpu.memory_space<vmem>>[vector<16xi32>], vector<16xi32>,
      %add3A_91 = arith.constant 7 : i32
      %add3A_92 = vector.broadcast %add3A_91 : i32 to vector<16xi32>
      %add3A_93 = arith.addi %add3A_48, %add3A_92 : vector<16xi32>
      %add3A_94 = arith.constant 1572992 : i32
      %add3A_95 = vector.broadcast %add3A_94 : i32 to vector<16xi32>
      %add3A_96 = arith.addi %add3A_39, %add3A_95 : vector<16xi32>
      tpu.vector_store_idx %arg10[%add3A_93], %add3A_96 : memref<8192xi32, #tpu.memory_space<vmem>>[vector<16xi32>], vector<16xi32>,
      %add3A_97 = arith.constant 8 : i32
      %add3A_98 = vector.broadcast %add3A_97 : i32 to vector<16xi32>
      %add3A_99 = arith.addi %add3A_48, %add3A_98 : vector<16xi32>
      %add3A_100 = arith.constant 2097152 : i32
      %add3A_101 = vector.broadcast %add3A_100 : i32 to vector<16xi32>
      %add3A_102 = arith.addi %add3A_39, %add3A_101 : vector<16xi32>
      tpu.vector_store_idx %arg10[%add3A_99], %add3A_102 : memref<8192xi32, #tpu.memory_space<vmem>>[vector<16xi32>], vector<16xi32>,
      %add3A_103 = arith.constant 9 : i32
      %add3A_104 = vector.broadcast %add3A_103 : i32 to vector<16xi32>
      %add3A_105 = arith.addi %add3A_48, %add3A_104 : vector<16xi32>
      %add3A_106 = arith.constant 2097280 : i32
      %add3A_107 = vector.broadcast %add3A_106 : i32 to vector<16xi32>
      %add3A_108 = arith.addi %add3A_39, %add3A_107 : vector<16xi32>
      tpu.vector_store_idx %arg10[%add3A_105], %add3A_108 : memref<8192xi32, #tpu.memory_space<vmem>>[vector<16xi32>], vector<16xi32>,
      %add3A_109 = arith.constant 10 : i32
      %add3A_110 = vector.broadcast %add3A_109 : i32 to vector<16xi32>
      %add3A_111 = arith.addi %add3A_48, %add3A_110 : vector<16xi32>
      %add3A_112 = arith.constant 2621440 : i32
      %add3A_113 = vector.broadcast %add3A_112 : i32 to vector<16xi32>
      %add3A_114 = arith.addi %add3A_39, %add3A_113 : vector<16xi32>
      tpu.vector_store_idx %arg10[%add3A_111], %add3A_114 : memref<8192xi32, #tpu.memory_space<vmem>>[vector<16xi32>], vector<16xi32>,
      %add3A_115 = arith.constant 11 : i32
      %add3A_116 = vector.broadcast %add3A_115 : i32 to vector<16xi32>
      %add3A_117 = arith.addi %add3A_48, %add3A_116 : vector<16xi32>
      %add3A_118 = arith.constant 2621568 : i32
      %add3A_119 = vector.broadcast %add3A_118 : i32 to vector<16xi32>
      %add3A_120 = arith.addi %add3A_39, %add3A_119 : vector<16xi32>
      tpu.vector_store_idx %arg10[%add3A_117], %add3A_120 : memref<8192xi32, #tpu.memory_space<vmem>>[vector<16xi32>], vector<16xi32>,
      %add3A_121 = arith.constant 12 : i32
      %add3A_122 = vector.broadcast %add3A_121 : i32 to vector<16xi32>
      %add3A_123 = arith.addi %add3A_48, %add3A_122 : vector<16xi32>
      %add3A_124 = arith.constant 3145728 : i32
      %add3A_125 = vector.broadcast %add3A_124 : i32 to vector<16xi32>
      %add3A_126 = arith.addi %add3A_39, %add3A_125 : vector<16xi32>
      tpu.vector_store_idx %arg10[%add3A_123], %add3A_126 : memref<8192xi32, #tpu.memory_space<vmem>>[vector<16xi32>], vector<16xi32>,
      %add3A_127 = arith.constant 13 : i32
      %add3A_128 = vector.broadcast %add3A_127 : i32 to vector<16xi32>
      %add3A_129 = arith.addi %add3A_48, %add3A_128 : vector<16xi32>
      %add3A_130 = arith.constant 3145856 : i32
      %add3A_131 = vector.broadcast %add3A_130 : i32 to vector<16xi32>
      %add3A_132 = arith.addi %add3A_39, %add3A_131 : vector<16xi32>
      tpu.vector_store_idx %arg10[%add3A_129], %add3A_132 : memref<8192xi32, #tpu.memory_space<vmem>>[vector<16xi32>], vector<16xi32>,
      %add3A_133 = arith.constant 14 : i32
      %add3A_134 = vector.broadcast %add3A_133 : i32 to vector<16xi32>
      %add3A_135 = arith.addi %add3A_48, %add3A_134 : vector<16xi32>
      %add3A_136 = arith.constant 3670016 : i32
      %add3A_137 = vector.broadcast %add3A_136 : i32 to vector<16xi32>
      %add3A_138 = arith.addi %add3A_39, %add3A_137 : vector<16xi32>
      tpu.vector_store_idx %arg10[%add3A_135], %add3A_138 : memref<8192xi32, #tpu.memory_space<vmem>>[vector<16xi32>], vector<16xi32>,
      %add3A_139 = arith.constant 15 : i32
      %add3A_140 = vector.broadcast %add3A_139 : i32 to vector<16xi32>
      %add3A_141 = arith.addi %add3A_48, %add3A_140 : vector<16xi32>
      %add3A_142 = arith.constant 3670144 : i32
      %add3A_143 = vector.broadcast %add3A_142 : i32 to vector<16xi32>
      %add3A_144 = arith.addi %add3A_39, %add3A_143 : vector<16xi32>
      tpu.vector_store_idx %arg10[%add3A_141], %add3A_144 : memref<8192xi32, #tpu.memory_space<vmem>>[vector<16xi32>], vector<16xi32>,
    }
    %scan3A_12 = arith.constant 32 : i32
    %dma_start3A_13 = arith.constant 0 : i32
    %dma_start3A_14 = tpu.memref_slice %arg4[%dma_start3A_13] : memref<4194304xf32, #tpu.memory_space<hbm>> -> memref<4194304xf32, #tpu.memory_space<hbm>>
    tpu.enqueue_indirect_dma source(%dma_start3A_14 : memref<4194304xf32, #tpu.memory_space<hbm>>) target(%arg11 : memref<8192xf32, #tpu.memory_space<vmem>>) offsets(%arg10 : memref<8192xi32, #tpu.memory_space<vmem>>) semaphore(%arg14 : memref<!tpu.dma_semaphore, #tpu.memory_space<semaphore_mem>>)
    %dma_wait3A = arith.constant 0 : i32
    %dma_wait3A_15 = tpu.memref_slice %arg3[%dma_wait3A] : memref<2097152xi32, #tpu.memory_space<hbm>> -> memref<2097152xi32, #tpu.memory_space<hbm>>
    tpu.wait_indirect_dma semaphore(%arg13 : memref<!tpu.dma_semaphore, #tpu.memory_space<semaphore_mem>>) src(%dma_wait3A_15 : memref<2097152xi32, #tpu.memory_space<hbm>>) dst(%arg9 : memref<4096xi32, #tpu.memory_space<vmem>>)
    %mul3A_16 = arith.constant 8 : i32
    %mul3A_17 = arith.muli %mul3A_2, %mul3A_16 : i32
    "tpu.region"() ({
      %run_scoped3A = tpu.sem_alloc : memref<!tpu.dma_semaphore, #tpu.memory_space<semaphore_mem>>
      %dma_start3A_25 = tpu.memref_slice %arg5[%mul3A_17] : memref<131072xi32, #tpu.memory_space<hbm>> -> memref<4096xi32, #tpu.memory_space<hbm>>
      %dma_start3A_26 = tpu.memref_slice %arg5[%mul3A_17] : memref<131072xi32, #tpu.memory_space<hbm>> -> memref<4096xi32, #tpu.memory_space<hbm>>
      tpu.enqueue_dma source(%arg9 : memref<4096xi32, #tpu.memory_space<vmem>>) target(%dma_start3A_26 : memref<4096xi32, #tpu.memory_space<hbm>>) target_semaphore(%run_scoped3A : memref<!tpu.dma_semaphore, #tpu.memory_space<semaphore_mem>>)
      %dma_wait3A_27 = tpu.memref_slice %arg5[%mul3A_17] : memref<131072xi32, #tpu.memory_space<hbm>> -> memref<4096xi32, #tpu.memory_space<hbm>>
      %dma_wait3A_28 = tpu.memref_slice %arg5[%mul3A_17] : memref<131072xi32, #tpu.memory_space<hbm>> -> memref<4096xi32, #tpu.memory_space<hbm>>
      tpu.wait_dma2 semaphore(%run_scoped3A : memref<!tpu.dma_semaphore, #tpu.memory_space<semaphore_mem>>) src(%arg9 : memref<4096xi32, #tpu.memory_space<vmem>>) dst(%dma_wait3A_28 : memref<4096xi32, #tpu.memory_space<hbm>>)
      tpu.yield
    }) : () -> ()
    %dma_wait3A_18 = arith.constant 0 : i32
    %dma_wait3A_19 = tpu.memref_slice %arg4[%dma_wait3A_18] : memref<4194304xf32, #tpu.memory_space<hbm>> -> memref<4194304xf32, #tpu.memory_space<hbm>>
    tpu.wait_indirect_dma semaphore(%arg14 : memref<!tpu.dma_semaphore, #tpu.memory_space<semaphore_mem>>) src(%dma_wait3A_19 : memref<4194304xf32, #tpu.memory_space<hbm>>) dst(%arg11 : memref<8192xf32, #tpu.memory_space<vmem>>)
    %scan3A_20 = arith.constant 0 : i32
    %scan3A_21 = arith.constant 512 : i32
    %scan3A_22 = arith.addi %scan3A_20, %scan3A_21 : i32
    %scan3A_23 = arith.constant 1 : i32
    scf.for %scan3A_25 = %scan3A_20 to %scan3A_22 step %scan3A_23  : i32 {
      %mul3A_26 = arith.constant 1 : i32
      %mul3A_27 = arith.muli %scan3A_25, %mul3A_26 : i32
      %add3A_28 = arith.constant 0 : i32
      %add3A_29 = arith.addi %add3A_28, %mul3A_27 : i32
      %mul3A_30 = arith.constant 16 : i32
      %mul3A_31 = arith.muli %add3A_29, %mul3A_30 : i32
      %get3A = arith.index_cast %mul3A_31 : i32 to index
      %get3A_32 = tpu.vector_load %arg11[%get3A] {strides = array<i32>} : memref<8192xf32, #tpu.memory_space<vmem>>, vector<16xf32>,
      %swap3A = arith.index_cast %add3A_29 : i32 to index
      %swap3A_33 = arith.constant 0 : index
      %swap3A_34 = tpu.vector_load %arg12[%swap3A, %swap3A_33] {strides = array<i32>} : memref<512x16xf32, #tpu.memory_space<vmem>>, vector<16xf32>,
      tpu.vector_store %arg12[%swap3A, %swap3A_33], %get3A_32 {strides = array<i32>} : memref<512x16xf32, #tpu.memory_space<vmem>>, vector<16xf32>,
    }
    %scan3A_24 = arith.constant 512 : i32
    "tpu.region"() ({
      %run_scoped3A = tpu.sem_alloc : memref<!tpu.dma_semaphore, #tpu.memory_space<semaphore_mem>>
      %dma_start3A_25 = arith.constant 0 : i32
      %dma_start3A_26 = tpu.memref_slice %arg6[%mul3A_2, %dma_start3A_25] : memref<16384x16xf32, #tpu.memory_space<hbm>> -> memref<512x16xf32, #tpu.memory_space<hbm>>
      %dma_start3A_27 = arith.constant 0 : i32
      %dma_start3A_28 = tpu.memref_slice %arg6[%mul3A_2, %dma_start3A_27] : memref<16384x16xf32, #tpu.memory_space<hbm>> -> memref<512x16xf32, #tpu.memory_space<hbm>>
      tpu.enqueue_dma source(%arg12 : memref<512x16xf32, #tpu.memory_space<vmem>>) target(%dma_start3A_28 : memref<512x16xf32, #tpu.memory_space<hbm>>) target_semaphore(%run_scoped3A : memref<!tpu.dma_semaphore, #tpu.memory_space<semaphore_mem>>)
      %dma_wait3A_29 = arith.constant 0 : i32
      %dma_wait3A_30 = tpu.memref_slice %arg6[%mul3A_2, %dma_wait3A_29] : memref<16384x16xf32, #tpu.memory_space<hbm>> -> memref<512x16xf32, #tpu.memory_space<hbm>>
      %dma_wait3A_31 = arith.constant 0 : i32
      %dma_wait3A_32 = tpu.memref_slice %arg6[%mul3A_2, %dma_wait3A_31] : memref<16384x16xf32, #tpu.memory_space<hbm>> -> memref<512x16xf32, #tpu.memory_space<hbm>>
      tpu.wait_dma2 semaphore(%run_scoped3A : memref<!tpu.dma_semaphore, #tpu.memory_space<semaphore_mem>>) src(%arg12 : memref<512x16xf32, #tpu.memory_space<vmem>>) dst(%dma_wait3A_32 : memref<512x16xf32, #tpu.memory_space<hbm>>)
      tpu.yield
    }) : () -> ()
    return
  }
}

#map = affine_map<(d0, d1) -> (0)>
#map1 = affine_map<(d0, d1) -> (0, 0)>
module attributes {stable_mosaic.version = 14 : i64} {
  func.func @stage_b(%arg0: i32, %arg1: i32, %arg2: memref<131072xi32, #tpu.memory_space<hbm>>, %arg3: memref<16384x16xf32, #tpu.memory_space<hbm>>, %arg4: memref<400000x16xf32, #tpu.memory_space<hbm>>, %arg5: memref<540672x16xf32, #tpu.memory_space<hbm>>, %arg6: memref<4096xi32, #tpu.memory_space<vmem>>, %arg7: memref<512x16xf32, #tpu.memory_space<vmem>>, %arg8: memref<3x2048xi32, #tpu.memory_space<vmem>>, %arg9: memref<3x2048x16xf32, #tpu.memory_space<vmem>>, %arg10: memref<2048xi32, #tpu.memory_space<vmem>>, %arg11: memref<512xi32, #tpu.memory_space<vmem>>, %arg12: memref<!tpu.dma_semaphore, #tpu.memory_space<semaphore_mem>>, %arg13: memref<!tpu.dma_semaphore, #tpu.memory_space<semaphore_mem>>, %arg14: memref<!tpu.dma_semaphore, #tpu.memory_space<semaphore_mem>>, %arg15: memref<!tpu.dma_semaphore, #tpu.memory_space<semaphore_mem>>, %arg16: memref<!tpu.dma_semaphore, #tpu.memory_space<semaphore_mem>>, %arg17: memref<!tpu.dma_semaphore, #tpu.memory_space<semaphore_mem>>, %arg18: memref<!tpu.dma_semaphore, #tpu.memory_space<semaphore_mem>>) attributes {dimension_semantics = [#tpu.dimension_semantics<core_parallel>, #tpu.dimension_semantics<subcore_parallel>], iteration_bounds = array<i64: 2, 16>, scalar_prefetch = 0 : i64, scratch_operands = 13 : i64, tpu.core_type = #tpu.core_type<sc_vector_subcore>, window_params = [{transform_indices = #map}, {transform_indices = #map1}, {transform_indices = #map1}, {transform_indices = #map1}]} {
    %mul3A = arith.constant 2 : i32
    %mul3A_0 = arith.muli %arg1, %mul3A : i32
    %add3A = arith.addi %mul3A_0, %arg0 : i32
    %mul3A_1 = arith.constant 512 : i32
    %mul3A_2 = arith.muli %add3A, %mul3A_1 : i32
    %iota3A = tpu.iota {dimensions = array<i32: 0>} : vector<16xi32>
    %mul3A_3 = arith.constant 8 : i32
    %mul3A_4 = arith.muli %mul3A_2, %mul3A_3 : i32
    "tpu.region"() ({
      %run_scoped3A = tpu.sem_alloc : memref<!tpu.dma_semaphore, #tpu.memory_space<semaphore_mem>>
      %dma_start3A_450 = tpu.memref_slice %arg2[%mul3A_4] : memref<131072xi32, #tpu.memory_space<hbm>> -> memref<4096xi32, #tpu.memory_space<hbm>>
      %dma_start3A_451 = tpu.memref_slice %arg2[%mul3A_4] : memref<131072xi32, #tpu.memory_space<hbm>> -> memref<4096xi32, #tpu.memory_space<hbm>>
      tpu.enqueue_dma source(%dma_start3A_451 : memref<4096xi32, #tpu.memory_space<hbm>>) target(%arg6 : memref<4096xi32, #tpu.memory_space<vmem>>) target_semaphore(%run_scoped3A : memref<!tpu.dma_semaphore, #tpu.memory_space<semaphore_mem>>)
      %dma_wait3A_452 = tpu.memref_slice %arg2[%mul3A_4] : memref<131072xi32, #tpu.memory_space<hbm>> -> memref<4096xi32, #tpu.memory_space<hbm>>
      %dma_wait3A_453 = tpu.memref_slice %arg2[%mul3A_4] : memref<131072xi32, #tpu.memory_space<hbm>> -> memref<4096xi32, #tpu.memory_space<hbm>>
      tpu.wait_dma2 semaphore(%run_scoped3A : memref<!tpu.dma_semaphore, #tpu.memory_space<semaphore_mem>>) src(%dma_wait3A_453 : memref<4096xi32, #tpu.memory_space<hbm>>) dst(%arg6 : memref<4096xi32, #tpu.memory_space<vmem>>)
      tpu.yield
    }) : () -> ()
    %dma_start3A = arith.constant 0 : i32
    %dma_start3A_5 = tpu.memref_slice %arg3[%mul3A_2, %dma_start3A] : memref<16384x16xf32, #tpu.memory_space<hbm>> -> memref<512x16xf32, #tpu.memory_space<hbm>>
    %dma_start3A_6 = arith.constant 0 : i32
    %dma_start3A_7 = tpu.memref_slice %arg3[%mul3A_2, %dma_start3A_6] : memref<16384x16xf32, #tpu.memory_space<hbm>> -> memref<512x16xf32, #tpu.memory_space<hbm>>
    tpu.enqueue_dma source(%dma_start3A_7 : memref<512x16xf32, #tpu.memory_space<hbm>>) target(%arg7 : memref<512x16xf32, #tpu.memory_space<vmem>>) target_semaphore(%arg18 : memref<!tpu.dma_semaphore, #tpu.memory_space<semaphore_mem>>)
    %scan3A = arith.constant 0 : i32
    %scan3A_8 = arith.constant 128 : i32
    %scan3A_9 = arith.addi %scan3A, %scan3A_8 : i32
    %scan3A_10 = arith.constant 1 : i32
    scf.for %scan3A_450 = %scan3A to %scan3A_9 step %scan3A_10  : i32 {
      %mul3A_451 = arith.constant 1 : i32
      %mul3A_452 = arith.muli %scan3A_450, %mul3A_451 : i32
      %add3A_453 = arith.constant 0 : i32
      %add3A_454 = arith.addi %add3A_453, %mul3A_452 : i32
      %shift_right_logical3A = arith.constant 1 : i32
      %shift_right_logical3A_455 = arith.shrui %add3A_454, %shift_right_logical3A : i32
      %and3A = arith.constant 1 : i32
      %and3A_456 = arith.andi %add3A_454, %and3A : i32
      %shift_left3A = arith.constant 4 : i32
      %shift_left3A_457 = arith.shli %and3A_456, %shift_left3A : i32
      %mul3A_458 = arith.constant 33 : i32
      %mul3A_459 = arith.muli %shift_right_logical3A_455, %mul3A_458 : i32
      %add3A_460 = arith.addi %mul3A_459, %shift_left3A_457 : i32
      %add3A_461 = vector.broadcast %add3A_460 : i32 to vector<16xi32>
      %add3A_462 = arith.addi %iota3A, %add3A_461 : vector<16xi32>
      %mul3A_463 = arith.constant 16 : i32
      %mul3A_464 = arith.muli %add3A_454, %mul3A_463 : i32
      %swap3A = arith.index_cast %mul3A_464 : i32 to index
      %swap3A_465 = tpu.vector_load %arg10[%swap3A] {strides = array<i32>} : memref<2048xi32, #tpu.memory_space<vmem>>, vector<16xi32>,
      tpu.vector_store %arg10[%swap3A], %add3A_462 {strides = array<i32>} : memref<2048xi32, #tpu.memory_space<vmem>>, vector<16xi32>,
    }
    %scan3A_11 = arith.constant 128 : i32
    %scan3A_12 = arith.constant 0 : i32
    %scan3A_13 = arith.constant 32 : i32
    %scan3A_14 = arith.addi %scan3A_12, %scan3A_13 : i32
    %scan3A_15 = arith.constant 1 : i32
    scf.for %scan3A_450 = %scan3A_12 to %scan3A_14 step %scan3A_15  : i32 {
      %mul3A_451 = arith.constant 1 : i32
      %mul3A_452 = arith.muli %scan3A_450, %mul3A_451 : i32
      %add3A_453 = arith.constant 0 : i32
      %add3A_454 = arith.addi %add3A_453, %mul3A_452 : i32
      %mul3A_455 = arith.constant 16 : i32
      %mul3A_456 = arith.muli %add3A_454, %mul3A_455 : i32
      %add3A_457 = arith.constant 0 : i32
      %add3A_458 = arith.addi %add3A_457, %mul3A_456 : i32
      %get3A = arith.index_cast %add3A_458 : i32 to index
      %get3A_459 = tpu.vector_load %arg6[%get3A] {strides = array<i32>} : memref<4096xi32, #tpu.memory_space<vmem>>, vector<16xi32>,
      %mul3A_460 = arith.constant 4 : i32
      %mul3A_461 = vector.broadcast %mul3A_460 : i32 to vector<16xi32>
      %mul3A_462 = arith.muli %get3A_459, %mul3A_461 : vector<16xi32>
      %mul3A_463 = arith.constant 4 : i32
      %mul3A_464 = vector.broadcast %mul3A_463 : i32 to vector<16xi32>
      %mul3A_465 = arith.muli %iota3A, %mul3A_464 : vector<16xi32>
      %mul3A_466 = arith.constant 16 : i32
      %mul3A_467 = arith.muli %add3A_454, %mul3A_466 : i32
      %mul3A_468 = arith.constant 4 : i32
      %mul3A_469 = arith.muli %mul3A_467, %mul3A_468 : i32
      %add3A_470 = vector.broadcast %mul3A_469 : i32 to vector<16xi32>
      %add3A_471 = arith.addi %mul3A_465, %add3A_470 : vector<16xi32>
      %add3A_472 = arith.constant 0 : i32
      %add3A_473 = vector.broadcast %add3A_472 : i32 to vector<16xi32>
      %add3A_474 = arith.addi %add3A_471, %add3A_473 : vector<16xi32>
      %add3A_475 = arith.constant 0 : i32
      %add3A_476 = vector.broadcast %add3A_475 : i32 to vector<16xi32>
      %add3A_477 = arith.addi %mul3A_462, %add3A_476 : vector<16xi32>
      %scatter3A = arith.constant 0 : i32
      %scatter3A_478 = arith.constant 0 : i32
      %scatter3A_479 = tpu.memref_slice %arg8[%scatter3A, %scatter3A_478] : memref<3x2048xi32, #tpu.memory_space<vmem>> -> memref<1x2048xi32, #tpu.memory_space<vmem>>
      %scatter3A_480 = tpu.memref_squeeze %scatter3A_479 : memref<1x2048xi32, #tpu.memory_space<vmem>> -> memref<2048xi32, #tpu.memory_space<vmem>>
      tpu.vector_store_idx %scatter3A_480[%add3A_474], %add3A_477 : memref<2048xi32, #tpu.memory_space<vmem>>[vector<16xi32>], vector<16xi32>,
      %add3A_481 = arith.constant 1 : i32
      %add3A_482 = vector.broadcast %add3A_481 : i32 to vector<16xi32>
      %add3A_483 = arith.addi %add3A_471, %add3A_482 : vector<16xi32>
      %add3A_484 = arith.constant 1 : i32
      %add3A_485 = vector.broadcast %add3A_484 : i32 to vector<16xi32>
      %add3A_486 = arith.addi %mul3A_462, %add3A_485 : vector<16xi32>
      %scatter3A_487 = arith.constant 0 : i32
      %scatter3A_488 = arith.constant 0 : i32
      %scatter3A_489 = tpu.memref_slice %arg8[%scatter3A_487, %scatter3A_488] : memref<3x2048xi32, #tpu.memory_space<vmem>> -> memref<1x2048xi32, #tpu.memory_space<vmem>>
      %scatter3A_490 = tpu.memref_squeeze %scatter3A_489 : memref<1x2048xi32, #tpu.memory_space<vmem>> -> memref<2048xi32, #tpu.memory_space<vmem>>
      tpu.vector_store_idx %scatter3A_490[%add3A_483], %add3A_486 : memref<2048xi32, #tpu.memory_space<vmem>>[vector<16xi32>], vector<16xi32>,
      %add3A_491 = arith.constant 2 : i32
      %add3A_492 = vector.broadcast %add3A_491 : i32 to vector<16xi32>
      %add3A_493 = arith.addi %add3A_471, %add3A_492 : vector<16xi32>
      %add3A_494 = arith.constant 2 : i32
      %add3A_495 = vector.broadcast %add3A_494 : i32 to vector<16xi32>
      %add3A_496 = arith.addi %mul3A_462, %add3A_495 : vector<16xi32>
      %scatter3A_497 = arith.constant 0 : i32
      %scatter3A_498 = arith.constant 0 : i32
      %scatter3A_499 = tpu.memref_slice %arg8[%scatter3A_497, %scatter3A_498] : memref<3x2048xi32, #tpu.memory_space<vmem>> -> memref<1x2048xi32, #tpu.memory_space<vmem>>
      %scatter3A_500 = tpu.memref_squeeze %scatter3A_499 : memref<1x2048xi32, #tpu.memory_space<vmem>> -> memref<2048xi32, #tpu.memory_space<vmem>>
      tpu.vector_store_idx %scatter3A_500[%add3A_493], %add3A_496 : memref<2048xi32, #tpu.memory_space<vmem>>[vector<16xi32>], vector<16xi32>,
      %add3A_501 = arith.constant 3 : i32
      %add3A_502 = vector.broadcast %add3A_501 : i32 to vector<16xi32>
      %add3A_503 = arith.addi %add3A_471, %add3A_502 : vector<16xi32>
      %add3A_504 = arith.constant 3 : i32
      %add3A_505 = vector.broadcast %add3A_504 : i32 to vector<16xi32>
      %add3A_506 = arith.addi %mul3A_462, %add3A_505 : vector<16xi32>
      %scatter3A_507 = arith.constant 0 : i32
      %scatter3A_508 = arith.constant 0 : i32
      %scatter3A_509 = tpu.memref_slice %arg8[%scatter3A_507, %scatter3A_508] : memref<3x2048xi32, #tpu.memory_space<vmem>> -> memref<1x2048xi32, #tpu.memory_space<vmem>>
      %scatter3A_510 = tpu.memref_squeeze %scatter3A_509 : memref<1x2048xi32, #tpu.memory_space<vmem>> -> memref<2048xi32, #tpu.memory_space<vmem>>
      tpu.vector_store_idx %scatter3A_510[%add3A_503], %add3A_506 : memref<2048xi32, #tpu.memory_space<vmem>>[vector<16xi32>], vector<16xi32>,
    }
    %scan3A_16 = arith.constant 32 : i32
    %dma_start3A_17 = arith.constant 0 : i32
    %dma_start3A_18 = arith.constant 0 : i32
    %dma_start3A_19 = arith.constant 0 : i32
    %dma_start3A_20 = arith.constant 0 : i32
    %dma_start3A_21 = tpu.memref_slice %arg9[%dma_start3A_18, %dma_start3A_19, %dma_start3A_20] : memref<3x2048x16xf32, #tpu.memory_space<vmem>> -> memref<1x2048x16xf32, #tpu.memory_space<vmem>>
    %dma_start3A_22 = tpu.memref_squeeze %dma_start3A_21 : memref<1x2048x16xf32, #tpu.memory_space<vmem>> -> memref<2048x16xf32, #tpu.memory_space<vmem>>
    %dma_start3A_23 = arith.constant 0 : i32
    %dma_start3A_24 = tpu.memref_slice %arg8[%dma_start3A_17, %dma_start3A_23] : memref<3x2048xi32, #tpu.memory_space<vmem>> -> memref<1x2048xi32, #tpu.memory_space<vmem>>
    %dma_start3A_25 = tpu.memref_squeeze %dma_start3A_24 : memref<1x2048xi32, #tpu.memory_space<vmem>> -> memref<2048xi32, #tpu.memory_space<vmem>>
    %dma_start3A_26 = arith.constant 0 : i32
    %dma_start3A_27 = arith.constant 0 : i32
    %dma_start3A_28 = tpu.memref_slice %arg4[%dma_start3A_26, %dma_start3A_27] : memref<400000x16xf32, #tpu.memory_space<hbm>> -> memref<400000x16xf32, #tpu.memory_space<hbm>>
    tpu.enqueue_indirect_dma source(%dma_start3A_28 : memref<400000x16xf32, #tpu.memory_space<hbm>>) target(%dma_start3A_22 : memref<2048x16xf32, #tpu.memory_space<vmem>>) offsets(%dma_start3A_25 : memref<2048xi32, #tpu.memory_space<vmem>>) semaphore(%arg12 : memref<!tpu.dma_semaphore, #tpu.memory_space<semaphore_mem>>)
    %scan3A_29 = arith.constant 0 : i32
    %scan3A_30 = arith.constant 32 : i32
    %scan3A_31 = arith.addi %scan3A_29, %scan3A_30 : i32
    %scan3A_32 = arith.constant 1 : i32
    scf.for %scan3A_450 = %scan3A_29 to %scan3A_31 step %scan3A_32  : i32 {
      %mul3A_451 = arith.constant 1 : i32
      %mul3A_452 = arith.muli %scan3A_450, %mul3A_451 : i32
      %add3A_453 = arith.constant 0 : i32
      %add3A_454 = arith.addi %add3A_453, %mul3A_452 : i32
      %mul3A_455 = arith.constant 16 : i32
      %mul3A_456 = arith.muli %add3A_454, %mul3A_455 : i32
      %add3A_457 = arith.constant 512 : i32
      %add3A_458 = arith.addi %add3A_457, %mul3A_456 : i32
      %get3A = arith.index_cast %add3A_458 : i32 to index
      %get3A_459 = tpu.vector_load %arg6[%get3A] {strides = array<i32>} : memref<4096xi32, #tpu.memory_space<vmem>>, vector<16xi32>,
      %mul3A_460 = arith.constant 4 : i32
      %mul3A_461 = vector.broadcast %mul3A_460 : i32 to vector<16xi32>
      %mul3A_462 = arith.muli %get3A_459, %mul3A_461 : vector<16xi32>
      %mul3A_463 = arith.constant 4 : i32
      %mul3A_464 = vector.broadcast %mul3A_463 : i32 to vector<16xi32>
      %mul3A_465 = arith.muli %iota3A, %mul3A_464 : vector<16xi32>
      %mul3A_466 = arith.constant 16 : i32
      %mul3A_467 = arith.muli %add3A_454, %mul3A_466 : i32
      %mul3A_468 = arith.constant 4 : i32
      %mul3A_469 = arith.muli %mul3A_467, %mul3A_468 : i32
      %add3A_470 = vector.broadcast %mul3A_469 : i32 to vector<16xi32>
      %add3A_471 = arith.addi %mul3A_465, %add3A_470 : vector<16xi32>
      %add3A_472 = arith.constant 0 : i32
      %add3A_473 = vector.broadcast %add3A_472 : i32 to vector<16xi32>
      %add3A_474 = arith.addi %add3A_471, %add3A_473 : vector<16xi32>
      %add3A_475 = arith.constant 0 : i32
      %add3A_476 = vector.broadcast %add3A_475 : i32 to vector<16xi32>
      %add3A_477 = arith.addi %mul3A_462, %add3A_476 : vector<16xi32>
      %scatter3A = arith.constant 1 : i32
      %scatter3A_478 = arith.constant 0 : i32
      %scatter3A_479 = tpu.memref_slice %arg8[%scatter3A, %scatter3A_478] : memref<3x2048xi32, #tpu.memory_space<vmem>> -> memref<1x2048xi32, #tpu.memory_space<vmem>>
      %scatter3A_480 = tpu.memref_squeeze %scatter3A_479 : memref<1x2048xi32, #tpu.memory_space<vmem>> -> memref<2048xi32, #tpu.memory_space<vmem>>
      tpu.vector_store_idx %scatter3A_480[%add3A_474], %add3A_477 : memref<2048xi32, #tpu.memory_space<vmem>>[vector<16xi32>], vector<16xi32>,
      %add3A_481 = arith.constant 1 : i32
      %add3A_482 = vector.broadcast %add3A_481 : i32 to vector<16xi32>
      %add3A_483 = arith.addi %add3A_471, %add3A_482 : vector<16xi32>
      %add3A_484 = arith.constant 1 : i32
      %add3A_485 = vector.broadcast %add3A_484 : i32 to vector<16xi32>
      %add3A_486 = arith.addi %mul3A_462, %add3A_485 : vector<16xi32>
      %scatter3A_487 = arith.constant 1 : i32
      %scatter3A_488 = arith.constant 0 : i32
      %scatter3A_489 = tpu.memref_slice %arg8[%scatter3A_487, %scatter3A_488] : memref<3x2048xi32, #tpu.memory_space<vmem>> -> memref<1x2048xi32, #tpu.memory_space<vmem>>
      %scatter3A_490 = tpu.memref_squeeze %scatter3A_489 : memref<1x2048xi32, #tpu.memory_space<vmem>> -> memref<2048xi32, #tpu.memory_space<vmem>>
      tpu.vector_store_idx %scatter3A_490[%add3A_483], %add3A_486 : memref<2048xi32, #tpu.memory_space<vmem>>[vector<16xi32>], vector<16xi32>,
      %add3A_491 = arith.constant 2 : i32
      %add3A_492 = vector.broadcast %add3A_491 : i32 to vector<16xi32>
      %add3A_493 = arith.addi %add3A_471, %add3A_492 : vector<16xi32>
      %add3A_494 = arith.constant 2 : i32
      %add3A_495 = vector.broadcast %add3A_494 : i32 to vector<16xi32>
      %add3A_496 = arith.addi %mul3A_462, %add3A_495 : vector<16xi32>
      %scatter3A_497 = arith.constant 1 : i32
      %scatter3A_498 = arith.constant 0 : i32
      %scatter3A_499 = tpu.memref_slice %arg8[%scatter3A_497, %scatter3A_498] : memref<3x2048xi32, #tpu.memory_space<vmem>> -> memref<1x2048xi32, #tpu.memory_space<vmem>>
      %scatter3A_500 = tpu.memref_squeeze %scatter3A_499 : memref<1x2048xi32, #tpu.memory_space<vmem>> -> memref<2048xi32, #tpu.memory_space<vmem>>
      tpu.vector_store_idx %scatter3A_500[%add3A_493], %add3A_496 : memref<2048xi32, #tpu.memory_space<vmem>>[vector<16xi32>], vector<16xi32>,
      %add3A_501 = arith.constant 3 : i32
      %add3A_502 = vector.broadcast %add3A_501 : i32 to vector<16xi32>
      %add3A_503 = arith.addi %add3A_471, %add3A_502 : vector<16xi32>
      %add3A_504 = arith.constant 3 : i32
      %add3A_505 = vector.broadcast %add3A_504 : i32 to vector<16xi32>
      %add3A_506 = arith.addi %mul3A_462, %add3A_505 : vector<16xi32>
      %scatter3A_507 = arith.constant 1 : i32
      %scatter3A_508 = arith.constant 0 : i32
      %scatter3A_509 = tpu.memref_slice %arg8[%scatter3A_507, %scatter3A_508] : memref<3x2048xi32, #tpu.memory_space<vmem>> -> memref<1x2048xi32, #tpu.memory_space<vmem>>
      %scatter3A_510 = tpu.memref_squeeze %scatter3A_509 : memref<1x2048xi32, #tpu.memory_space<vmem>> -> memref<2048xi32, #tpu.memory_space<vmem>>
      tpu.vector_store_idx %scatter3A_510[%add3A_503], %add3A_506 : memref<2048xi32, #tpu.memory_space<vmem>>[vector<16xi32>], vector<16xi32>,
    }
    %scan3A_33 = arith.constant 32 : i32
    %dma_start3A_34 = arith.constant 1 : i32
    %dma_start3A_35 = arith.constant 1 : i32
    %dma_start3A_36 = arith.constant 0 : i32
    %dma_start3A_37 = arith.constant 0 : i32
    %dma_start3A_38 = tpu.memref_slice %arg9[%dma_start3A_35, %dma_start3A_36, %dma_start3A_37] : memref<3x2048x16xf32, #tpu.memory_space<vmem>> -> memref<1x2048x16xf32, #tpu.memory_space<vmem>>
    %dma_start3A_39 = tpu.memref_squeeze %dma_start3A_38 : memref<1x2048x16xf32, #tpu.memory_space<vmem>> -> memref<2048x16xf32, #tpu.memory_space<vmem>>
    %dma_start3A_40 = arith.constant 0 : i32
    %dma_start3A_41 = tpu.memref_slice %arg8[%dma_start3A_34, %dma_start3A_40] : memref<3x2048xi32, #tpu.memory_space<vmem>> -> memref<1x2048xi32, #tpu.memory_space<vmem>>
    %dma_start3A_42 = tpu.memref_squeeze %dma_start3A_41 : memref<1x2048xi32, #tpu.memory_space<vmem>> -> memref<2048xi32, #tpu.memory_space<vmem>>
    %dma_start3A_43 = arith.constant 0 : i32
    %dma_start3A_44 = arith.constant 0 : i32
    %dma_start3A_45 = tpu.memref_slice %arg4[%dma_start3A_43, %dma_start3A_44] : memref<400000x16xf32, #tpu.memory_space<hbm>> -> memref<400000x16xf32, #tpu.memory_space<hbm>>
    tpu.enqueue_indirect_dma source(%dma_start3A_45 : memref<400000x16xf32, #tpu.memory_space<hbm>>) target(%dma_start3A_39 : memref<2048x16xf32, #tpu.memory_space<vmem>>) offsets(%dma_start3A_42 : memref<2048xi32, #tpu.memory_space<vmem>>) semaphore(%arg13 : memref<!tpu.dma_semaphore, #tpu.memory_space<semaphore_mem>>)
    %dma_wait3A = arith.constant 0 : i32
    %dma_wait3A_46 = arith.constant 0 : i32
    %dma_wait3A_47 = arith.constant 0 : i32
    %dma_wait3A_48 = arith.constant 0 : i32
    %dma_wait3A_49 = tpu.memref_slice %arg9[%dma_wait3A_46, %dma_wait3A_47, %dma_wait3A_48] : memref<3x2048x16xf32, #tpu.memory_space<vmem>> -> memref<1x2048x16xf32, #tpu.memory_space<vmem>>
    %dma_wait3A_50 = tpu.memref_squeeze %dma_wait3A_49 : memref<1x2048x16xf32, #tpu.memory_space<vmem>> -> memref<2048x16xf32, #tpu.memory_space<vmem>>
    %dma_wait3A_51 = arith.constant 0 : i32
    %dma_wait3A_52 = tpu.memref_slice %arg8[%dma_wait3A, %dma_wait3A_51] : memref<3x2048xi32, #tpu.memory_space<vmem>> -> memref<1x2048xi32, #tpu.memory_space<vmem>>
    %dma_wait3A_53 = tpu.memref_squeeze %dma_wait3A_52 : memref<1x2048xi32, #tpu.memory_space<vmem>> -> memref<2048xi32, #tpu.memory_space<vmem>>
    %dma_wait3A_54 = arith.constant 0 : i32
    %dma_wait3A_55 = arith.constant 0 : i32
    %dma_wait3A_56 = tpu.memref_slice %arg4[%dma_wait3A_54, %dma_wait3A_55] : memref<400000x16xf32, #tpu.memory_space<hbm>> -> memref<400000x16xf32, #tpu.memory_space<hbm>>
    tpu.wait_indirect_dma semaphore(%arg12 : memref<!tpu.dma_semaphore, #tpu.memory_space<semaphore_mem>>) src(%dma_wait3A_56 : memref<400000x16xf32, #tpu.memory_space<hbm>>) dst(%dma_wait3A_50 : memref<2048x16xf32, #tpu.memory_space<vmem>>)
    %add3A_57 = arith.constant 0 : i32
    %add3A_58 = arith.addi %mul3A_2, %add3A_57 : i32
    %mul3A_59 = arith.constant 33 : i32
    %mul3A_60 = arith.muli %add3A_58, %mul3A_59 : i32
    %dma_start3A_61 = arith.constant 0 : i32
    %dma_start3A_62 = arith.constant 0 : i32
    %dma_start3A_63 = arith.constant 0 : i32
    %dma_start3A_64 = tpu.memref_slice %arg9[%dma_start3A_61, %dma_start3A_62, %dma_start3A_63] : memref<3x2048x16xf32, #tpu.memory_space<vmem>> -> memref<1x2048x16xf32, #tpu.memory_space<vmem>>
    %dma_start3A_65 = tpu.memref_squeeze %dma_start3A_64 : memref<1x2048x16xf32, #tpu.memory_space<vmem>> -> memref<2048x16xf32, #tpu.memory_space<vmem>>
    %dma_start3A_66 = arith.constant 0 : i32
    %dma_start3A_67 = tpu.memref_slice %arg5[%mul3A_60, %dma_start3A_66] : memref<540672x16xf32, #tpu.memory_space<hbm>> -> memref<2112x16xf32, #tpu.memory_space<hbm>>
    %dma_start3A_68 = arith.constant 0 : i32
    %dma_start3A_69 = arith.constant 0 : i32
    %dma_start3A_70 = tpu.memref_slice %dma_start3A_67[%dma_start3A_68, %dma_start3A_69] : memref<2112x16xf32, #tpu.memory_space<hbm>> -> memref<2112x16xf32, #tpu.memory_space<hbm>>
    tpu.enqueue_indirect_dma source(%dma_start3A_65 : memref<2048x16xf32, #tpu.memory_space<vmem>>) target(%dma_start3A_70 : memref<2112x16xf32, #tpu.memory_space<hbm>>) offsets(%arg10 : memref<2048xi32, #tpu.memory_space<vmem>>) semaphore(%arg15 : memref<!tpu.dma_semaphore, #tpu.memory_space<semaphore_mem>>)
    %scan3A_71 = arith.constant 0 : i32
    %scan3A_72 = arith.constant 32 : i32
    %scan3A_73 = arith.addi %scan3A_71, %scan3A_72 : i32
    %scan3A_74 = arith.constant 1 : i32
    scf.for %scan3A_450 = %scan3A_71 to %scan3A_73 step %scan3A_74  : i32 {
      %mul3A_451 = arith.constant 1 : i32
      %mul3A_452 = arith.muli %scan3A_450, %mul3A_451 : i32
      %add3A_453 = arith.constant 0 : i32
      %add3A_454 = arith.addi %add3A_453, %mul3A_452 : i32
      %mul3A_455 = arith.constant 16 : i32
      %mul3A_456 = arith.muli %add3A_454, %mul3A_455 : i32
      %add3A_457 = arith.constant 1024 : i32
      %add3A_458 = arith.addi %add3A_457, %mul3A_456 : i32
      %get3A = arith.index_cast %add3A_458 : i32 to index
      %get3A_459 = tpu.vector_load %arg6[%get3A] {strides = array<i32>} : memref<4096xi32, #tpu.memory_space<vmem>>, vector<16xi32>,
      %mul3A_460 = arith.constant 4 : i32
      %mul3A_461 = vector.broadcast %mul3A_460 : i32 to vector<16xi32>
      %mul3A_462 = arith.muli %get3A_459, %mul3A_461 : vector<16xi32>
      %mul3A_463 = arith.constant 4 : i32
      %mul3A_464 = vector.broadcast %mul3A_463 : i32 to vector<16xi32>
      %mul3A_465 = arith.muli %iota3A, %mul3A_464 : vector<16xi32>
      %mul3A_466 = arith.constant 16 : i32
      %mul3A_467 = arith.muli %add3A_454, %mul3A_466 : i32
      %mul3A_468 = arith.constant 4 : i32
      %mul3A_469 = arith.muli %mul3A_467, %mul3A_468 : i32
      %add3A_470 = vector.broadcast %mul3A_469 : i32 to vector<16xi32>
      %add3A_471 = arith.addi %mul3A_465, %add3A_470 : vector<16xi32>
      %add3A_472 = arith.constant 0 : i32
      %add3A_473 = vector.broadcast %add3A_472 : i32 to vector<16xi32>
      %add3A_474 = arith.addi %add3A_471, %add3A_473 : vector<16xi32>
      %add3A_475 = arith.constant 0 : i32
      %add3A_476 = vector.broadcast %add3A_475 : i32 to vector<16xi32>
      %add3A_477 = arith.addi %mul3A_462, %add3A_476 : vector<16xi32>
      %scatter3A = arith.constant 2 : i32
      %scatter3A_478 = arith.constant 0 : i32
      %scatter3A_479 = tpu.memref_slice %arg8[%scatter3A, %scatter3A_478] : memref<3x2048xi32, #tpu.memory_space<vmem>> -> memref<1x2048xi32, #tpu.memory_space<vmem>>
      %scatter3A_480 = tpu.memref_squeeze %scatter3A_479 : memref<1x2048xi32, #tpu.memory_space<vmem>> -> memref<2048xi32, #tpu.memory_space<vmem>>
      tpu.vector_store_idx %scatter3A_480[%add3A_474], %add3A_477 : memref<2048xi32, #tpu.memory_space<vmem>>[vector<16xi32>], vector<16xi32>,
      %add3A_481 = arith.constant 1 : i32
      %add3A_482 = vector.broadcast %add3A_481 : i32 to vector<16xi32>
      %add3A_483 = arith.addi %add3A_471, %add3A_482 : vector<16xi32>
      %add3A_484 = arith.constant 1 : i32
      %add3A_485 = vector.broadcast %add3A_484 : i32 to vector<16xi32>
      %add3A_486 = arith.addi %mul3A_462, %add3A_485 : vector<16xi32>
      %scatter3A_487 = arith.constant 2 : i32
      %scatter3A_488 = arith.constant 0 : i32
      %scatter3A_489 = tpu.memref_slice %arg8[%scatter3A_487, %scatter3A_488] : memref<3x2048xi32, #tpu.memory_space<vmem>> -> memref<1x2048xi32, #tpu.memory_space<vmem>>
      %scatter3A_490 = tpu.memref_squeeze %scatter3A_489 : memref<1x2048xi32, #tpu.memory_space<vmem>> -> memref<2048xi32, #tpu.memory_space<vmem>>
      tpu.vector_store_idx %scatter3A_490[%add3A_483], %add3A_486 : memref<2048xi32, #tpu.memory_space<vmem>>[vector<16xi32>], vector<16xi32>,
      %add3A_491 = arith.constant 2 : i32
      %add3A_492 = vector.broadcast %add3A_491 : i32 to vector<16xi32>
      %add3A_493 = arith.addi %add3A_471, %add3A_492 : vector<16xi32>
      %add3A_494 = arith.constant 2 : i32
      %add3A_495 = vector.broadcast %add3A_494 : i32 to vector<16xi32>
      %add3A_496 = arith.addi %mul3A_462, %add3A_495 : vector<16xi32>
      %scatter3A_497 = arith.constant 2 : i32
      %scatter3A_498 = arith.constant 0 : i32
      %scatter3A_499 = tpu.memref_slice %arg8[%scatter3A_497, %scatter3A_498] : memref<3x2048xi32, #tpu.memory_space<vmem>> -> memref<1x2048xi32, #tpu.memory_space<vmem>>
      %scatter3A_500 = tpu.memref_squeeze %scatter3A_499 : memref<1x2048xi32, #tpu.memory_space<vmem>> -> memref<2048xi32, #tpu.memory_space<vmem>>
      tpu.vector_store_idx %scatter3A_500[%add3A_493], %add3A_496 : memref<2048xi32, #tpu.memory_space<vmem>>[vector<16xi32>], vector<16xi32>,
      %add3A_501 = arith.constant 3 : i32
      %add3A_502 = vector.broadcast %add3A_501 : i32 to vector<16xi32>
      %add3A_503 = arith.addi %add3A_471, %add3A_502 : vector<16xi32>
      %add3A_504 = arith.constant 3 : i32
      %add3A_505 = vector.broadcast %add3A_504 : i32 to vector<16xi32>
      %add3A_506 = arith.addi %mul3A_462, %add3A_505 : vector<16xi32>
      %scatter3A_507 = arith.constant 2 : i32
      %scatter3A_508 = arith.constant 0 : i32
      %scatter3A_509 = tpu.memref_slice %arg8[%scatter3A_507, %scatter3A_508] : memref<3x2048xi32, #tpu.memory_space<vmem>> -> memref<1x2048xi32, #tpu.memory_space<vmem>>
      %scatter3A_510 = tpu.memref_squeeze %scatter3A_509 : memref<1x2048xi32, #tpu.memory_space<vmem>> -> memref<2048xi32, #tpu.memory_space<vmem>>
      tpu.vector_store_idx %scatter3A_510[%add3A_503], %add3A_506 : memref<2048xi32, #tpu.memory_space<vmem>>[vector<16xi32>], vector<16xi32>,
    }
    %scan3A_75 = arith.constant 32 : i32
    %dma_start3A_76 = arith.constant 2 : i32
    %dma_start3A_77 = arith.constant 2 : i32
    %dma_start3A_78 = arith.constant 0 : i32
    %dma_start3A_79 = arith.constant 0 : i32
    %dma_start3A_80 = tpu.memref_slice %arg9[%dma_start3A_77, %dma_start3A_78, %dma_start3A_79] : memref<3x2048x16xf32, #tpu.memory_space<vmem>> -> memref<1x2048x16xf32, #tpu.memory_space<vmem>>
    %dma_start3A_81 = tpu.memref_squeeze %dma_start3A_80 : memref<1x2048x16xf32, #tpu.memory_space<vmem>> -> memref<2048x16xf32, #tpu.memory_space<vmem>>
    %dma_start3A_82 = arith.constant 0 : i32
    %dma_start3A_83 = tpu.memref_slice %arg8[%dma_start3A_76, %dma_start3A_82] : memref<3x2048xi32, #tpu.memory_space<vmem>> -> memref<1x2048xi32, #tpu.memory_space<vmem>>
    %dma_start3A_84 = tpu.memref_squeeze %dma_start3A_83 : memref<1x2048xi32, #tpu.memory_space<vmem>> -> memref<2048xi32, #tpu.memory_space<vmem>>
    %dma_start3A_85 = arith.constant 0 : i32
    %dma_start3A_86 = arith.constant 0 : i32
    %dma_start3A_87 = tpu.memref_slice %arg4[%dma_start3A_85, %dma_start3A_86] : memref<400000x16xf32, #tpu.memory_space<hbm>> -> memref<400000x16xf32, #tpu.memory_space<hbm>>
    tpu.enqueue_indirect_dma source(%dma_start3A_87 : memref<400000x16xf32, #tpu.memory_space<hbm>>) target(%dma_start3A_81 : memref<2048x16xf32, #tpu.memory_space<vmem>>) offsets(%dma_start3A_84 : memref<2048xi32, #tpu.memory_space<vmem>>) semaphore(%arg14 : memref<!tpu.dma_semaphore, #tpu.memory_space<semaphore_mem>>)
    %dma_wait3A_88 = arith.constant 1 : i32
    %dma_wait3A_89 = arith.constant 1 : i32
    %dma_wait3A_90 = arith.constant 0 : i32
    %dma_wait3A_91 = arith.constant 0 : i32
    %dma_wait3A_92 = tpu.memref_slice %arg9[%dma_wait3A_89, %dma_wait3A_90, %dma_wait3A_91] : memref<3x2048x16xf32, #tpu.memory_space<vmem>> -> memref<1x2048x16xf32, #tpu.memory_space<vmem>>
    %dma_wait3A_93 = tpu.memref_squeeze %dma_wait3A_92 : memref<1x2048x16xf32, #tpu.memory_space<vmem>> -> memref<2048x16xf32, #tpu.memory_space<vmem>>
    %dma_wait3A_94 = arith.constant 0 : i32
    %dma_wait3A_95 = tpu.memref_slice %arg8[%dma_wait3A_88, %dma_wait3A_94] : memref<3x2048xi32, #tpu.memory_space<vmem>> -> memref<1x2048xi32, #tpu.memory_space<vmem>>
    %dma_wait3A_96 = tpu.memref_squeeze %dma_wait3A_95 : memref<1x2048xi32, #tpu.memory_space<vmem>> -> memref<2048xi32, #tpu.memory_space<vmem>>
    %dma_wait3A_97 = arith.constant 0 : i32
    %dma_wait3A_98 = arith.constant 0 : i32
    %dma_wait3A_99 = tpu.memref_slice %arg4[%dma_wait3A_97, %dma_wait3A_98] : memref<400000x16xf32, #tpu.memory_space<hbm>> -> memref<400000x16xf32, #tpu.memory_space<hbm>>
    tpu.wait_indirect_dma semaphore(%arg13 : memref<!tpu.dma_semaphore, #tpu.memory_space<semaphore_mem>>) src(%dma_wait3A_99 : memref<400000x16xf32, #tpu.memory_space<hbm>>) dst(%dma_wait3A_93 : memref<2048x16xf32, #tpu.memory_space<vmem>>)
    %add3A_100 = arith.constant 64 : i32
    %add3A_101 = arith.addi %mul3A_2, %add3A_100 : i32
    %mul3A_102 = arith.constant 33 : i32
    %mul3A_103 = arith.muli %add3A_101, %mul3A_102 : i32
    %dma_start3A_104 = arith.constant 1 : i32
    %dma_start3A_105 = arith.constant 0 : i32
    %dma_start3A_106 = arith.constant 0 : i32
    %dma_start3A_107 = tpu.memref_slice %arg9[%dma_start3A_104, %dma_start3A_105, %dma_start3A_106] : memref<3x2048x16xf32, #tpu.memory_space<vmem>> -> memref<1x2048x16xf32, #tpu.memory_space<vmem>>
    %dma_start3A_108 = tpu.memref_squeeze %dma_start3A_107 : memref<1x2048x16xf32, #tpu.memory_space<vmem>> -> memref<2048x16xf32, #tpu.memory_space<vmem>>
    %dma_start3A_109 = arith.constant 0 : i32
    %dma_start3A_110 = tpu.memref_slice %arg5[%mul3A_103, %dma_start3A_109] : memref<540672x16xf32, #tpu.memory_space<hbm>> -> memref<2112x16xf32, #tpu.memory_space<hbm>>
    %dma_start3A_111 = arith.constant 0 : i32
    %dma_start3A_112 = arith.constant 0 : i32
    %dma_start3A_113 = tpu.memref_slice %dma_start3A_110[%dma_start3A_111, %dma_start3A_112] : memref<2112x16xf32, #tpu.memory_space<hbm>> -> memref<2112x16xf32, #tpu.memory_space<hbm>>
    tpu.enqueue_indirect_dma source(%dma_start3A_108 : memref<2048x16xf32, #tpu.memory_space<vmem>>) target(%dma_start3A_113 : memref<2112x16xf32, #tpu.memory_space<hbm>>) offsets(%arg10 : memref<2048xi32, #tpu.memory_space<vmem>>) semaphore(%arg16 : memref<!tpu.dma_semaphore, #tpu.memory_space<semaphore_mem>>)
    %dma_wait3A_114 = arith.constant 0 : i32
    %dma_wait3A_115 = arith.constant 0 : i32
    %dma_wait3A_116 = arith.constant 0 : i32
    %dma_wait3A_117 = tpu.memref_slice %arg9[%dma_wait3A_114, %dma_wait3A_115, %dma_wait3A_116] : memref<3x2048x16xf32, #tpu.memory_space<vmem>> -> memref<1x2048x16xf32, #tpu.memory_space<vmem>>
    %dma_wait3A_118 = tpu.memref_squeeze %dma_wait3A_117 : memref<1x2048x16xf32, #tpu.memory_space<vmem>> -> memref<2048x16xf32, #tpu.memory_space<vmem>>
    %dma_wait3A_119 = arith.constant 0 : i32
    %dma_wait3A_120 = tpu.memref_slice %arg5[%mul3A_60, %dma_wait3A_119] : memref<540672x16xf32, #tpu.memory_space<hbm>> -> memref<2112x16xf32, #tpu.memory_space<hbm>>
    %dma_wait3A_121 = arith.constant 0 : i32
    %dma_wait3A_122 = arith.constant 0 : i32
    %dma_wait3A_123 = tpu.memref_slice %dma_wait3A_120[%dma_wait3A_121, %dma_wait3A_122] : memref<2112x16xf32, #tpu.memory_space<hbm>> -> memref<2112x16xf32, #tpu.memory_space<hbm>>
    tpu.wait_indirect_dma semaphore(%arg15 : memref<!tpu.dma_semaphore, #tpu.memory_space<semaphore_mem>>) src(%dma_wait3A_118 : memref<2048x16xf32, #tpu.memory_space<vmem>>) dst(%dma_wait3A_123 : memref<2112x16xf32, #tpu.memory_space<hbm>>)
    %scan3A_124 = arith.constant 0 : i32
    %scan3A_125 = arith.constant 32 : i32
    %scan3A_126 = arith.addi %scan3A_124, %scan3A_125 : i32
    %scan3A_127 = arith.constant 1 : i32
    scf.for %scan3A_450 = %scan3A_124 to %scan3A_126 step %scan3A_127  : i32 {
      %mul3A_451 = arith.constant 1 : i32
      %mul3A_452 = arith.muli %scan3A_450, %mul3A_451 : i32
      %add3A_453 = arith.constant 0 : i32
      %add3A_454 = arith.addi %add3A_453, %mul3A_452 : i32
      %mul3A_455 = arith.constant 16 : i32
      %mul3A_456 = arith.muli %add3A_454, %mul3A_455 : i32
      %add3A_457 = arith.constant 1536 : i32
      %add3A_458 = arith.addi %add3A_457, %mul3A_456 : i32
      %get3A = arith.index_cast %add3A_458 : i32 to index
      %get3A_459 = tpu.vector_load %arg6[%get3A] {strides = array<i32>} : memref<4096xi32, #tpu.memory_space<vmem>>, vector<16xi32>,
      %mul3A_460 = arith.constant 4 : i32
      %mul3A_461 = vector.broadcast %mul3A_460 : i32 to vector<16xi32>
      %mul3A_462 = arith.muli %get3A_459, %mul3A_461 : vector<16xi32>
      %mul3A_463 = arith.constant 4 : i32
      %mul3A_464 = vector.broadcast %mul3A_463 : i32 to vector<16xi32>
      %mul3A_465 = arith.muli %iota3A, %mul3A_464 : vector<16xi32>
      %mul3A_466 = arith.constant 16 : i32
      %mul3A_467 = arith.muli %add3A_454, %mul3A_466 : i32
      %mul3A_468 = arith.constant 4 : i32
      %mul3A_469 = arith.muli %mul3A_467, %mul3A_468 : i32
      %add3A_470 = vector.broadcast %mul3A_469 : i32 to vector<16xi32>
      %add3A_471 = arith.addi %mul3A_465, %add3A_470 : vector<16xi32>
      %add3A_472 = arith.constant 0 : i32
      %add3A_473 = vector.broadcast %add3A_472 : i32 to vector<16xi32>
      %add3A_474 = arith.addi %add3A_471, %add3A_473 : vector<16xi32>
      %add3A_475 = arith.constant 0 : i32
      %add3A_476 = vector.broadcast %add3A_475 : i32 to vector<16xi32>
      %add3A_477 = arith.addi %mul3A_462, %add3A_476 : vector<16xi32>
      %scatter3A = arith.constant 0 : i32
      %scatter3A_478 = arith.constant 0 : i32
      %scatter3A_479 = tpu.memref_slice %arg8[%scatter3A, %scatter3A_478] : memref<3x2048xi32, #tpu.memory_space<vmem>> -> memref<1x2048xi32, #tpu.memory_space<vmem>>
      %scatter3A_480 = tpu.memref_squeeze %scatter3A_479 : memref<1x2048xi32, #tpu.memory_space<vmem>> -> memref<2048xi32, #tpu.memory_space<vmem>>
      tpu.vector_store_idx %scatter3A_480[%add3A_474], %add3A_477 : memref<2048xi32, #tpu.memory_space<vmem>>[vector<16xi32>], vector<16xi32>,
      %add3A_481 = arith.constant 1 : i32
      %add3A_482 = vector.broadcast %add3A_481 : i32 to vector<16xi32>
      %add3A_483 = arith.addi %add3A_471, %add3A_482 : vector<16xi32>
      %add3A_484 = arith.constant 1 : i32
      %add3A_485 = vector.broadcast %add3A_484 : i32 to vector<16xi32>
      %add3A_486 = arith.addi %mul3A_462, %add3A_485 : vector<16xi32>
      %scatter3A_487 = arith.constant 0 : i32
      %scatter3A_488 = arith.constant 0 : i32
      %scatter3A_489 = tpu.memref_slice %arg8[%scatter3A_487, %scatter3A_488] : memref<3x2048xi32, #tpu.memory_space<vmem>> -> memref<1x2048xi32, #tpu.memory_space<vmem>>
      %scatter3A_490 = tpu.memref_squeeze %scatter3A_489 : memref<1x2048xi32, #tpu.memory_space<vmem>> -> memref<2048xi32, #tpu.memory_space<vmem>>
      tpu.vector_store_idx %scatter3A_490[%add3A_483], %add3A_486 : memref<2048xi32, #tpu.memory_space<vmem>>[vector<16xi32>], vector<16xi32>,
      %add3A_491 = arith.constant 2 : i32
      %add3A_492 = vector.broadcast %add3A_491 : i32 to vector<16xi32>
      %add3A_493 = arith.addi %add3A_471, %add3A_492 : vector<16xi32>
      %add3A_494 = arith.constant 2 : i32
      %add3A_495 = vector.broadcast %add3A_494 : i32 to vector<16xi32>
      %add3A_496 = arith.addi %mul3A_462, %add3A_495 : vector<16xi32>
      %scatter3A_497 = arith.constant 0 : i32
      %scatter3A_498 = arith.constant 0 : i32
      %scatter3A_499 = tpu.memref_slice %arg8[%scatter3A_497, %scatter3A_498] : memref<3x2048xi32, #tpu.memory_space<vmem>> -> memref<1x2048xi32, #tpu.memory_space<vmem>>
      %scatter3A_500 = tpu.memref_squeeze %scatter3A_499 : memref<1x2048xi32, #tpu.memory_space<vmem>> -> memref<2048xi32, #tpu.memory_space<vmem>>
      tpu.vector_store_idx %scatter3A_500[%add3A_493], %add3A_496 : memref<2048xi32, #tpu.memory_space<vmem>>[vector<16xi32>], vector<16xi32>,
      %add3A_501 = arith.constant 3 : i32
      %add3A_502 = vector.broadcast %add3A_501 : i32 to vector<16xi32>
      %add3A_503 = arith.addi %add3A_471, %add3A_502 : vector<16xi32>
      %add3A_504 = arith.constant 3 : i32
      %add3A_505 = vector.broadcast %add3A_504 : i32 to vector<16xi32>
      %add3A_506 = arith.addi %mul3A_462, %add3A_505 : vector<16xi32>
      %scatter3A_507 = arith.constant 0 : i32
      %scatter3A_508 = arith.constant 0 : i32
      %scatter3A_509 = tpu.memref_slice %arg8[%scatter3A_507, %scatter3A_508] : memref<3x2048xi32, #tpu.memory_space<vmem>> -> memref<1x2048xi32, #tpu.memory_space<vmem>>
      %scatter3A_510 = tpu.memref_squeeze %scatter3A_509 : memref<1x2048xi32, #tpu.memory_space<vmem>> -> memref<2048xi32, #tpu.memory_space<vmem>>
      tpu.vector_store_idx %scatter3A_510[%add3A_503], %add3A_506 : memref<2048xi32, #tpu.memory_space<vmem>>[vector<16xi32>], vector<16xi32>,
    }
    %scan3A_128 = arith.constant 32 : i32
    %dma_start3A_129 = arith.constant 0 : i32
    %dma_start3A_130 = arith.constant 0 : i32
    %dma_start3A_131 = arith.constant 0 : i32
    %dma_start3A_132 = arith.constant 0 : i32
    %dma_start3A_133 = tpu.memref_slice %arg9[%dma_start3A_130, %dma_start3A_131, %dma_start3A_132] : memref<3x2048x16xf32, #tpu.memory_space<vmem>> -> memref<1x2048x16xf32, #tpu.memory_space<vmem>>
    %dma_start3A_134 = tpu.memref_squeeze %dma_start3A_133 : memref<1x2048x16xf32, #tpu.memory_space<vmem>> -> memref<2048x16xf32, #tpu.memory_space<vmem>>
    %dma_start3A_135 = arith.constant 0 : i32
    %dma_start3A_136 = tpu.memref_slice %arg8[%dma_start3A_129, %dma_start3A_135] : memref<3x2048xi32, #tpu.memory_space<vmem>> -> memref<1x2048xi32, #tpu.memory_space<vmem>>
    %dma_start3A_137 = tpu.memref_squeeze %dma_start3A_136 : memref<1x2048xi32, #tpu.memory_space<vmem>> -> memref<2048xi32, #tpu.memory_space<vmem>>
    %dma_start3A_138 = arith.constant 0 : i32
    %dma_start3A_139 = arith.constant 0 : i32
    %dma_start3A_140 = tpu.memref_slice %arg4[%dma_start3A_138, %dma_start3A_139] : memref<400000x16xf32, #tpu.memory_space<hbm>> -> memref<400000x16xf32, #tpu.memory_space<hbm>>
    tpu.enqueue_indirect_dma source(%dma_start3A_140 : memref<400000x16xf32, #tpu.memory_space<hbm>>) target(%dma_start3A_134 : memref<2048x16xf32, #tpu.memory_space<vmem>>) offsets(%dma_start3A_137 : memref<2048xi32, #tpu.memory_space<vmem>>) semaphore(%arg12 : memref<!tpu.dma_semaphore, #tpu.memory_space<semaphore_mem>>)
    %dma_wait3A_141 = arith.constant 2 : i32
    %dma_wait3A_142 = arith.constant 2 : i32
    %dma_wait3A_143 = arith.constant 0 : i32
    %dma_wait3A_144 = arith.constant 0 : i32
    %dma_wait3A_145 = tpu.memref_slice %arg9[%dma_wait3A_142, %dma_wait3A_143, %dma_wait3A_144] : memref<3x2048x16xf32, #tpu.memory_space<vmem>> -> memref<1x2048x16xf32, #tpu.memory_space<vmem>>
    %dma_wait3A_146 = tpu.memref_squeeze %dma_wait3A_145 : memref<1x2048x16xf32, #tpu.memory_space<vmem>> -> memref<2048x16xf32, #tpu.memory_space<vmem>>
    %dma_wait3A_147 = arith.constant 0 : i32
    %dma_wait3A_148 = tpu.memref_slice %arg8[%dma_wait3A_141, %dma_wait3A_147] : memref<3x2048xi32, #tpu.memory_space<vmem>> -> memref<1x2048xi32, #tpu.memory_space<vmem>>
    %dma_wait3A_149 = tpu.memref_squeeze %dma_wait3A_148 : memref<1x2048xi32, #tpu.memory_space<vmem>> -> memref<2048xi32, #tpu.memory_space<vmem>>
    %dma_wait3A_150 = arith.constant 0 : i32
    %dma_wait3A_151 = arith.constant 0 : i32
    %dma_wait3A_152 = tpu.memref_slice %arg4[%dma_wait3A_150, %dma_wait3A_151] : memref<400000x16xf32, #tpu.memory_space<hbm>> -> memref<400000x16xf32, #tpu.memory_space<hbm>>
    tpu.wait_indirect_dma semaphore(%arg14 : memref<!tpu.dma_semaphore, #tpu.memory_space<semaphore_mem>>) src(%dma_wait3A_152 : memref<400000x16xf32, #tpu.memory_space<hbm>>) dst(%dma_wait3A_146 : memref<2048x16xf32, #tpu.memory_space<vmem>>)
    %add3A_153 = arith.constant 128 : i32
    %add3A_154 = arith.addi %mul3A_2, %add3A_153 : i32
    %mul3A_155 = arith.constant 33 : i32
    %mul3A_156 = arith.muli %add3A_154, %mul3A_155 : i32
    %dma_start3A_157 = arith.constant 2 : i32
    %dma_start3A_158 = arith.constant 0 : i32
    %dma_start3A_159 = arith.constant 0 : i32
    %dma_start3A_160 = tpu.memref_slice %arg9[%dma_start3A_157, %dma_start3A_158, %dma_start3A_159] : memref<3x2048x16xf32, #tpu.memory_space<vmem>> -> memref<1x2048x16xf32, #tpu.memory_space<vmem>>
    %dma_start3A_161 = tpu.memref_squeeze %dma_start3A_160 : memref<1x2048x16xf32, #tpu.memory_space<vmem>> -> memref<2048x16xf32, #tpu.memory_space<vmem>>
    %dma_start3A_162 = arith.constant 0 : i32
    %dma_start3A_163 = tpu.memref_slice %arg5[%mul3A_156, %dma_start3A_162] : memref<540672x16xf32, #tpu.memory_space<hbm>> -> memref<2112x16xf32, #tpu.memory_space<hbm>>
    %dma_start3A_164 = arith.constant 0 : i32
    %dma_start3A_165 = arith.constant 0 : i32
    %dma_start3A_166 = tpu.memref_slice %dma_start3A_163[%dma_start3A_164, %dma_start3A_165] : memref<2112x16xf32, #tpu.memory_space<hbm>> -> memref<2112x16xf32, #tpu.memory_space<hbm>>
    tpu.enqueue_indirect_dma source(%dma_start3A_161 : memref<2048x16xf32, #tpu.memory_space<vmem>>) target(%dma_start3A_166 : memref<2112x16xf32, #tpu.memory_space<hbm>>) offsets(%arg10 : memref<2048xi32, #tpu.memory_space<vmem>>) semaphore(%arg17 : memref<!tpu.dma_semaphore, #tpu.memory_space<semaphore_mem>>)
    %dma_wait3A_167 = arith.constant 1 : i32
    %dma_wait3A_168 = arith.constant 0 : i32
    %dma_wait3A_169 = arith.constant 0 : i32
    %dma_wait3A_170 = tpu.memref_slice %arg9[%dma_wait3A_167, %dma_wait3A_168, %dma_wait3A_169] : memref<3x2048x16xf32, #tpu.memory_space<vmem>> -> memref<1x2048x16xf32, #tpu.memory_space<vmem>>
    %dma_wait3A_171 = tpu.memref_squeeze %dma_wait3A_170 : memref<1x2048x16xf32, #tpu.memory_space<vmem>> -> memref<2048x16xf32, #tpu.memory_space<vmem>>
    %dma_wait3A_172 = arith.constant 0 : i32
    %dma_wait3A_173 = tpu.memref_slice %arg5[%mul3A_103, %dma_wait3A_172] : memref<540672x16xf32, #tpu.memory_space<hbm>> -> memref<2112x16xf32, #tpu.memory_space<hbm>>
    %dma_wait3A_174 = arith.constant 0 : i32
    %dma_wait3A_175 = arith.constant 0 : i32
    %dma_wait3A_176 = tpu.memref_slice %dma_wait3A_173[%dma_wait3A_174, %dma_wait3A_175] : memref<2112x16xf32, #tpu.memory_space<hbm>> -> memref<2112x16xf32, #tpu.memory_space<hbm>>
    tpu.wait_indirect_dma semaphore(%arg16 : memref<!tpu.dma_semaphore, #tpu.memory_space<semaphore_mem>>) src(%dma_wait3A_171 : memref<2048x16xf32, #tpu.memory_space<vmem>>) dst(%dma_wait3A_176 : memref<2112x16xf32, #tpu.memory_space<hbm>>)
    %scan3A_177 = arith.constant 0 : i32
    %scan3A_178 = arith.constant 32 : i32
    %scan3A_179 = arith.addi %scan3A_177, %scan3A_178 : i32
    %scan3A_180 = arith.constant 1 : i32
    scf.for %scan3A_450 = %scan3A_177 to %scan3A_179 step %scan3A_180  : i32 {
      %mul3A_451 = arith.constant 1 : i32
      %mul3A_452 = arith.muli %scan3A_450, %mul3A_451 : i32
      %add3A_453 = arith.constant 0 : i32
      %add3A_454 = arith.addi %add3A_453, %mul3A_452 : i32
      %mul3A_455 = arith.constant 16 : i32
      %mul3A_456 = arith.muli %add3A_454, %mul3A_455 : i32
      %add3A_457 = arith.constant 2048 : i32
      %add3A_458 = arith.addi %add3A_457, %mul3A_456 : i32
      %get3A = arith.index_cast %add3A_458 : i32 to index
      %get3A_459 = tpu.vector_load %arg6[%get3A] {strides = array<i32>} : memref<4096xi32, #tpu.memory_space<vmem>>, vector<16xi32>,
      %mul3A_460 = arith.constant 4 : i32
      %mul3A_461 = vector.broadcast %mul3A_460 : i32 to vector<16xi32>
      %mul3A_462 = arith.muli %get3A_459, %mul3A_461 : vector<16xi32>
      %mul3A_463 = arith.constant 4 : i32
      %mul3A_464 = vector.broadcast %mul3A_463 : i32 to vector<16xi32>
      %mul3A_465 = arith.muli %iota3A, %mul3A_464 : vector<16xi32>
      %mul3A_466 = arith.constant 16 : i32
      %mul3A_467 = arith.muli %add3A_454, %mul3A_466 : i32
      %mul3A_468 = arith.constant 4 : i32
      %mul3A_469 = arith.muli %mul3A_467, %mul3A_468 : i32
      %add3A_470 = vector.broadcast %mul3A_469 : i32 to vector<16xi32>
      %add3A_471 = arith.addi %mul3A_465, %add3A_470 : vector<16xi32>
      %add3A_472 = arith.constant 0 : i32
      %add3A_473 = vector.broadcast %add3A_472 : i32 to vector<16xi32>
      %add3A_474 = arith.addi %add3A_471, %add3A_473 : vector<16xi32>
      %add3A_475 = arith.constant 0 : i32
      %add3A_476 = vector.broadcast %add3A_475 : i32 to vector<16xi32>
      %add3A_477 = arith.addi %mul3A_462, %add3A_476 : vector<16xi32>
      %scatter3A = arith.constant 1 : i32
      %scatter3A_478 = arith.constant 0 : i32
      %scatter3A_479 = tpu.memref_slice %arg8[%scatter3A, %scatter3A_478] : memref<3x2048xi32, #tpu.memory_space<vmem>> -> memref<1x2048xi32, #tpu.memory_space<vmem>>
      %scatter3A_480 = tpu.memref_squeeze %scatter3A_479 : memref<1x2048xi32, #tpu.memory_space<vmem>> -> memref<2048xi32, #tpu.memory_space<vmem>>
      tpu.vector_store_idx %scatter3A_480[%add3A_474], %add3A_477 : memref<2048xi32, #tpu.memory_space<vmem>>[vector<16xi32>], vector<16xi32>,
      %add3A_481 = arith.constant 1 : i32
      %add3A_482 = vector.broadcast %add3A_481 : i32 to vector<16xi32>
      %add3A_483 = arith.addi %add3A_471, %add3A_482 : vector<16xi32>
      %add3A_484 = arith.constant 1 : i32
      %add3A_485 = vector.broadcast %add3A_484 : i32 to vector<16xi32>
      %add3A_486 = arith.addi %mul3A_462, %add3A_485 : vector<16xi32>
      %scatter3A_487 = arith.constant 1 : i32
      %scatter3A_488 = arith.constant 0 : i32
      %scatter3A_489 = tpu.memref_slice %arg8[%scatter3A_487, %scatter3A_488] : memref<3x2048xi32, #tpu.memory_space<vmem>> -> memref<1x2048xi32, #tpu.memory_space<vmem>>
      %scatter3A_490 = tpu.memref_squeeze %scatter3A_489 : memref<1x2048xi32, #tpu.memory_space<vmem>> -> memref<2048xi32, #tpu.memory_space<vmem>>
      tpu.vector_store_idx %scatter3A_490[%add3A_483], %add3A_486 : memref<2048xi32, #tpu.memory_space<vmem>>[vector<16xi32>], vector<16xi32>,
      %add3A_491 = arith.constant 2 : i32
      %add3A_492 = vector.broadcast %add3A_491 : i32 to vector<16xi32>
      %add3A_493 = arith.addi %add3A_471, %add3A_492 : vector<16xi32>
      %add3A_494 = arith.constant 2 : i32
      %add3A_495 = vector.broadcast %add3A_494 : i32 to vector<16xi32>
      %add3A_496 = arith.addi %mul3A_462, %add3A_495 : vector<16xi32>
      %scatter3A_497 = arith.constant 1 : i32
      %scatter3A_498 = arith.constant 0 : i32
      %scatter3A_499 = tpu.memref_slice %arg8[%scatter3A_497, %scatter3A_498] : memref<3x2048xi32, #tpu.memory_space<vmem>> -> memref<1x2048xi32, #tpu.memory_space<vmem>>
      %scatter3A_500 = tpu.memref_squeeze %scatter3A_499 : memref<1x2048xi32, #tpu.memory_space<vmem>> -> memref<2048xi32, #tpu.memory_space<vmem>>
      tpu.vector_store_idx %scatter3A_500[%add3A_493], %add3A_496 : memref<2048xi32, #tpu.memory_space<vmem>>[vector<16xi32>], vector<16xi32>,
      %add3A_501 = arith.constant 3 : i32
      %add3A_502 = vector.broadcast %add3A_501 : i32 to vector<16xi32>
      %add3A_503 = arith.addi %add3A_471, %add3A_502 : vector<16xi32>
      %add3A_504 = arith.constant 3 : i32
      %add3A_505 = vector.broadcast %add3A_504 : i32 to vector<16xi32>
      %add3A_506 = arith.addi %mul3A_462, %add3A_505 : vector<16xi32>
      %scatter3A_507 = arith.constant 1 : i32
      %scatter3A_508 = arith.constant 0 : i32
      %scatter3A_509 = tpu.memref_slice %arg8[%scatter3A_507, %scatter3A_508] : memref<3x2048xi32, #tpu.memory_space<vmem>> -> memref<1x2048xi32, #tpu.memory_space<vmem>>
      %scatter3A_510 = tpu.memref_squeeze %scatter3A_509 : memref<1x2048xi32, #tpu.memory_space<vmem>> -> memref<2048xi32, #tpu.memory_space<vmem>>
      tpu.vector_store_idx %scatter3A_510[%add3A_503], %add3A_506 : memref<2048xi32, #tpu.memory_space<vmem>>[vector<16xi32>], vector<16xi32>,
    }
    %scan3A_181 = arith.constant 32 : i32
    %dma_start3A_182 = arith.constant 1 : i32
    %dma_start3A_183 = arith.constant 1 : i32
    %dma_start3A_184 = arith.constant 0 : i32
    %dma_start3A_185 = arith.constant 0 : i32
    %dma_start3A_186 = tpu.memref_slice %arg9[%dma_start3A_183, %dma_start3A_184, %dma_start3A_185] : memref<3x2048x16xf32, #tpu.memory_space<vmem>> -> memref<1x2048x16xf32, #tpu.memory_space<vmem>>
    %dma_start3A_187 = tpu.memref_squeeze %dma_start3A_186 : memref<1x2048x16xf32, #tpu.memory_space<vmem>> -> memref<2048x16xf32, #tpu.memory_space<vmem>>
    %dma_start3A_188 = arith.constant 0 : i32
    %dma_start3A_189 = tpu.memref_slice %arg8[%dma_start3A_182, %dma_start3A_188] : memref<3x2048xi32, #tpu.memory_space<vmem>> -> memref<1x2048xi32, #tpu.memory_space<vmem>>
    %dma_start3A_190 = tpu.memref_squeeze %dma_start3A_189 : memref<1x2048xi32, #tpu.memory_space<vmem>> -> memref<2048xi32, #tpu.memory_space<vmem>>
    %dma_start3A_191 = arith.constant 0 : i32
    %dma_start3A_192 = arith.constant 0 : i32
    %dma_start3A_193 = tpu.memref_slice %arg4[%dma_start3A_191, %dma_start3A_192] : memref<400000x16xf32, #tpu.memory_space<hbm>> -> memref<400000x16xf32, #tpu.memory_space<hbm>>
    tpu.enqueue_indirect_dma source(%dma_start3A_193 : memref<400000x16xf32, #tpu.memory_space<hbm>>) target(%dma_start3A_187 : memref<2048x16xf32, #tpu.memory_space<vmem>>) offsets(%dma_start3A_190 : memref<2048xi32, #tpu.memory_space<vmem>>) semaphore(%arg13 : memref<!tpu.dma_semaphore, #tpu.memory_space<semaphore_mem>>)
    %dma_wait3A_194 = arith.constant 0 : i32
    %dma_wait3A_195 = arith.constant 0 : i32
    %dma_wait3A_196 = arith.constant 0 : i32
    %dma_wait3A_197 = arith.constant 0 : i32
    %dma_wait3A_198 = tpu.memref_slice %arg9[%dma_wait3A_195, %dma_wait3A_196, %dma_wait3A_197] : memref<3x2048x16xf32, #tpu.memory_space<vmem>> -> memref<1x2048x16xf32, #tpu.memory_space<vmem>>
    %dma_wait3A_199 = tpu.memref_squeeze %dma_wait3A_198 : memref<1x2048x16xf32, #tpu.memory_space<vmem>> -> memref<2048x16xf32, #tpu.memory_space<vmem>>
    %dma_wait3A_200 = arith.constant 0 : i32
    %dma_wait3A_201 = tpu.memref_slice %arg8[%dma_wait3A_194, %dma_wait3A_200] : memref<3x2048xi32, #tpu.memory_space<vmem>> -> memref<1x2048xi32, #tpu.memory_space<vmem>>
    %dma_wait3A_202 = tpu.memref_squeeze %dma_wait3A_201 : memref<1x2048xi32, #tpu.memory_space<vmem>> -> memref<2048xi32, #tpu.memory_space<vmem>>
    %dma_wait3A_203 = arith.constant 0 : i32
    %dma_wait3A_204 = arith.constant 0 : i32
    %dma_wait3A_205 = tpu.memref_slice %arg4[%dma_wait3A_203, %dma_wait3A_204] : memref<400000x16xf32, #tpu.memory_space<hbm>> -> memref<400000x16xf32, #tpu.memory_space<hbm>>
    tpu.wait_indirect_dma semaphore(%arg12 : memref<!tpu.dma_semaphore, #tpu.memory_space<semaphore_mem>>) src(%dma_wait3A_205 : memref<400000x16xf32, #tpu.memory_space<hbm>>) dst(%dma_wait3A_199 : memref<2048x16xf32, #tpu.memory_space<vmem>>)
    %add3A_206 = arith.constant 192 : i32
    %add3A_207 = arith.addi %mul3A_2, %add3A_206 : i32
    %mul3A_208 = arith.constant 33 : i32
    %mul3A_209 = arith.muli %add3A_207, %mul3A_208 : i32
    %dma_start3A_210 = arith.constant 0 : i32
    %dma_start3A_211 = arith.constant 0 : i32
    %dma_start3A_212 = arith.constant 0 : i32
    %dma_start3A_213 = tpu.memref_slice %arg9[%dma_start3A_210, %dma_start3A_211, %dma_start3A_212] : memref<3x2048x16xf32, #tpu.memory_space<vmem>> -> memref<1x2048x16xf32, #tpu.memory_space<vmem>>
    %dma_start3A_214 = tpu.memref_squeeze %dma_start3A_213 : memref<1x2048x16xf32, #tpu.memory_space<vmem>> -> memref<2048x16xf32, #tpu.memory_space<vmem>>
    %dma_start3A_215 = arith.constant 0 : i32
    %dma_start3A_216 = tpu.memref_slice %arg5[%mul3A_209, %dma_start3A_215] : memref<540672x16xf32, #tpu.memory_space<hbm>> -> memref<2112x16xf32, #tpu.memory_space<hbm>>
    %dma_start3A_217 = arith.constant 0 : i32
    %dma_start3A_218 = arith.constant 0 : i32
    %dma_start3A_219 = tpu.memref_slice %dma_start3A_216[%dma_start3A_217, %dma_start3A_218] : memref<2112x16xf32, #tpu.memory_space<hbm>> -> memref<2112x16xf32, #tpu.memory_space<hbm>>
    tpu.enqueue_indirect_dma source(%dma_start3A_214 : memref<2048x16xf32, #tpu.memory_space<vmem>>) target(%dma_start3A_219 : memref<2112x16xf32, #tpu.memory_space<hbm>>) offsets(%arg10 : memref<2048xi32, #tpu.memory_space<vmem>>) semaphore(%arg15 : memref<!tpu.dma_semaphore, #tpu.memory_space<semaphore_mem>>)
    %dma_wait3A_220 = arith.constant 2 : i32
    %dma_wait3A_221 = arith.constant 0 : i32
    %dma_wait3A_222 = arith.constant 0 : i32
    %dma_wait3A_223 = tpu.memref_slice %arg9[%dma_wait3A_220, %dma_wait3A_221, %dma_wait3A_222] : memref<3x2048x16xf32, #tpu.memory_space<vmem>> -> memref<1x2048x16xf32, #tpu.memory_space<vmem>>
    %dma_wait3A_224 = tpu.memref_squeeze %dma_wait3A_223 : memref<1x2048x16xf32, #tpu.memory_space<vmem>> -> memref<2048x16xf32, #tpu.memory_space<vmem>>
    %dma_wait3A_225 = arith.constant 0 : i32
    %dma_wait3A_226 = tpu.memref_slice %arg5[%mul3A_156, %dma_wait3A_225] : memref<540672x16xf32, #tpu.memory_space<hbm>> -> memref<2112x16xf32, #tpu.memory_space<hbm>>
    %dma_wait3A_227 = arith.constant 0 : i32
    %dma_wait3A_228 = arith.constant 0 : i32
    %dma_wait3A_229 = tpu.memref_slice %dma_wait3A_226[%dma_wait3A_227, %dma_wait3A_228] : memref<2112x16xf32, #tpu.memory_space<hbm>> -> memref<2112x16xf32, #tpu.memory_space<hbm>>
    tpu.wait_indirect_dma semaphore(%arg17 : memref<!tpu.dma_semaphore, #tpu.memory_space<semaphore_mem>>) src(%dma_wait3A_224 : memref<2048x16xf32, #tpu.memory_space<vmem>>) dst(%dma_wait3A_229 : memref<2112x16xf32, #tpu.memory_space<hbm>>)
    %scan3A_230 = arith.constant 0 : i32
    %scan3A_231 = arith.constant 32 : i32
    %scan3A_232 = arith.addi %scan3A_230, %scan3A_231 : i32
    %scan3A_233 = arith.constant 1 : i32
    scf.for %scan3A_450 = %scan3A_230 to %scan3A_232 step %scan3A_233  : i32 {
      %mul3A_451 = arith.constant 1 : i32
      %mul3A_452 = arith.muli %scan3A_450, %mul3A_451 : i32
      %add3A_453 = arith.constant 0 : i32
      %add3A_454 = arith.addi %add3A_453, %mul3A_452 : i32
      %mul3A_455 = arith.constant 16 : i32
      %mul3A_456 = arith.muli %add3A_454, %mul3A_455 : i32
      %add3A_457 = arith.constant 2560 : i32
      %add3A_458 = arith.addi %add3A_457, %mul3A_456 : i32
      %get3A = arith.index_cast %add3A_458 : i32 to index
      %get3A_459 = tpu.vector_load %arg6[%get3A] {strides = array<i32>} : memref<4096xi32, #tpu.memory_space<vmem>>, vector<16xi32>,
      %mul3A_460 = arith.constant 4 : i32
      %mul3A_461 = vector.broadcast %mul3A_460 : i32 to vector<16xi32>
      %mul3A_462 = arith.muli %get3A_459, %mul3A_461 : vector<16xi32>
      %mul3A_463 = arith.constant 4 : i32
      %mul3A_464 = vector.broadcast %mul3A_463 : i32 to vector<16xi32>
      %mul3A_465 = arith.muli %iota3A, %mul3A_464 : vector<16xi32>
      %mul3A_466 = arith.constant 16 : i32
      %mul3A_467 = arith.muli %add3A_454, %mul3A_466 : i32
      %mul3A_468 = arith.constant 4 : i32
      %mul3A_469 = arith.muli %mul3A_467, %mul3A_468 : i32
      %add3A_470 = vector.broadcast %mul3A_469 : i32 to vector<16xi32>
      %add3A_471 = arith.addi %mul3A_465, %add3A_470 : vector<16xi32>
      %add3A_472 = arith.constant 0 : i32
      %add3A_473 = vector.broadcast %add3A_472 : i32 to vector<16xi32>
      %add3A_474 = arith.addi %add3A_471, %add3A_473 : vector<16xi32>
      %add3A_475 = arith.constant 0 : i32
      %add3A_476 = vector.broadcast %add3A_475 : i32 to vector<16xi32>
      %add3A_477 = arith.addi %mul3A_462, %add3A_476 : vector<16xi32>
      %scatter3A = arith.constant 2 : i32
      %scatter3A_478 = arith.constant 0 : i32
      %scatter3A_479 = tpu.memref_slice %arg8[%scatter3A, %scatter3A_478] : memref<3x2048xi32, #tpu.memory_space<vmem>> -> memref<1x2048xi32, #tpu.memory_space<vmem>>
      %scatter3A_480 = tpu.memref_squeeze %scatter3A_479 : memref<1x2048xi32, #tpu.memory_space<vmem>> -> memref<2048xi32, #tpu.memory_space<vmem>>
      tpu.vector_store_idx %scatter3A_480[%add3A_474], %add3A_477 : memref<2048xi32, #tpu.memory_space<vmem>>[vector<16xi32>], vector<16xi32>,
      %add3A_481 = arith.constant 1 : i32
      %add3A_482 = vector.broadcast %add3A_481 : i32 to vector<16xi32>
      %add3A_483 = arith.addi %add3A_471, %add3A_482 : vector<16xi32>
      %add3A_484 = arith.constant 1 : i32
      %add3A_485 = vector.broadcast %add3A_484 : i32 to vector<16xi32>
      %add3A_486 = arith.addi %mul3A_462, %add3A_485 : vector<16xi32>
      %scatter3A_487 = arith.constant 2 : i32
      %scatter3A_488 = arith.constant 0 : i32
      %scatter3A_489 = tpu.memref_slice %arg8[%scatter3A_487, %scatter3A_488] : memref<3x2048xi32, #tpu.memory_space<vmem>> -> memref<1x2048xi32, #tpu.memory_space<vmem>>
      %scatter3A_490 = tpu.memref_squeeze %scatter3A_489 : memref<1x2048xi32, #tpu.memory_space<vmem>> -> memref<2048xi32, #tpu.memory_space<vmem>>
      tpu.vector_store_idx %scatter3A_490[%add3A_483], %add3A_486 : memref<2048xi32, #tpu.memory_space<vmem>>[vector<16xi32>], vector<16xi32>,
      %add3A_491 = arith.constant 2 : i32
      %add3A_492 = vector.broadcast %add3A_491 : i32 to vector<16xi32>
      %add3A_493 = arith.addi %add3A_471, %add3A_492 : vector<16xi32>
      %add3A_494 = arith.constant 2 : i32
      %add3A_495 = vector.broadcast %add3A_494 : i32 to vector<16xi32>
      %add3A_496 = arith.addi %mul3A_462, %add3A_495 : vector<16xi32>
      %scatter3A_497 = arith.constant 2 : i32
      %scatter3A_498 = arith.constant 0 : i32
      %scatter3A_499 = tpu.memref_slice %arg8[%scatter3A_497, %scatter3A_498] : memref<3x2048xi32, #tpu.memory_space<vmem>> -> memref<1x2048xi32, #tpu.memory_space<vmem>>
      %scatter3A_500 = tpu.memref_squeeze %scatter3A_499 : memref<1x2048xi32, #tpu.memory_space<vmem>> -> memref<2048xi32, #tpu.memory_space<vmem>>
      tpu.vector_store_idx %scatter3A_500[%add3A_493], %add3A_496 : memref<2048xi32, #tpu.memory_space<vmem>>[vector<16xi32>], vector<16xi32>,
      %add3A_501 = arith.constant 3 : i32
      %add3A_502 = vector.broadcast %add3A_501 : i32 to vector<16xi32>
      %add3A_503 = arith.addi %add3A_471, %add3A_502 : vector<16xi32>
      %add3A_504 = arith.constant 3 : i32
      %add3A_505 = vector.broadcast %add3A_504 : i32 to vector<16xi32>
      %add3A_506 = arith.addi %mul3A_462, %add3A_505 : vector<16xi32>
      %scatter3A_507 = arith.constant 2 : i32
      %scatter3A_508 = arith.constant 0 : i32
      %scatter3A_509 = tpu.memref_slice %arg8[%scatter3A_507, %scatter3A_508] : memref<3x2048xi32, #tpu.memory_space<vmem>> -> memref<1x2048xi32, #tpu.memory_space<vmem>>
      %scatter3A_510 = tpu.memref_squeeze %scatter3A_509 : memref<1x2048xi32, #tpu.memory_space<vmem>> -> memref<2048xi32, #tpu.memory_space<vmem>>
      tpu.vector_store_idx %scatter3A_510[%add3A_503], %add3A_506 : memref<2048xi32, #tpu.memory_space<vmem>>[vector<16xi32>], vector<16xi32>,
    }
    %scan3A_234 = arith.constant 32 : i32
    %dma_start3A_235 = arith.constant 2 : i32
    %dma_start3A_236 = arith.constant 2 : i32
    %dma_start3A_237 = arith.constant 0 : i32
    %dma_start3A_238 = arith.constant 0 : i32
    %dma_start3A_239 = tpu.memref_slice %arg9[%dma_start3A_236, %dma_start3A_237, %dma_start3A_238] : memref<3x2048x16xf32, #tpu.memory_space<vmem>> -> memref<1x2048x16xf32, #tpu.memory_space<vmem>>
    %dma_start3A_240 = tpu.memref_squeeze %dma_start3A_239 : memref<1x2048x16xf32, #tpu.memory_space<vmem>> -> memref<2048x16xf32, #tpu.memory_space<vmem>>
    %dma_start3A_241 = arith.constant 0 : i32
    %dma_start3A_242 = tpu.memref_slice %arg8[%dma_start3A_235, %dma_start3A_241] : memref<3x2048xi32, #tpu.memory_space<vmem>> -> memref<1x2048xi32, #tpu.memory_space<vmem>>
    %dma_start3A_243 = tpu.memref_squeeze %dma_start3A_242 : memref<1x2048xi32, #tpu.memory_space<vmem>> -> memref<2048xi32, #tpu.memory_space<vmem>>
    %dma_start3A_244 = arith.constant 0 : i32
    %dma_start3A_245 = arith.constant 0 : i32
    %dma_start3A_246 = tpu.memref_slice %arg4[%dma_start3A_244, %dma_start3A_245] : memref<400000x16xf32, #tpu.memory_space<hbm>> -> memref<400000x16xf32, #tpu.memory_space<hbm>>
    tpu.enqueue_indirect_dma source(%dma_start3A_246 : memref<400000x16xf32, #tpu.memory_space<hbm>>) target(%dma_start3A_240 : memref<2048x16xf32, #tpu.memory_space<vmem>>) offsets(%dma_start3A_243 : memref<2048xi32, #tpu.memory_space<vmem>>) semaphore(%arg14 : memref<!tpu.dma_semaphore, #tpu.memory_space<semaphore_mem>>)
    %dma_wait3A_247 = arith.constant 1 : i32
    %dma_wait3A_248 = arith.constant 1 : i32
    %dma_wait3A_249 = arith.constant 0 : i32
    %dma_wait3A_250 = arith.constant 0 : i32
    %dma_wait3A_251 = tpu.memref_slice %arg9[%dma_wait3A_248, %dma_wait3A_249, %dma_wait3A_250] : memref<3x2048x16xf32, #tpu.memory_space<vmem>> -> memref<1x2048x16xf32, #tpu.memory_space<vmem>>
    %dma_wait3A_252 = tpu.memref_squeeze %dma_wait3A_251 : memref<1x2048x16xf32, #tpu.memory_space<vmem>> -> memref<2048x16xf32, #tpu.memory_space<vmem>>
    %dma_wait3A_253 = arith.constant 0 : i32
    %dma_wait3A_254 = tpu.memref_slice %arg8[%dma_wait3A_247, %dma_wait3A_253] : memref<3x2048xi32, #tpu.memory_space<vmem>> -> memref<1x2048xi32, #tpu.memory_space<vmem>>
    %dma_wait3A_255 = tpu.memref_squeeze %dma_wait3A_254 : memref<1x2048xi32, #tpu.memory_space<vmem>> -> memref<2048xi32, #tpu.memory_space<vmem>>
    %dma_wait3A_256 = arith.constant 0 : i32
    %dma_wait3A_257 = arith.constant 0 : i32
    %dma_wait3A_258 = tpu.memref_slice %arg4[%dma_wait3A_256, %dma_wait3A_257] : memref<400000x16xf32, #tpu.memory_space<hbm>> -> memref<400000x16xf32, #tpu.memory_space<hbm>>
    tpu.wait_indirect_dma semaphore(%arg13 : memref<!tpu.dma_semaphore, #tpu.memory_space<semaphore_mem>>) src(%dma_wait3A_258 : memref<400000x16xf32, #tpu.memory_space<hbm>>) dst(%dma_wait3A_252 : memref<2048x16xf32, #tpu.memory_space<vmem>>)
    %add3A_259 = arith.constant 256 : i32
    %add3A_260 = arith.addi %mul3A_2, %add3A_259 : i32
    %mul3A_261 = arith.constant 33 : i32
    %mul3A_262 = arith.muli %add3A_260, %mul3A_261 : i32
    %dma_start3A_263 = arith.constant 1 : i32
    %dma_start3A_264 = arith.constant 0 : i32
    %dma_start3A_265 = arith.constant 0 : i32
    %dma_start3A_266 = tpu.memref_slice %arg9[%dma_start3A_263, %dma_start3A_264, %dma_start3A_265] : memref<3x2048x16xf32, #tpu.memory_space<vmem>> -> memref<1x2048x16xf32, #tpu.memory_space<vmem>>
    %dma_start3A_267 = tpu.memref_squeeze %dma_start3A_266 : memref<1x2048x16xf32, #tpu.memory_space<vmem>> -> memref<2048x16xf32, #tpu.memory_space<vmem>>
    %dma_start3A_268 = arith.constant 0 : i32
    %dma_start3A_269 = tpu.memref_slice %arg5[%mul3A_262, %dma_start3A_268] : memref<540672x16xf32, #tpu.memory_space<hbm>> -> memref<2112x16xf32, #tpu.memory_space<hbm>>
    %dma_start3A_270 = arith.constant 0 : i32
    %dma_start3A_271 = arith.constant 0 : i32
    %dma_start3A_272 = tpu.memref_slice %dma_start3A_269[%dma_start3A_270, %dma_start3A_271] : memref<2112x16xf32, #tpu.memory_space<hbm>> -> memref<2112x16xf32, #tpu.memory_space<hbm>>
    tpu.enqueue_indirect_dma source(%dma_start3A_267 : memref<2048x16xf32, #tpu.memory_space<vmem>>) target(%dma_start3A_272 : memref<2112x16xf32, #tpu.memory_space<hbm>>) offsets(%arg10 : memref<2048xi32, #tpu.memory_space<vmem>>) semaphore(%arg16 : memref<!tpu.dma_semaphore, #tpu.memory_space<semaphore_mem>>)
    %dma_wait3A_273 = arith.constant 0 : i32
    %dma_wait3A_274 = arith.constant 0 : i32
    %dma_wait3A_275 = arith.constant 0 : i32
    %dma_wait3A_276 = tpu.memref_slice %arg9[%dma_wait3A_273, %dma_wait3A_274, %dma_wait3A_275] : memref<3x2048x16xf32, #tpu.memory_space<vmem>> -> memref<1x2048x16xf32, #tpu.memory_space<vmem>>
    %dma_wait3A_277 = tpu.memref_squeeze %dma_wait3A_276 : memref<1x2048x16xf32, #tpu.memory_space<vmem>> -> memref<2048x16xf32, #tpu.memory_space<vmem>>
    %dma_wait3A_278 = arith.constant 0 : i32
    %dma_wait3A_279 = tpu.memref_slice %arg5[%mul3A_209, %dma_wait3A_278] : memref<540672x16xf32, #tpu.memory_space<hbm>> -> memref<2112x16xf32, #tpu.memory_space<hbm>>
    %dma_wait3A_280 = arith.constant 0 : i32
    %dma_wait3A_281 = arith.constant 0 : i32
    %dma_wait3A_282 = tpu.memref_slice %dma_wait3A_279[%dma_wait3A_280, %dma_wait3A_281] : memref<2112x16xf32, #tpu.memory_space<hbm>> -> memref<2112x16xf32, #tpu.memory_space<hbm>>
    tpu.wait_indirect_dma semaphore(%arg15 : memref<!tpu.dma_semaphore, #tpu.memory_space<semaphore_mem>>) src(%dma_wait3A_277 : memref<2048x16xf32, #tpu.memory_space<vmem>>) dst(%dma_wait3A_282 : memref<2112x16xf32, #tpu.memory_space<hbm>>)
    %scan3A_283 = arith.constant 0 : i32
    %scan3A_284 = arith.constant 32 : i32
    %scan3A_285 = arith.addi %scan3A_283, %scan3A_284 : i32
    %scan3A_286 = arith.constant 1 : i32
    scf.for %scan3A_450 = %scan3A_283 to %scan3A_285 step %scan3A_286  : i32 {
      %mul3A_451 = arith.constant 1 : i32
      %mul3A_452 = arith.muli %scan3A_450, %mul3A_451 : i32
      %add3A_453 = arith.constant 0 : i32
      %add3A_454 = arith.addi %add3A_453, %mul3A_452 : i32
      %mul3A_455 = arith.constant 16 : i32
      %mul3A_456 = arith.muli %add3A_454, %mul3A_455 : i32
      %add3A_457 = arith.constant 3072 : i32
      %add3A_458 = arith.addi %add3A_457, %mul3A_456 : i32
      %get3A = arith.index_cast %add3A_458 : i32 to index
      %get3A_459 = tpu.vector_load %arg6[%get3A] {strides = array<i32>} : memref<4096xi32, #tpu.memory_space<vmem>>, vector<16xi32>,
      %mul3A_460 = arith.constant 4 : i32
      %mul3A_461 = vector.broadcast %mul3A_460 : i32 to vector<16xi32>
      %mul3A_462 = arith.muli %get3A_459, %mul3A_461 : vector<16xi32>
      %mul3A_463 = arith.constant 4 : i32
      %mul3A_464 = vector.broadcast %mul3A_463 : i32 to vector<16xi32>
      %mul3A_465 = arith.muli %iota3A, %mul3A_464 : vector<16xi32>
      %mul3A_466 = arith.constant 16 : i32
      %mul3A_467 = arith.muli %add3A_454, %mul3A_466 : i32
      %mul3A_468 = arith.constant 4 : i32
      %mul3A_469 = arith.muli %mul3A_467, %mul3A_468 : i32
      %add3A_470 = vector.broadcast %mul3A_469 : i32 to vector<16xi32>
      %add3A_471 = arith.addi %mul3A_465, %add3A_470 : vector<16xi32>
      %add3A_472 = arith.constant 0 : i32
      %add3A_473 = vector.broadcast %add3A_472 : i32 to vector<16xi32>
      %add3A_474 = arith.addi %add3A_471, %add3A_473 : vector<16xi32>
      %add3A_475 = arith.constant 0 : i32
      %add3A_476 = vector.broadcast %add3A_475 : i32 to vector<16xi32>
      %add3A_477 = arith.addi %mul3A_462, %add3A_476 : vector<16xi32>
      %scatter3A = arith.constant 0 : i32
      %scatter3A_478 = arith.constant 0 : i32
      %scatter3A_479 = tpu.memref_slice %arg8[%scatter3A, %scatter3A_478] : memref<3x2048xi32, #tpu.memory_space<vmem>> -> memref<1x2048xi32, #tpu.memory_space<vmem>>
      %scatter3A_480 = tpu.memref_squeeze %scatter3A_479 : memref<1x2048xi32, #tpu.memory_space<vmem>> -> memref<2048xi32, #tpu.memory_space<vmem>>
      tpu.vector_store_idx %scatter3A_480[%add3A_474], %add3A_477 : memref<2048xi32, #tpu.memory_space<vmem>>[vector<16xi32>], vector<16xi32>,
      %add3A_481 = arith.constant 1 : i32
      %add3A_482 = vector.broadcast %add3A_481 : i32 to vector<16xi32>
      %add3A_483 = arith.addi %add3A_471, %add3A_482 : vector<16xi32>
      %add3A_484 = arith.constant 1 : i32
      %add3A_485 = vector.broadcast %add3A_484 : i32 to vector<16xi32>
      %add3A_486 = arith.addi %mul3A_462, %add3A_485 : vector<16xi32>
      %scatter3A_487 = arith.constant 0 : i32
      %scatter3A_488 = arith.constant 0 : i32
      %scatter3A_489 = tpu.memref_slice %arg8[%scatter3A_487, %scatter3A_488] : memref<3x2048xi32, #tpu.memory_space<vmem>> -> memref<1x2048xi32, #tpu.memory_space<vmem>>
      %scatter3A_490 = tpu.memref_squeeze %scatter3A_489 : memref<1x2048xi32, #tpu.memory_space<vmem>> -> memref<2048xi32, #tpu.memory_space<vmem>>
      tpu.vector_store_idx %scatter3A_490[%add3A_483], %add3A_486 : memref<2048xi32, #tpu.memory_space<vmem>>[vector<16xi32>], vector<16xi32>,
      %add3A_491 = arith.constant 2 : i32
      %add3A_492 = vector.broadcast %add3A_491 : i32 to vector<16xi32>
      %add3A_493 = arith.addi %add3A_471, %add3A_492 : vector<16xi32>
      %add3A_494 = arith.constant 2 : i32
      %add3A_495 = vector.broadcast %add3A_494 : i32 to vector<16xi32>
      %add3A_496 = arith.addi %mul3A_462, %add3A_495 : vector<16xi32>
      %scatter3A_497 = arith.constant 0 : i32
      %scatter3A_498 = arith.constant 0 : i32
      %scatter3A_499 = tpu.memref_slice %arg8[%scatter3A_497, %scatter3A_498] : memref<3x2048xi32, #tpu.memory_space<vmem>> -> memref<1x2048xi32, #tpu.memory_space<vmem>>
      %scatter3A_500 = tpu.memref_squeeze %scatter3A_499 : memref<1x2048xi32, #tpu.memory_space<vmem>> -> memref<2048xi32, #tpu.memory_space<vmem>>
      tpu.vector_store_idx %scatter3A_500[%add3A_493], %add3A_496 : memref<2048xi32, #tpu.memory_space<vmem>>[vector<16xi32>], vector<16xi32>,
      %add3A_501 = arith.constant 3 : i32
      %add3A_502 = vector.broadcast %add3A_501 : i32 to vector<16xi32>
      %add3A_503 = arith.addi %add3A_471, %add3A_502 : vector<16xi32>
      %add3A_504 = arith.constant 3 : i32
      %add3A_505 = vector.broadcast %add3A_504 : i32 to vector<16xi32>
      %add3A_506 = arith.addi %mul3A_462, %add3A_505 : vector<16xi32>
      %scatter3A_507 = arith.constant 0 : i32
      %scatter3A_508 = arith.constant 0 : i32
      %scatter3A_509 = tpu.memref_slice %arg8[%scatter3A_507, %scatter3A_508] : memref<3x2048xi32, #tpu.memory_space<vmem>> -> memref<1x2048xi32, #tpu.memory_space<vmem>>
      %scatter3A_510 = tpu.memref_squeeze %scatter3A_509 : memref<1x2048xi32, #tpu.memory_space<vmem>> -> memref<2048xi32, #tpu.memory_space<vmem>>
      tpu.vector_store_idx %scatter3A_510[%add3A_503], %add3A_506 : memref<2048xi32, #tpu.memory_space<vmem>>[vector<16xi32>], vector<16xi32>,
    }
    %scan3A_287 = arith.constant 32 : i32
    %dma_start3A_288 = arith.constant 0 : i32
    %dma_start3A_289 = arith.constant 0 : i32
    %dma_start3A_290 = arith.constant 0 : i32
    %dma_start3A_291 = arith.constant 0 : i32
    %dma_start3A_292 = tpu.memref_slice %arg9[%dma_start3A_289, %dma_start3A_290, %dma_start3A_291] : memref<3x2048x16xf32, #tpu.memory_space<vmem>> -> memref<1x2048x16xf32, #tpu.memory_space<vmem>>
    %dma_start3A_293 = tpu.memref_squeeze %dma_start3A_292 : memref<1x2048x16xf32, #tpu.memory_space<vmem>> -> memref<2048x16xf32, #tpu.memory_space<vmem>>
    %dma_start3A_294 = arith.constant 0 : i32
    %dma_start3A_295 = tpu.memref_slice %arg8[%dma_start3A_288, %dma_start3A_294] : memref<3x2048xi32, #tpu.memory_space<vmem>> -> memref<1x2048xi32, #tpu.memory_space<vmem>>
    %dma_start3A_296 = tpu.memref_squeeze %dma_start3A_295 : memref<1x2048xi32, #tpu.memory_space<vmem>> -> memref<2048xi32, #tpu.memory_space<vmem>>
    %dma_start3A_297 = arith.constant 0 : i32
    %dma_start3A_298 = arith.constant 0 : i32
    %dma_start3A_299 = tpu.memref_slice %arg4[%dma_start3A_297, %dma_start3A_298] : memref<400000x16xf32, #tpu.memory_space<hbm>> -> memref<400000x16xf32, #tpu.memory_space<hbm>>
    tpu.enqueue_indirect_dma source(%dma_start3A_299 : memref<400000x16xf32, #tpu.memory_space<hbm>>) target(%dma_start3A_293 : memref<2048x16xf32, #tpu.memory_space<vmem>>) offsets(%dma_start3A_296 : memref<2048xi32, #tpu.memory_space<vmem>>) semaphore(%arg12 : memref<!tpu.dma_semaphore, #tpu.memory_space<semaphore_mem>>)
    %dma_wait3A_300 = arith.constant 2 : i32
    %dma_wait3A_301 = arith.constant 2 : i32
    %dma_wait3A_302 = arith.constant 0 : i32
    %dma_wait3A_303 = arith.constant 0 : i32
    %dma_wait3A_304 = tpu.memref_slice %arg9[%dma_wait3A_301, %dma_wait3A_302, %dma_wait3A_303] : memref<3x2048x16xf32, #tpu.memory_space<vmem>> -> memref<1x2048x16xf32, #tpu.memory_space<vmem>>
    %dma_wait3A_305 = tpu.memref_squeeze %dma_wait3A_304 : memref<1x2048x16xf32, #tpu.memory_space<vmem>> -> memref<2048x16xf32, #tpu.memory_space<vmem>>
    %dma_wait3A_306 = arith.constant 0 : i32
    %dma_wait3A_307 = tpu.memref_slice %arg8[%dma_wait3A_300, %dma_wait3A_306] : memref<3x2048xi32, #tpu.memory_space<vmem>> -> memref<1x2048xi32, #tpu.memory_space<vmem>>
    %dma_wait3A_308 = tpu.memref_squeeze %dma_wait3A_307 : memref<1x2048xi32, #tpu.memory_space<vmem>> -> memref<2048xi32, #tpu.memory_space<vmem>>
    %dma_wait3A_309 = arith.constant 0 : i32
    %dma_wait3A_310 = arith.constant 0 : i32
    %dma_wait3A_311 = tpu.memref_slice %arg4[%dma_wait3A_309, %dma_wait3A_310] : memref<400000x16xf32, #tpu.memory_space<hbm>> -> memref<400000x16xf32, #tpu.memory_space<hbm>>
    tpu.wait_indirect_dma semaphore(%arg14 : memref<!tpu.dma_semaphore, #tpu.memory_space<semaphore_mem>>) src(%dma_wait3A_311 : memref<400000x16xf32, #tpu.memory_space<hbm>>) dst(%dma_wait3A_305 : memref<2048x16xf32, #tpu.memory_space<vmem>>)
    %add3A_312 = arith.constant 320 : i32
    %add3A_313 = arith.addi %mul3A_2, %add3A_312 : i32
    %mul3A_314 = arith.constant 33 : i32
    %mul3A_315 = arith.muli %add3A_313, %mul3A_314 : i32
    %dma_start3A_316 = arith.constant 2 : i32
    %dma_start3A_317 = arith.constant 0 : i32
    %dma_start3A_318 = arith.constant 0 : i32
    %dma_start3A_319 = tpu.memref_slice %arg9[%dma_start3A_316, %dma_start3A_317, %dma_start3A_318] : memref<3x2048x16xf32, #tpu.memory_space<vmem>> -> memref<1x2048x16xf32, #tpu.memory_space<vmem>>
    %dma_start3A_320 = tpu.memref_squeeze %dma_start3A_319 : memref<1x2048x16xf32, #tpu.memory_space<vmem>> -> memref<2048x16xf32, #tpu.memory_space<vmem>>
    %dma_start3A_321 = arith.constant 0 : i32
    %dma_start3A_322 = tpu.memref_slice %arg5[%mul3A_315, %dma_start3A_321] : memref<540672x16xf32, #tpu.memory_space<hbm>> -> memref<2112x16xf32, #tpu.memory_space<hbm>>
    %dma_start3A_323 = arith.constant 0 : i32
    %dma_start3A_324 = arith.constant 0 : i32
    %dma_start3A_325 = tpu.memref_slice %dma_start3A_322[%dma_start3A_323, %dma_start3A_324] : memref<2112x16xf32, #tpu.memory_space<hbm>> -> memref<2112x16xf32, #tpu.memory_space<hbm>>
    tpu.enqueue_indirect_dma source(%dma_start3A_320 : memref<2048x16xf32, #tpu.memory_space<vmem>>) target(%dma_start3A_325 : memref<2112x16xf32, #tpu.memory_space<hbm>>) offsets(%arg10 : memref<2048xi32, #tpu.memory_space<vmem>>) semaphore(%arg17 : memref<!tpu.dma_semaphore, #tpu.memory_space<semaphore_mem>>)
    %dma_wait3A_326 = arith.constant 1 : i32
    %dma_wait3A_327 = arith.constant 0 : i32
    %dma_wait3A_328 = arith.constant 0 : i32
    %dma_wait3A_329 = tpu.memref_slice %arg9[%dma_wait3A_326, %dma_wait3A_327, %dma_wait3A_328] : memref<3x2048x16xf32, #tpu.memory_space<vmem>> -> memref<1x2048x16xf32, #tpu.memory_space<vmem>>
    %dma_wait3A_330 = tpu.memref_squeeze %dma_wait3A_329 : memref<1x2048x16xf32, #tpu.memory_space<vmem>> -> memref<2048x16xf32, #tpu.memory_space<vmem>>
    %dma_wait3A_331 = arith.constant 0 : i32
    %dma_wait3A_332 = tpu.memref_slice %arg5[%mul3A_262, %dma_wait3A_331] : memref<540672x16xf32, #tpu.memory_space<hbm>> -> memref<2112x16xf32, #tpu.memory_space<hbm>>
    %dma_wait3A_333 = arith.constant 0 : i32
    %dma_wait3A_334 = arith.constant 0 : i32
    %dma_wait3A_335 = tpu.memref_slice %dma_wait3A_332[%dma_wait3A_333, %dma_wait3A_334] : memref<2112x16xf32, #tpu.memory_space<hbm>> -> memref<2112x16xf32, #tpu.memory_space<hbm>>
    tpu.wait_indirect_dma semaphore(%arg16 : memref<!tpu.dma_semaphore, #tpu.memory_space<semaphore_mem>>) src(%dma_wait3A_330 : memref<2048x16xf32, #tpu.memory_space<vmem>>) dst(%dma_wait3A_335 : memref<2112x16xf32, #tpu.memory_space<hbm>>)
    %scan3A_336 = arith.constant 0 : i32
    %scan3A_337 = arith.constant 32 : i32
    %scan3A_338 = arith.addi %scan3A_336, %scan3A_337 : i32
    %scan3A_339 = arith.constant 1 : i32
    scf.for %scan3A_450 = %scan3A_336 to %scan3A_338 step %scan3A_339  : i32 {
      %mul3A_451 = arith.constant 1 : i32
      %mul3A_452 = arith.muli %scan3A_450, %mul3A_451 : i32
      %add3A_453 = arith.constant 0 : i32
      %add3A_454 = arith.addi %add3A_453, %mul3A_452 : i32
      %mul3A_455 = arith.constant 16 : i32
      %mul3A_456 = arith.muli %add3A_454, %mul3A_455 : i32
      %add3A_457 = arith.constant 3584 : i32
      %add3A_458 = arith.addi %add3A_457, %mul3A_456 : i32
      %get3A = arith.index_cast %add3A_458 : i32 to index
      %get3A_459 = tpu.vector_load %arg6[%get3A] {strides = array<i32>} : memref<4096xi32, #tpu.memory_space<vmem>>, vector<16xi32>,
      %mul3A_460 = arith.constant 4 : i32
      %mul3A_461 = vector.broadcast %mul3A_460 : i32 to vector<16xi32>
      %mul3A_462 = arith.muli %get3A_459, %mul3A_461 : vector<16xi32>
      %mul3A_463 = arith.constant 4 : i32
      %mul3A_464 = vector.broadcast %mul3A_463 : i32 to vector<16xi32>
      %mul3A_465 = arith.muli %iota3A, %mul3A_464 : vector<16xi32>
      %mul3A_466 = arith.constant 16 : i32
      %mul3A_467 = arith.muli %add3A_454, %mul3A_466 : i32
      %mul3A_468 = arith.constant 4 : i32
      %mul3A_469 = arith.muli %mul3A_467, %mul3A_468 : i32
      %add3A_470 = vector.broadcast %mul3A_469 : i32 to vector<16xi32>
      %add3A_471 = arith.addi %mul3A_465, %add3A_470 : vector<16xi32>
      %add3A_472 = arith.constant 0 : i32
      %add3A_473 = vector.broadcast %add3A_472 : i32 to vector<16xi32>
      %add3A_474 = arith.addi %add3A_471, %add3A_473 : vector<16xi32>
      %add3A_475 = arith.constant 0 : i32
      %add3A_476 = vector.broadcast %add3A_475 : i32 to vector<16xi32>
      %add3A_477 = arith.addi %mul3A_462, %add3A_476 : vector<16xi32>
      %scatter3A = arith.constant 1 : i32
      %scatter3A_478 = arith.constant 0 : i32
      %scatter3A_479 = tpu.memref_slice %arg8[%scatter3A, %scatter3A_478] : memref<3x2048xi32, #tpu.memory_space<vmem>> -> memref<1x2048xi32, #tpu.memory_space<vmem>>
      %scatter3A_480 = tpu.memref_squeeze %scatter3A_479 : memref<1x2048xi32, #tpu.memory_space<vmem>> -> memref<2048xi32, #tpu.memory_space<vmem>>
      tpu.vector_store_idx %scatter3A_480[%add3A_474], %add3A_477 : memref<2048xi32, #tpu.memory_space<vmem>>[vector<16xi32>], vector<16xi32>,
      %add3A_481 = arith.constant 1 : i32
      %add3A_482 = vector.broadcast %add3A_481 : i32 to vector<16xi32>
      %add3A_483 = arith.addi %add3A_471, %add3A_482 : vector<16xi32>
      %add3A_484 = arith.constant 1 : i32
      %add3A_485 = vector.broadcast %add3A_484 : i32 to vector<16xi32>
      %add3A_486 = arith.addi %mul3A_462, %add3A_485 : vector<16xi32>
      %scatter3A_487 = arith.constant 1 : i32
      %scatter3A_488 = arith.constant 0 : i32
      %scatter3A_489 = tpu.memref_slice %arg8[%scatter3A_487, %scatter3A_488] : memref<3x2048xi32, #tpu.memory_space<vmem>> -> memref<1x2048xi32, #tpu.memory_space<vmem>>
      %scatter3A_490 = tpu.memref_squeeze %scatter3A_489 : memref<1x2048xi32, #tpu.memory_space<vmem>> -> memref<2048xi32, #tpu.memory_space<vmem>>
      tpu.vector_store_idx %scatter3A_490[%add3A_483], %add3A_486 : memref<2048xi32, #tpu.memory_space<vmem>>[vector<16xi32>], vector<16xi32>,
      %add3A_491 = arith.constant 2 : i32
      %add3A_492 = vector.broadcast %add3A_491 : i32 to vector<16xi32>
      %add3A_493 = arith.addi %add3A_471, %add3A_492 : vector<16xi32>
      %add3A_494 = arith.constant 2 : i32
      %add3A_495 = vector.broadcast %add3A_494 : i32 to vector<16xi32>
      %add3A_496 = arith.addi %mul3A_462, %add3A_495 : vector<16xi32>
      %scatter3A_497 = arith.constant 1 : i32
      %scatter3A_498 = arith.constant 0 : i32
      %scatter3A_499 = tpu.memref_slice %arg8[%scatter3A_497, %scatter3A_498] : memref<3x2048xi32, #tpu.memory_space<vmem>> -> memref<1x2048xi32, #tpu.memory_space<vmem>>
      %scatter3A_500 = tpu.memref_squeeze %scatter3A_499 : memref<1x2048xi32, #tpu.memory_space<vmem>> -> memref<2048xi32, #tpu.memory_space<vmem>>
      tpu.vector_store_idx %scatter3A_500[%add3A_493], %add3A_496 : memref<2048xi32, #tpu.memory_space<vmem>>[vector<16xi32>], vector<16xi32>,
      %add3A_501 = arith.constant 3 : i32
      %add3A_502 = vector.broadcast %add3A_501 : i32 to vector<16xi32>
      %add3A_503 = arith.addi %add3A_471, %add3A_502 : vector<16xi32>
      %add3A_504 = arith.constant 3 : i32
      %add3A_505 = vector.broadcast %add3A_504 : i32 to vector<16xi32>
      %add3A_506 = arith.addi %mul3A_462, %add3A_505 : vector<16xi32>
      %scatter3A_507 = arith.constant 1 : i32
      %scatter3A_508 = arith.constant 0 : i32
      %scatter3A_509 = tpu.memref_slice %arg8[%scatter3A_507, %scatter3A_508] : memref<3x2048xi32, #tpu.memory_space<vmem>> -> memref<1x2048xi32, #tpu.memory_space<vmem>>
      %scatter3A_510 = tpu.memref_squeeze %scatter3A_509 : memref<1x2048xi32, #tpu.memory_space<vmem>> -> memref<2048xi32, #tpu.memory_space<vmem>>
      tpu.vector_store_idx %scatter3A_510[%add3A_503], %add3A_506 : memref<2048xi32, #tpu.memory_space<vmem>>[vector<16xi32>], vector<16xi32>,
    }
    %scan3A_340 = arith.constant 32 : i32
    %dma_start3A_341 = arith.constant 1 : i32
    %dma_start3A_342 = arith.constant 1 : i32
    %dma_start3A_343 = arith.constant 0 : i32
    %dma_start3A_344 = arith.constant 0 : i32
    %dma_start3A_345 = tpu.memref_slice %arg9[%dma_start3A_342, %dma_start3A_343, %dma_start3A_344] : memref<3x2048x16xf32, #tpu.memory_space<vmem>> -> memref<1x2048x16xf32, #tpu.memory_space<vmem>>
    %dma_start3A_346 = tpu.memref_squeeze %dma_start3A_345 : memref<1x2048x16xf32, #tpu.memory_space<vmem>> -> memref<2048x16xf32, #tpu.memory_space<vmem>>
    %dma_start3A_347 = arith.constant 0 : i32
    %dma_start3A_348 = tpu.memref_slice %arg8[%dma_start3A_341, %dma_start3A_347] : memref<3x2048xi32, #tpu.memory_space<vmem>> -> memref<1x2048xi32, #tpu.memory_space<vmem>>
    %dma_start3A_349 = tpu.memref_squeeze %dma_start3A_348 : memref<1x2048xi32, #tpu.memory_space<vmem>> -> memref<2048xi32, #tpu.memory_space<vmem>>
    %dma_start3A_350 = arith.constant 0 : i32
    %dma_start3A_351 = arith.constant 0 : i32
    %dma_start3A_352 = tpu.memref_slice %arg4[%dma_start3A_350, %dma_start3A_351] : memref<400000x16xf32, #tpu.memory_space<hbm>> -> memref<400000x16xf32, #tpu.memory_space<hbm>>
    tpu.enqueue_indirect_dma source(%dma_start3A_352 : memref<400000x16xf32, #tpu.memory_space<hbm>>) target(%dma_start3A_346 : memref<2048x16xf32, #tpu.memory_space<vmem>>) offsets(%dma_start3A_349 : memref<2048xi32, #tpu.memory_space<vmem>>) semaphore(%arg13 : memref<!tpu.dma_semaphore, #tpu.memory_space<semaphore_mem>>)
    %dma_wait3A_353 = arith.constant 0 : i32
    %dma_wait3A_354 = arith.constant 0 : i32
    %dma_wait3A_355 = arith.constant 0 : i32
    %dma_wait3A_356 = arith.constant 0 : i32
    %dma_wait3A_357 = tpu.memref_slice %arg9[%dma_wait3A_354, %dma_wait3A_355, %dma_wait3A_356] : memref<3x2048x16xf32, #tpu.memory_space<vmem>> -> memref<1x2048x16xf32, #tpu.memory_space<vmem>>
    %dma_wait3A_358 = tpu.memref_squeeze %dma_wait3A_357 : memref<1x2048x16xf32, #tpu.memory_space<vmem>> -> memref<2048x16xf32, #tpu.memory_space<vmem>>
    %dma_wait3A_359 = arith.constant 0 : i32
    %dma_wait3A_360 = tpu.memref_slice %arg8[%dma_wait3A_353, %dma_wait3A_359] : memref<3x2048xi32, #tpu.memory_space<vmem>> -> memref<1x2048xi32, #tpu.memory_space<vmem>>
    %dma_wait3A_361 = tpu.memref_squeeze %dma_wait3A_360 : memref<1x2048xi32, #tpu.memory_space<vmem>> -> memref<2048xi32, #tpu.memory_space<vmem>>
    %dma_wait3A_362 = arith.constant 0 : i32
    %dma_wait3A_363 = arith.constant 0 : i32
    %dma_wait3A_364 = tpu.memref_slice %arg4[%dma_wait3A_362, %dma_wait3A_363] : memref<400000x16xf32, #tpu.memory_space<hbm>> -> memref<400000x16xf32, #tpu.memory_space<hbm>>
    tpu.wait_indirect_dma semaphore(%arg12 : memref<!tpu.dma_semaphore, #tpu.memory_space<semaphore_mem>>) src(%dma_wait3A_364 : memref<400000x16xf32, #tpu.memory_space<hbm>>) dst(%dma_wait3A_358 : memref<2048x16xf32, #tpu.memory_space<vmem>>)
    %add3A_365 = arith.constant 384 : i32
    %add3A_366 = arith.addi %mul3A_2, %add3A_365 : i32
    %mul3A_367 = arith.constant 33 : i32
    %mul3A_368 = arith.muli %add3A_366, %mul3A_367 : i32
    %dma_start3A_369 = arith.constant 0 : i32
    %dma_start3A_370 = arith.constant 0 : i32
    %dma_start3A_371 = arith.constant 0 : i32
    %dma_start3A_372 = tpu.memref_slice %arg9[%dma_start3A_369, %dma_start3A_370, %dma_start3A_371] : memref<3x2048x16xf32, #tpu.memory_space<vmem>> -> memref<1x2048x16xf32, #tpu.memory_space<vmem>>
    %dma_start3A_373 = tpu.memref_squeeze %dma_start3A_372 : memref<1x2048x16xf32, #tpu.memory_space<vmem>> -> memref<2048x16xf32, #tpu.memory_space<vmem>>
    %dma_start3A_374 = arith.constant 0 : i32
    %dma_start3A_375 = tpu.memref_slice %arg5[%mul3A_368, %dma_start3A_374] : memref<540672x16xf32, #tpu.memory_space<hbm>> -> memref<2112x16xf32, #tpu.memory_space<hbm>>
    %dma_start3A_376 = arith.constant 0 : i32
    %dma_start3A_377 = arith.constant 0 : i32
    %dma_start3A_378 = tpu.memref_slice %dma_start3A_375[%dma_start3A_376, %dma_start3A_377] : memref<2112x16xf32, #tpu.memory_space<hbm>> -> memref<2112x16xf32, #tpu.memory_space<hbm>>
    tpu.enqueue_indirect_dma source(%dma_start3A_373 : memref<2048x16xf32, #tpu.memory_space<vmem>>) target(%dma_start3A_378 : memref<2112x16xf32, #tpu.memory_space<hbm>>) offsets(%arg10 : memref<2048xi32, #tpu.memory_space<vmem>>) semaphore(%arg15 : memref<!tpu.dma_semaphore, #tpu.memory_space<semaphore_mem>>)
    %dma_wait3A_379 = arith.constant 1 : i32
    %dma_wait3A_380 = arith.constant 1 : i32
    %dma_wait3A_381 = arith.constant 0 : i32
    %dma_wait3A_382 = arith.constant 0 : i32
    %dma_wait3A_383 = tpu.memref_slice %arg9[%dma_wait3A_380, %dma_wait3A_381, %dma_wait3A_382] : memref<3x2048x16xf32, #tpu.memory_space<vmem>> -> memref<1x2048x16xf32, #tpu.memory_space<vmem>>
    %dma_wait3A_384 = tpu.memref_squeeze %dma_wait3A_383 : memref<1x2048x16xf32, #tpu.memory_space<vmem>> -> memref<2048x16xf32, #tpu.memory_space<vmem>>
    %dma_wait3A_385 = arith.constant 0 : i32
    %dma_wait3A_386 = tpu.memref_slice %arg8[%dma_wait3A_379, %dma_wait3A_385] : memref<3x2048xi32, #tpu.memory_space<vmem>> -> memref<1x2048xi32, #tpu.memory_space<vmem>>
    %dma_wait3A_387 = tpu.memref_squeeze %dma_wait3A_386 : memref<1x2048xi32, #tpu.memory_space<vmem>> -> memref<2048xi32, #tpu.memory_space<vmem>>
    %dma_wait3A_388 = arith.constant 0 : i32
    %dma_wait3A_389 = arith.constant 0 : i32
    %dma_wait3A_390 = tpu.memref_slice %arg4[%dma_wait3A_388, %dma_wait3A_389] : memref<400000x16xf32, #tpu.memory_space<hbm>> -> memref<400000x16xf32, #tpu.memory_space<hbm>>
    tpu.wait_indirect_dma semaphore(%arg13 : memref<!tpu.dma_semaphore, #tpu.memory_space<semaphore_mem>>) src(%dma_wait3A_390 : memref<400000x16xf32, #tpu.memory_space<hbm>>) dst(%dma_wait3A_384 : memref<2048x16xf32, #tpu.memory_space<vmem>>)
    %add3A_391 = arith.constant 448 : i32
    %add3A_392 = arith.addi %mul3A_2, %add3A_391 : i32
    %mul3A_393 = arith.constant 33 : i32
    %mul3A_394 = arith.muli %add3A_392, %mul3A_393 : i32
    %dma_start3A_395 = arith.constant 1 : i32
    %dma_start3A_396 = arith.constant 0 : i32
    %dma_start3A_397 = arith.constant 0 : i32
    %dma_start3A_398 = tpu.memref_slice %arg9[%dma_start3A_395, %dma_start3A_396, %dma_start3A_397] : memref<3x2048x16xf32, #tpu.memory_space<vmem>> -> memref<1x2048x16xf32, #tpu.memory_space<vmem>>
    %dma_start3A_399 = tpu.memref_squeeze %dma_start3A_398 : memref<1x2048x16xf32, #tpu.memory_space<vmem>> -> memref<2048x16xf32, #tpu.memory_space<vmem>>
    %dma_start3A_400 = arith.constant 0 : i32
    %dma_start3A_401 = tpu.memref_slice %arg5[%mul3A_394, %dma_start3A_400] : memref<540672x16xf32, #tpu.memory_space<hbm>> -> memref<2112x16xf32, #tpu.memory_space<hbm>>
    %dma_start3A_402 = arith.constant 0 : i32
    %dma_start3A_403 = arith.constant 0 : i32
    %dma_start3A_404 = tpu.memref_slice %dma_start3A_401[%dma_start3A_402, %dma_start3A_403] : memref<2112x16xf32, #tpu.memory_space<hbm>> -> memref<2112x16xf32, #tpu.memory_space<hbm>>
    tpu.enqueue_indirect_dma source(%dma_start3A_399 : memref<2048x16xf32, #tpu.memory_space<vmem>>) target(%dma_start3A_404 : memref<2112x16xf32, #tpu.memory_space<hbm>>) offsets(%arg10 : memref<2048xi32, #tpu.memory_space<vmem>>) semaphore(%arg16 : memref<!tpu.dma_semaphore, #tpu.memory_space<semaphore_mem>>)
    %dma_wait3A_405 = arith.constant 2 : i32
    %dma_wait3A_406 = arith.constant 0 : i32
    %dma_wait3A_407 = arith.constant 0 : i32
    %dma_wait3A_408 = tpu.memref_slice %arg9[%dma_wait3A_405, %dma_wait3A_406, %dma_wait3A_407] : memref<3x2048x16xf32, #tpu.memory_space<vmem>> -> memref<1x2048x16xf32, #tpu.memory_space<vmem>>
    %dma_wait3A_409 = tpu.memref_squeeze %dma_wait3A_408 : memref<1x2048x16xf32, #tpu.memory_space<vmem>> -> memref<2048x16xf32, #tpu.memory_space<vmem>>
    %dma_wait3A_410 = arith.constant 0 : i32
    %dma_wait3A_411 = tpu.memref_slice %arg5[%mul3A_315, %dma_wait3A_410] : memref<540672x16xf32, #tpu.memory_space<hbm>> -> memref<2112x16xf32, #tpu.memory_space<hbm>>
    %dma_wait3A_412 = arith.constant 0 : i32
    %dma_wait3A_413 = arith.constant 0 : i32
    %dma_wait3A_414 = tpu.memref_slice %dma_wait3A_411[%dma_wait3A_412, %dma_wait3A_413] : memref<2112x16xf32, #tpu.memory_space<hbm>> -> memref<2112x16xf32, #tpu.memory_space<hbm>>
    tpu.wait_indirect_dma semaphore(%arg17 : memref<!tpu.dma_semaphore, #tpu.memory_space<semaphore_mem>>) src(%dma_wait3A_409 : memref<2048x16xf32, #tpu.memory_space<vmem>>) dst(%dma_wait3A_414 : memref<2112x16xf32, #tpu.memory_space<hbm>>)
    %dma_wait3A_415 = arith.constant 0 : i32
    %dma_wait3A_416 = arith.constant 0 : i32
    %dma_wait3A_417 = arith.constant 0 : i32
    %dma_wait3A_418 = tpu.memref_slice %arg9[%dma_wait3A_415, %dma_wait3A_416, %dma_wait3A_417] : memref<3x2048x16xf32, #tpu.memory_space<vmem>> -> memref<1x2048x16xf32, #tpu.memory_space<vmem>>
    %dma_wait3A_419 = tpu.memref_squeeze %dma_wait3A_418 : memref<1x2048x16xf32, #tpu.memory_space<vmem>> -> memref<2048x16xf32, #tpu.memory_space<vmem>>
    %dma_wait3A_420 = arith.constant 0 : i32
    %dma_wait3A_421 = tpu.memref_slice %arg5[%mul3A_368, %dma_wait3A_420] : memref<540672x16xf32, #tpu.memory_space<hbm>> -> memref<2112x16xf32, #tpu.memory_space<hbm>>
    %dma_wait3A_422 = arith.constant 0 : i32
    %dma_wait3A_423 = arith.constant 0 : i32
    %dma_wait3A_424 = tpu.memref_slice %dma_wait3A_421[%dma_wait3A_422, %dma_wait3A_423] : memref<2112x16xf32, #tpu.memory_space<hbm>> -> memref<2112x16xf32, #tpu.memory_space<hbm>>
    tpu.wait_indirect_dma semaphore(%arg15 : memref<!tpu.dma_semaphore, #tpu.memory_space<semaphore_mem>>) src(%dma_wait3A_419 : memref<2048x16xf32, #tpu.memory_space<vmem>>) dst(%dma_wait3A_424 : memref<2112x16xf32, #tpu.memory_space<hbm>>)
    %dma_wait3A_425 = arith.constant 1 : i32
    %dma_wait3A_426 = arith.constant 0 : i32
    %dma_wait3A_427 = arith.constant 0 : i32
    %dma_wait3A_428 = tpu.memref_slice %arg9[%dma_wait3A_425, %dma_wait3A_426, %dma_wait3A_427] : memref<3x2048x16xf32, #tpu.memory_space<vmem>> -> memref<1x2048x16xf32, #tpu.memory_space<vmem>>
    %dma_wait3A_429 = tpu.memref_squeeze %dma_wait3A_428 : memref<1x2048x16xf32, #tpu.memory_space<vmem>> -> memref<2048x16xf32, #tpu.memory_space<vmem>>
    %dma_wait3A_430 = arith.constant 0 : i32
    %dma_wait3A_431 = tpu.memref_slice %arg5[%mul3A_394, %dma_wait3A_430] : memref<540672x16xf32, #tpu.memory_space<hbm>> -> memref<2112x16xf32, #tpu.memory_space<hbm>>
    %dma_wait3A_432 = arith.constant 0 : i32
    %dma_wait3A_433 = arith.constant 0 : i32
    %dma_wait3A_434 = tpu.memref_slice %dma_wait3A_431[%dma_wait3A_432, %dma_wait3A_433] : memref<2112x16xf32, #tpu.memory_space<hbm>> -> memref<2112x16xf32, #tpu.memory_space<hbm>>
    tpu.wait_indirect_dma semaphore(%arg16 : memref<!tpu.dma_semaphore, #tpu.memory_space<semaphore_mem>>) src(%dma_wait3A_429 : memref<2048x16xf32, #tpu.memory_space<vmem>>) dst(%dma_wait3A_434 : memref<2112x16xf32, #tpu.memory_space<hbm>>)
    %dma_wait3A_435 = arith.constant 0 : i32
    %dma_wait3A_436 = tpu.memref_slice %arg3[%mul3A_2, %dma_wait3A_435] : memref<16384x16xf32, #tpu.memory_space<hbm>> -> memref<512x16xf32, #tpu.memory_space<hbm>>
    %dma_wait3A_437 = arith.constant 0 : i32
    %dma_wait3A_438 = tpu.memref_slice %arg3[%mul3A_2, %dma_wait3A_437] : memref<16384x16xf32, #tpu.memory_space<hbm>> -> memref<512x16xf32, #tpu.memory_space<hbm>>
    tpu.wait_dma2 semaphore(%arg18 : memref<!tpu.dma_semaphore, #tpu.memory_space<semaphore_mem>>) src(%dma_wait3A_438 : memref<512x16xf32, #tpu.memory_space<hbm>>) dst(%arg7 : memref<512x16xf32, #tpu.memory_space<vmem>>)
    %scan3A_439 = arith.constant 0 : i32
    %scan3A_440 = arith.constant 32 : i32
    %scan3A_441 = arith.addi %scan3A_439, %scan3A_440 : i32
    %scan3A_442 = arith.constant 1 : i32
    scf.for %scan3A_450 = %scan3A_439 to %scan3A_441 step %scan3A_442  : i32 {
      %mul3A_451 = arith.constant 1 : i32
      %mul3A_452 = arith.muli %scan3A_450, %mul3A_451 : i32
      %add3A_453 = arith.constant 0 : i32
      %add3A_454 = arith.addi %add3A_453, %mul3A_452 : i32
      %mul3A_455 = arith.constant 16 : i32
      %mul3A_456 = arith.muli %add3A_454, %mul3A_455 : i32
      %add3A_457 = arith.addi %mul3A_2, %mul3A_456 : i32
      %add3A_458 = vector.broadcast %add3A_457 : i32 to vector<16xi32>
      %add3A_459 = arith.addi %iota3A, %add3A_458 : vector<16xi32>
      %mul3A_460 = arith.constant 33 : i32
      %mul3A_461 = vector.broadcast %mul3A_460 : i32 to vector<16xi32>
      %mul3A_462 = arith.muli %add3A_459, %mul3A_461 : vector<16xi32>
      %add3A_463 = arith.constant 32 : i32
      %add3A_464 = vector.broadcast %add3A_463 : i32 to vector<16xi32>
      %add3A_465 = arith.addi %mul3A_462, %add3A_464 : vector<16xi32>
      %mul3A_466 = arith.constant 16 : i32
      %mul3A_467 = arith.muli %add3A_454, %mul3A_466 : i32
      %swap3A = arith.index_cast %mul3A_467 : i32 to index
      %swap3A_468 = tpu.vector_load %arg11[%swap3A] {strides = array<i32>} : memref<512xi32, #tpu.memory_space<vmem>>, vector<16xi32>,
      tpu.vector_store %arg11[%swap3A], %add3A_465 {strides = array<i32>} : memref<512xi32, #tpu.memory_space<vmem>>, vector<16xi32>,
    }
    %scan3A_443 = arith.constant 32 : i32
    %dma_start3A_444 = arith.constant 0 : i32
    %dma_start3A_445 = arith.constant 0 : i32
    %dma_start3A_446 = tpu.memref_slice %arg5[%dma_start3A_444, %dma_start3A_445] : memref<540672x16xf32, #tpu.memory_space<hbm>> -> memref<540672x16xf32, #tpu.memory_space<hbm>>
    tpu.enqueue_indirect_dma source(%arg7 : memref<512x16xf32, #tpu.memory_space<vmem>>) target(%dma_start3A_446 : memref<540672x16xf32, #tpu.memory_space<hbm>>) offsets(%arg11 : memref<512xi32, #tpu.memory_space<vmem>>) semaphore(%arg18 : memref<!tpu.dma_semaphore, #tpu.memory_space<semaphore_mem>>)
    %dma_wait3A_447 = arith.constant 0 : i32
    %dma_wait3A_448 = arith.constant 0 : i32
    %dma_wait3A_449 = tpu.memref_slice %arg5[%dma_wait3A_447, %dma_wait3A_448] : memref<540672x16xf32, #tpu.memory_space<hbm>> -> memref<540672x16xf32, #tpu.memory_space<hbm>>
    tpu.wait_indirect_dma semaphore(%arg18 : memref<!tpu.dma_semaphore, #tpu.memory_space<semaphore_mem>>) src(%arg7 : memref<512x16xf32, #tpu.memory_space<vmem>>) dst(%dma_wait3A_449 : memref<540672x16xf32, #tpu.memory_space<hbm>>)
    return
  }
}

</mosaic_0001>

<sc_bundles>
// kernel: kernel.4.cloned.1.call-start
scs
__scs_entry_jumppad:
0x0: {  	(pc) =	sbr.rel $0x88, $3  }
0x1: {  	(tag) =	ssettag $0x0;
	lr =	simm.s32 $0x1  }
0x2: {  	[smem:$0x3F9D] =	sst lr;
	_ =	strace $0xD0000000  }
0x3: {  	_ = 	snop  }
0x4: {  	_ = 	snop  }
0x5: {  	_ = 	snop  }
0x6: {  	_ = 	snop  }
0x7: {  	_ = 	snop  }
__scs_overlays_trampoline_lowered:
0x8: {  	[smem:$0x3FAC] =	sst s0  }
0x9: {  	[smem:$0x3FAD] =	sst s1  }
0xa: {  	[smem:$0x3FAE] =	sst s2  }
0xb: {  	[smem:$0x3FAF] =	sst s3  }
0xc: {  	[smem:$0x3FB0] =	sst s4  }
0xd: {  	[smem:$0x3FB1] =	sst s5  }
0xe: {  	[smem:$0x3FB2] =	sst s6  }
0xf: {  	[smem:$0x3FB3] =	sst s7  }
0x10: {  	[smem:$0x3FB4] =	sst s8  }
0x11: {  	[smem:$0x3FB5] =	sst s9;
	s0 =	simm.s32 @!p0 $0x0  }
0x12: {  	s1 =	sld [smem:$0x3F9B];
	s0 =	simm.s32 @p0 $0x1  }
0x13: {  	[smem:$0x3FB6] =	sst s0;
	s0 =	simm.s32 @!p1 $0x0  }
0x14: {  	s2 =	sld [smem:$0x3F9A];
	s0 =	simm.s32 @p1 $0x1  }
0x15: {  	[smem:$0x3FB7] =	sst s0;
	s0 =	simm.s32 @!p2 $0x0  }
0x16: {  	s3 =	sld [smem:$0x3FDB];
	s0 =	simm.s32 @p2 $0x1  }
0x17: {  	s4 =	simm.s32 $0x1BF5;
	[smem:$0x3FB9] =	sst s0  }
0x18: {  	s0 =	sld [smem:$0x3F9C];
	_ =	swait.ge [sflag:s4], $0x0  }
0x19: {  	s7 =	sld [smem:$0x3F9D]  }
0x1a: {  	s8 =	sadd.s32 $0xFFFFE003, lr  }
0x1b: {  	s9 =	sadd.s32 $0xFFFFFEF7, lr;
	s5 =	simm.s32 $0xFFFFFFFF;
	p2 =	slt.u32 s8, $0xFFFFF086  }
0x1c: {  	p1 =	slt.u32 s9, $0xF7A;
	s5 =	simm.s32 @!p2 $0x0  }
0x1d: {  	s5 =	simm.s32 @p1 $0x1;
	p0 =	seq.s32 s7, s2  }
0x1e: {  	s7 =	smul.u32 @!p0 $0xF7A, s2;
	p2 =	seq.s32 @!p0 s5, $0x0  }
0x1f: {  	s9 =	smul.u32 $0xF7A, s1;
	s8 =	simm.s32 @!p0 $0x1BF5;
	p2 =	por !p2, p0  }
0x20: {  	[sflag:s8] =	ssyncset.s32 @!p0 $0xFFFFF086;
	s6 =	sadd.s32 @!p0 s3, s7;
	s7 =	simm.s32 @!p0 $0x108  }
0x21: {  	s3 =	sadd.s32 s3, s9;
	s6 =	sadd.s32 @!p0 $0x88, s6;
	s7 =	simm.s32 @p2 $0x1082  }
0x22: {  	[simem:s7], [sflag:s8] =	dma.local @!p0 [hbm:s6], $0xF7A  }
0x23: {  	s9 =	sor.u32 $0xD0000000, s2;
	s6 =	simm.s32 $0x108;
	_ =	swait.ge @!p0 [sflag:s8], $0x0  }
0x24: {  	s3 =	sadd.s32 $0x88, s3;
	s6 =	simm.s32 @!p1 $0x1082;
	[sflag:s4] =	ssyncset.s32 $0xFFFFF086  }
0x25: {  	[simem:s6], [sflag:s4] =	dma.local [hbm:s3], $0xF7A  }
0x26: {  	[smem:$0x3F9D] =	sst s1;
	(tag) =	ssettag s2;
	_ =	strace s9  }
0x27: {  	s1 =	sld [smem:$0x3FAD]  }
0x28: {  	s2 =	sld [smem:$0x3FAE]  }
0x29: {  	s4 =	sld [smem:$0x3FB0]  }
0x2a: {  	p0 =	seq.s32 s5, $0x0;
	s5 =	sld [smem:$0x3FB1]  }
0x2b: {  	s6 =	sld [smem:$0x3FB2]  }
0x2c: {  	s7 =	sld [smem:$0x3FB3]  }
0x2d: {  	s3 =	simm.s32 $0x108;
	s8 =	sld [smem:$0x3FB4]  }
0x2e: {  	s3 =	simm.s32 @!p0 $0x1082;
	s9 =	sld [smem:$0x3FB5]  }
0x2f: {  	lr =	sadd.s32 s0, s3;
	s0 =	sld [smem:$0x3FAC]  }
0x30: {  	s3 =	sld [smem:$0x3FAF]  }
0x31: {  	[smem:$0x3FB8] =	sst s10  }
0x32: {  	s10 =	sld [smem:$0x3FB6];
	_ =	sdelay $0x3  }
0x33: {  	p0 =	seq.s32 s10, $0x1;
	s10 =	sld [smem:$0x3FB8];
	_ =	sdelay $0x3  }
0x34: {  	[smem:$0x3FB8] =	sst s10  }
0x35: {  	s10 =	sld [smem:$0x3FB7];
	_ =	sdelay $0x3  }
0x36: {  	p1 =	seq.s32 s10, $0x1;
	s10 =	sld [smem:$0x3FB8];
	_ =	sdelay $0x3  }
0x37: {  	[smem:$0x3FB8] =	sst s10  }
0x38: {  	s10 =	sld [smem:$0x3FB9]  }
0x39: {  	_ = 	snop;
	(pc) =	sbr.ind lr, $3  }
0x3a: {  	_ = 	snop  }
0x3b: {  	_ = 	snop  }
0x3c: {  	p2 =	seq.s32 s10, $0x1;
	s10 =	sld [smem:$0x3FB8]  }
0x3d: {  	_ =	shalt  }
0x3e: {  	_ =	shalt  }
0x3f: {  	_ =	shalt  }
0x40: {  	_ =	shalt  }
0x41: {  	_ =	shalt  }
0x42: {  	_ =	shalt  }
0x43: {  	_ =	shalt  }
0x44: {  	_ =	shalt  }
0x45: {  	_ =	shalt  }
0x46: {  	_ =	shalt  }
0x47: {  	_ =	shalt  }
0x48: {  	_ =	shalt  }
0x49: {  	_ =	shalt  }
0x4a: {  	_ =	shalt  }
0x4b: {  	_ =	shalt  }
0x4c: {  	_ =	shalt  }
0x4d: {  	_ =	shalt  }
0x4e: {  	_ =	shalt  }
0x4f: {  	_ =	shalt  }
0x50: {  	_ =	shalt  }
0x51: {  	_ =	shalt  }
0x52: {  	_ =	shalt  }
0x53: {  	_ =	shalt  }
0x54: {  	_ =	shalt  }
0x55: {  	_ =	shalt  }
0x56: {  	_ =	shalt  }
0x57: {  	_ =	shalt  }
0x58: {  	_ =	shalt  }
0x59: {  	_ =	shalt  }
0x5a: {  	_ =	shalt  }
0x5b: {  	_ =	shalt  }
0x5c: {  	_ =	shalt  }
0x5d: {  	_ =	shalt  }
0x5e: {  	_ =	shalt  }
0x5f: {  	_ =	shalt  }
0x60: {  	_ =	shalt  }
0x61: {  	_ =	shalt  }
0x62: {  	_ =	shalt  }
0x63: {  	_ =	shalt  }
0x64: {  	_ =	shalt  }
0x65: {  	_ =	shalt  }
0x66: {  	_ =	shalt  }
0x67: {  	_ =	shalt  }
0x68: {  	_ =	shalt  }
0x69: {  	_ =	shalt  }
0x6a: {  	_ =	shalt  }
0x6b: {  	_ =	shalt  }
0x6c: {  	_ =	shalt  }
0x6d: {  	_ =	shalt  }
0x6e: {  	_ =	shalt  }
0x6f: {  	_ =	shalt  }
0x70: {  	_ =	shalt  }
0x71: {  	_ =	shalt  }
0x72: {  	_ =	shalt  }
0x73: {  	_ =	shalt  }
0x74: {  	_ =	shalt  }
0x75: {  	_ =	shalt  }
0x76: {  	_ =	shalt  }
0x77: {  	_ =	shalt  }
0x78: {  	_ =	shalt  }
0x79: {  	_ =	shalt  }
0x7a: {  	_ =	shalt  }
0x7b: {  	_ =	shalt  }
0x7c: {  	_ =	shalt  }
0x7d: {  	_ =	shalt  }
0x7e: {  	_ =	shalt  }
0x7f: {  	_ =	shalt  }
0x80: {  	_ =	shalt  }
0x81: {  	_ =	shalt  }
0x82: {  	_ =	shalt  }
0x83: {  	_ =	shalt  }
0x84: {  	_ =	shalt  }
0x85: {  	_ =	shalt  }
0x86: {  	_ =	shalt  }
0x87: {  	_ =	shalt  }
.Lfunc_end0:
.L_simem_size_0:
called_computation.1_lowered:
.L_overlay_start_0:
0x88: {  	s2 =	sld [smem:$0x3FD9]  }
0x89: {  	s3 =	sld [smem:$0x3FFE];
	_ =	sdelay $0x1  }
0x8a: {  	s1 =	srdreg.scid  }
0x8b: {  	s0 =	sand.u32 $0x1, s1  }
0x8c: {  	s17 =	sshll.u32 s0, $0xA;
	s2 =	sadd.s32 s3, s2  }
0x8d: {  	s2 =	sadd.s32 s2, s17  }
0x8e: {  	[smem:$0x3FC4] =	sst s2  }
0x8f: {  	_ = 	snop  }
0x90: {  	s2 =	sld [smem:$0x3FC9]  }
0x91: {  	s18 =	sld [smem:$0x3FC7]  }
0x92: {  	s4 =	sld [smem:$0x3FC6];
	(tm) =	ssettm $0x1  }
0x93: {  	s5 =	sld [smem:$0x3FFB];
	_ =	sdelay $0x3  }
0x94: {  	_ =	strace s5  }
0x95: {  	s5 =	sld [smem:$0x3FFC];
	_ =	sdelay $0x3  }
0x96: {  	_ =	strace s5  }
0x97: {  	s5 =	sld [smem:$0x3FFD];
	_ =	sdelay $0x3  }
0x98: {  	_ =	strace s5  }
0x99: {  	_ =	strace $0x8FFFFFFF  }
0x9a: {  	s19 =	sld [smem:$0x3FDB];
	_ =	sdelay $0x1  }
0x9b: {  	s6 =	simm.s32 $_scs_section_size  }
0x9c: {  	s7 =	simm.s32 $_size__tile_overlayer_lowered;
	s8 =	simm.s32 $_tile_overlayer_lowered  }
0x9d: {  	s22 =	simm.s32 $0x1BFF;
	s21 =	sshll.u32 s8, $0x1;
	s5 =	sadd.s32 s6, s19  }
0x9e: {  	s9 =	simm.s32 $0x0;
	s20 =	sshll.u32 s7, $0x1;
	s7 =	sadd.s32 s21, s5  }
0x9f: {  	[timem:s9], [sflag:s22] =	dma.local [hbm:s7], s20  }
0xa0: {  	_ =	swait.ge [sflag:s22], s20  }
0xa1: {  	s6 =	ssub.s32 $0x0, s20;
	[sflag:s22] =	ssyncset.done $0x0  }
0xa2: {  	[sflag:s22] =	ssyncadd.s32 s6;
	_ =	sdelay $0x1  }
0xa3: {  	s23 =	simm.s32 $0x1B8B  }
0xa4: {  	_ =	swait.ge [sflag:s23], $0x1  }
0xa5: {  	[sflag:s23] =	ssyncset.done $0x0  }
0xa6: {  	s25 =	simm.s32 $0x1B8E;
	s24 =	sld [smem:$0x3FFE];
	[sflag:s23] =	ssyncadd.s32 $0xFFFFFFFF  }
0xa7: {  	s26 =	simm.s32 $execute0_lowered;
	[smem:$0x3FD2] =	sst s25  }
0xa8: {  	s7 =	sshll.u32 s26, $0x1;
	_ =	strace $0x80000046;
	[dreg:$0x1] =	wrdreg $0xFFFFFFFF  }
0xa9: {  	s28 =	simm.s32 $_size_execute0_lowered;
	s5 =	sadd.s32 s5, s7;
	[dreg:$0x0] =	wrdreg $0x0  }
0xaa: {  	s7 =	sshll.u32 s28, $0x1;
	[dreg:$0x2] =	wrdreg s5  }
0xab: {  	[dreg:$0x3] =	wrdreg s7  }
0xac: {  	[dreg:$0x4] =	wrdreg $0xC0  }
0xad: {  	_ =	task [dreg:s9], $0x5FFFF  }
0xae: {  	[dreg:$0x1] =	wrdreg $0xFFFFFFFF  }
0xaf: {  	[dreg:$0x0] =	wrdreg $0x60  }
0xb0: {  	[dreg:$0x2] =	wrdreg s2  }
0xb1: {  	[dreg:$0x3] =	wrdreg s18  }
0xb2: {  	[dreg:$0x4] =	wrdreg s4  }
0xb3: {  	[dreg:$0x5] =	wrdreg s24  }
0xb4: {  	[dreg:$0x6] =	wrdreg $0x9  }
0xb5: {  	_ =	task.clear_ibuf [dreg:s9], $0x7FFFF;
	_ =	strace $0x90000046  }
0xb6: {  	s29 =	simm.s32 $0x9;
	_ =	strace $0x80000048  }
0xb7: {  	_ =	swait.ge [sflag:s29], $0x1  }
0xb8: {  	[sflag:s29] =	ssyncadd.s32 $0xFFFFFFFF  }
0xb9: {  	_ =	strace $0x90000048  }
0xba: {  	_ =	sfence  }
0xbb: {  	s30 =	sld [smem:$0x0];
	_ =	sdelay $0x2  }
0xbc: {  	s31 =	sshll.u32 s1, $0xD;
	s1 =	sshrl.u32 s1, $0x2  }
0xbd: {  	s3 =	sand.u32 $0x4000, s31;
	s1 =	sadd.s32 s1, s30  }
0xbe: {  	s0 =	sor.u32 s3, s0;
	s1 =	sshll.u32 s1, $0x11  }
0xbf: {  	s0 =	sor.u32 s1, s0  }
0xc0: {  	s0 =	sadd.s32 $0x8F2B, s0  }
0xc1: {  	[sflag:s0] =	ssyncadd.remote.s32 $0x1  }
0xc2: {  	_ =	sfence.sel $0xFFFF  }
0xc3: {  	[dreg:$0x0] =	wrdreg $0xFFFFFFFF;
	(pc) =	sbr.abs _section_cstart, $3  }
0xc4: {  	[dreg:$0x1] =	wrdreg $0xFFFFFFFF  }
0xc5: {  	_ =	task.clear_ibuf [dreg:s9], $0x2FFFF;
	_ =	strace $0x9FFFFFFF  }
0xc6: {  	(tm) =	ssettm $0x7FFFFFFF  }
0xc7: {  	_ =	shalt  }
tec
execute0_lowered:
.L_overlay_start_1:
0x0: {  	(tag) =	ssettag $0x1  }
0x1: {  	s5 =	rddreg [dreg:$0x0]  }
0x2: {  	s1 =	rddreg [dreg:$0x1]  }
0x3: {  	s3 =	rddreg [dreg:$0x2]  }
0x4: {  	s6 =	rddreg [dreg:$0x3]  }
0x5: {  	s0 =	rddreg [dreg:$0x4];
	s7 =	srdreg.scid;
	v5 =	vlaneseq.u32  }
0x6: {  	s2 =	stileid.u32;
	s4 =	simm.s32 $0x0;
	s12 =	simm.s32 $0x1200;
	v0 =	vmul.u32 $0x8, v5  }
0x7: {  	s13 =	simm.s32 $0x2200;
	s14 =	simm.s32 $0x2000;
	s15 =	simm.s32 $0x4200  }
0x8: {  	s16 =	simm.s32 $0x1;
	s17 =	simm.s32 $0x2;
	s18 =	simm.s32 $0x6200;
	v5 =	vmul.u32 $0x10, v5;
	v1 =	vor.u32 $0x1, v0  }
0x9: {  	s7 =	sand.u32 $0x1, s7;
	s8 =	sshll.u32 s2, $0x1;
	[smem:$0x7FF] =	sst s4;
	v2 =	vor.u32 $0x2, v0;
	v3 =	vor.u32 $0x3, v0;
	v4 =	vor.u32 $0x4, v0  }
0xa: {  	s19 =	simm.s32 $0x0;
	s8 =	sor.u32 s7, s8;
	_ =	strace $0x80000047;
	v6 =	vor.u32 $0x5, v0;
	v7 =	vor.u32 $0x6, v0;
	v8 =	vor.u32 $0x7, v0  }
0xb: {  	s7 =	ssub.s32 $0x2, s7;
	s9 =	sshll.u32 s8, $0x9;
	s10 =	sshll.u32 s8, $0xA;
	v9 =	vor.u32 $0x1, v5;
	v10 =	vor.u32 $0x2, v5;
	v11 =	vor.u32 $0x3, v5  }
0xc: {  	s11 =	sshrl.u32 s7, $0x1;
	s31 =	sshll.u32 s8, $0x6;
	v12 =	vor.u32 $0x4, v5;
	v13 =	vor.u32 $0x5, v5;
	v14 =	vor.u32 $0x6, v5;
	s9 =	sadd.s32 s9, s6  }
0xd: {  	v15 =	vor.u32 $0x7, v5;
	v16 =	vor.u32 $0x8, v5;
	v17 =	vor.u32 $0x9, v5;
	s10 =	sadd.s32 s10, s6;
	s11 =	ssub.s32 s7, s11;
	s5 =	sadd.s32 s5, s31  }
0xe: {  	v18 =	vor.u32 $0xA, v5;
	v19 =	vor.u32 $0xB, v5;
	v20 =	vor.u32 $0xC, v5;
	s6 =	sadd.s32 $0x1200, s9;
	s7 =	sadd.s32 $0x5200, s10;
	s8 =	smax.u32 s11, $0x1  }
0xf: {  	v21 =	vor.u32 $0xD, v5;
	v22 =	vor.u32 $0xE, v5;
	v23 =	vor.u32 $0xF, v5;
	s9 =	simm.s32 $0x3;
	s10 =	simm.s32 $0x200;
	s11 =	simm.s32 $0x1000  }
.LBB2_1:
0x10: {  	[tilespmem:s4], [sflag:$0x3] =	stream.linear.gather [hbm4b:s5+s4], $0x200, $0x38;
	[tilespmem:$0x8200] =	vst v63  }
0x11: {  	_ =	swait.ge [sflag:s9], $0x200  }
0x12: {  	[sflag:s9] =	ssyncset.done $0x0  }
0x13: {  	[sflag:s9] =	ssyncadd.s32 $0xFFFFFE00  }
0x14: {  	v24 =	vld [tilespmem:s4+$0x0];
	_ =	sdelay $0x2  }
0x15: {  	v25 =	vor.u32 s4, v0  }
0x16: {  	v26 =	vor.u32 s4, v1  }
0x17: {  	v28 =	vor.u32 s4, v2;
	v27 =	vshll.u32 v24, $0x3  }
0x18: {  	v29 =	vor.u32 s4, v3;
	v24 =	vand.u32 $0x7F, v24;
	v27 =	vand.u32 $0xFFFFFC00, v27  }
0x19: {  	v27 =	vor.u32 v24, v27;
	v24 =	vor.u32 s4, v4  }
0x1a: {  	v30 =	vor.u32 s4, v6;
	[tilespmem:v25+s10+$0x0] =	vst.idx.msk $0xffff, v27;
	v25 =	vor.u32 $0x80, v27  }
0x1b: {  	[tilespmem:v26+s10+$0x0] =	vst.idx.msk $0xffff, v25;
	v25 =	vor.u32 $0x100, v27  }
0x1c: {  	[tilespmem:v28+s10+$0x0] =	vst.idx.msk $0xffff, v25;
	v25 =	vor.u32 $0x180, v27  }
0x1d: {  	v26 =	vor.u32 s4, v7;
	[tilespmem:v29+s10+$0x0] =	vst.idx.msk $0xffff, v25;
	v25 =	vor.u32 $0x200, v27  }
0x1e: {  	[tilespmem:v24+s10+$0x0] =	vst.idx.msk $0xffff, v25;
	v24 =	vor.u32 $0x280, v27  }
0x1f: {  	[tilespmem:v30+s10+$0x0] =	vst.idx.msk $0xffff, v24;
	v24 =	vor.u32 s4, v8;
	_ =	sdelay $0x1  }
0x20: {  	v25 =	vor.u32 $0x300, v27  }
0x21: {  	s20 =	simm.s32 $0x80;
	s21 =	simm.s32 $0x0;
	[tilespmem:v26+s10+$0x0] =	vst.idx.msk $0xffff, v25;
	v25 =	vor.u32 $0x380, v27  }
.LBB2_2:
0x22: {  	p0 =	sne.s32 s20, $0xF80  }
0x23: {  	[tilespmem:v24+s10+$0x0] =	vst.idx.msk $0xffff, v25;
	s21 =	sadd.s32 $0x10, s21;
	s22 =	smov.u32 s20;
	s20 =	sadd.s32 $0x80, s20  }
0x24: {  	v24 =	vld [tilespmem:s21+$0x0];
	_ =	sdelay $0x2  }
0x25: {  	v25 =	vor.u32 s22, v0  }
0x26: {  	v26 =	vor.u32 s22, v1  }
0x27: {  	v28 =	vor.u32 s22, v2;
	v27 =	vshll.u32 v24, $0x3  }
0x28: {  	v29 =	vor.u32 s22, v3;
	v24 =	vand.u32 $0x7F, v24;
	v27 =	vand.u32 $0xFFFFFC00, v27  }
0x29: {  	v30 =	vor.u32 s22, v4;
	v27 =	vor.u32 v24, v27  }
0x2a: {  	[tilespmem:v25+s10+$0x0] =	vst.idx.msk $0xffff, v27;
	v24 =	vor.u32 $0x80, v27;
	v25 =	vor.u32 s22, v6  }
0x2b: {  	[tilespmem:v26+s10+$0x0] =	vst.idx.msk $0xffff, v24;
	v24 =	vor.u32 $0x100, v27;
	v26 =	vor.u32 s22, v7  }
.Ltmp0:
0x2c: {  	[tilespmem:v28+s10+$0x0] =	vst.idx.msk $0xffff, v24;
	v28 =	vor.u32 $0x180, v27;
	v24 =	vor.u32 s22, v8;
	(pc) =	sbr.rel @p0 .LBB2_2-.Ltmp0, $4  }
0x2d: {  	[tilespmem:v29+s10+$0x0] =	vst.idx.msk $0xffff, v28;
	v28 =	vor.u32 $0x200, v27  }
0x2e: {  	[tilespmem:v30+s10+$0x0] =	vst.idx.msk $0xffff, v28;
	v28 =	vor.u32 $0x280, v27  }
0x2f: {  	[tilespmem:v25+s10+$0x0] =	vst.idx.msk $0xffff, v28;
	v25 =	vor.u32 $0x300, v27  }
0x30: {  	[tilespmem:v26+s10+$0x0] =	vst.idx.msk $0xffff, v25;
	v25 =	vor.u32 $0x380, v27  }
0x31: {  	_ =	sdelay $0x3  }
0x32: {  	[tilespmem:v24+s10+$0x0] =	vst.idx.msk $0xffff, v25;
	s20 =	simm.s32 $0x0  }
0x33: {  	[tilespmem:s12], [sflag:$0x1] =	stream.indirect.gather [hbm4b:s1+s11], $0x1, s10, s11, $0xb8;
	[tilespmem:$0x8200] =	vst v63  }
0x34: {  	v24 =	vld [tilespmem:s20+$0x0];
	_ =	sdelay $0x2  }
0x35: {  	v25 =	vor.u32 s20, v5  }
0x36: {  	v26 =	vor.u32 s20, v9  }
0x37: {  	v28 =	vor.u32 s20, v10;
	v27 =	vshll.u32 v24, $0x1  }
0x38: {  	v29 =	vor.u32 s20, v11;
	v24 =	vand.u32 $0x7F, v24;
	v27 =	vand.u32 $0xFFFFFF00, v27  }
0x39: {  	v27 =	vor.u32 v24, v27;
	v24 =	vor.u32 s20, v12  }
0x3a: {  	v30 =	vor.u32 s20, v13;
	[tilespmem:v25+s13+$0x0] =	vst.idx.msk $0xffff, v27;
	v25 =	vor.u32 $0x80, v27  }
0x3b: {  	[tilespmem:v26+s13+$0x0] =	vst.idx.msk $0xffff, v25;
	v25 =	vadd.s32 $0x80000, v27;
	v26 =	vor.u32 s20, v14  }
0x3c: {  	v59 =	vor.u32 s20, v15;
	[tilespmem:v28+s13+$0x0] =	vst.idx.msk $0xffff, v25;
	v25 =	vadd.s32 $0x80080, v27  }
0x3d: {  	v60 =	vor.u32 s20, v16;
	[tilespmem:v29+s13+$0x0] =	vst.idx.msk $0xffff, v25;
	v25 =	vadd.s32 $0x100000, v27  }
0x3e: {  	[tilespmem:v24+s13+$0x0] =	vst.idx.msk $0xffff, v25;
	v24 =	vadd.s32 $0x100080, v27;
	v25 =	vor.u32 s20, v17  }
0x3f: {  	v61 =	vor.u32 s20, v18;
	[tilespmem:v30+s13+$0x0] =	vst.idx.msk $0xffff, v24;
	v24 =	vadd.s32 $0x180000, v27  }
0x40: {  	[tilespmem:v26+s13+$0x0] =	vst.idx.msk $0xffff, v24;
	v24 =	vadd.s32 $0x180080, v27;
	v26 =	vor.u32 s20, v19  }
0x41: {  	v62 =	vor.u32 s20, v20;
	[tilespmem:v59+s13+$0x0] =	vst.idx.msk $0xffff, v24;
	v24 =	vadd.s32 $0x200000, v27  }
0x42: {  	v63 =	vor.u32 s20, v21;
	[tilespmem:v60+s13+$0x0] =	vst.idx.msk $0xffff, v24;
	v24 =	vadd.s32 $0x200080, v27  }
0x43: {  	[tilespmem:v25+s13+$0x0] =	vst.idx.msk $0xffff, v24;
	v24 =	vadd.s32 $0x280000, v27  }
0x44: {  	[tilespmem:v61+s13+$0x0] =	vst.idx.msk $0xffff, v24;
	v24 =	vadd.s32 $0x280080, v27  }
0x45: {  	v25 =	vor.u32 s20, v22;
	[tilespmem:v26+s13+$0x0] =	vst.idx.msk $0xffff, v24;
	v24 =	vadd.s32 $0x300000, v27  }
0x46: {  	[tilespmem:v62+s13+$0x0] =	vst.idx.msk $0xffff, v24;
	v24 =	vadd.s32 $0x300080, v27  }
0x47: {  	[tilespmem:v63+s13+$0x0] =	vst.idx.msk $0xffff, v24;
	v24 =	vor.u32 s20, v23;
	_ =	sdelay $0x1  }
0x48: {  	v26 =	vadd.s32 $0x380000, v27  }
0x49: {  	s21 =	simm.s32 $0x100;
	[tilespmem:v25+s13+$0x0] =	vst.idx.msk $0xffff, v26;
	v25 =	vadd.s32 $0x380080, v27  }
.LBB2_4:
0x4a: {  	p0 =	sne.s32 s21, $0x1F00  }
0x4b: {  	[tilespmem:v24+s13+$0x0] =	vst.idx.msk $0xffff, v25;
	s20 =	sadd.s32 $0x10, s20;
	s22 =	smov.u32 s21;
	s21 =	sadd.s32 $0x100, s21  }
0x4c: {  	v24 =	vld [tilespmem:s20+$0x0];
	_ =	sdelay $0x2  }
0x4d: {  	v25 =	vor.u32 s22, v5  }
0x4e: {  	v26 =	vor.u32 s22, v9  }
0x4f: {  	v28 =	vor.u32 s22, v10;
	v27 =	vshll.u32 v24, $0x1  }
0x50: {  	v29 =	vor.u32 s22, v11;
	v24 =	vand.u32 $0x7F, v24;
	v27 =	vand.u32 $0xFFFFFF00, v27  }
0x51: {  	v27 =	vor.u32 v24, v27;
	v24 =	vor.u32 s22, v12  }
0x52: {  	v30 =	vor.u32 s22, v13;
	[tilespmem:v25+s13+$0x0] =	vst.idx.msk $0xffff, v27;
	v25 =	vor.u32 $0x80, v27  }
0x53: {  	[tilespmem:v26+s13+$0x0] =	vst.idx.msk $0xffff, v25;
	v25 =	vadd.s32 $0x80000, v27;
	v26 =	vor.u32 s22, v14  }
0x54: {  	[tilespmem:v28+s13+$0x0] =	vst.idx.msk $0xffff, v25;
	v25 =	vadd.s32 $0x80080, v27;
	v28 =	vor.u32 s22, v15  }
0x55: {  	[tilespmem:v29+s13+$0x0] =	vst.idx.msk $0xffff, v25;
	v25 =	vadd.s32 $0x100000, v27;
	v29 =	vor.u32 s22, v16  }
0x56: {  	[tilespmem:v24+s13+$0x0] =	vst.idx.msk $0xffff, v25;
	v24 =	vadd.s32 $0x100080, v27;
	v25 =	vor.u32 s22, v17  }
0x57: {  	[tilespmem:v30+s13+$0x0] =	vst.idx.msk $0xffff, v24;
	v24 =	vadd.s32 $0x180000, v27;
	v30 =	vor.u32 s22, v18  }
0x58: {  	[tilespmem:v26+s13+$0x0] =	vst.idx.msk $0xffff, v24;
	v24 =	vadd.s32 $0x180080, v27;
	v26 =	vor.u32 s22, v19  }
0x59: {  	[tilespmem:v28+s13+$0x0] =	vst.idx.msk $0xffff, v24;
	v24 =	vadd.s32 $0x200000, v27;
	v28 =	vor.u32 s22, v20  }
0x5a: {  	[tilespmem:v29+s13+$0x0] =	vst.idx.msk $0xffff, v24;
	v24 =	vadd.s32 $0x200080, v27;
	v29 =	vor.u32 s22, v21  }
0x5b: {  	[tilespmem:v25+s13+$0x0] =	vst.idx.msk $0xffff, v24;
	v24 =	vadd.s32 $0x280000, v27;
	v25 =	vor.u32 s22, v22  }
.Ltmp1:
0x5c: {  	[tilespmem:v30+s13+$0x0] =	vst.idx.msk $0xffff, v24;
	v30 =	vadd.s32 $0x280080, v27;
	v24 =	vor.u32 s22, v23;
	(pc) =	sbr.rel @p0 .LBB2_4-.Ltmp1, $4  }
0x5d: {  	[tilespmem:v26+s13+$0x0] =	vst.idx.msk $0xffff, v30;
	v26 =	vadd.s32 $0x300000, v27  }
0x5e: {  	[tilespmem:v28+s13+$0x0] =	vst.idx.msk $0xffff, v26;
	v26 =	vadd.s32 $0x300080, v27  }
0x5f: {  	[tilespmem:v29+s13+$0x0] =	vst.idx.msk $0xffff, v26;
	v26 =	vadd.s32 $0x380000, v27  }
0x60: {  	[tilespmem:v25+s13+$0x0] =	vst.idx.msk $0xffff, v26;
	v25 =	vadd.s32 $0x380080, v27  }
0x61: {  	_ =	sdelay $0x3  }
0x62: {  	[tilespmem:v24+s13+$0x0] =	vst.idx.msk $0xffff, v25  }
0x63: {  	[tilespmem:s15], [sflag:$0x2] =	stream.indirect.gather [hbm4b:s3+s14], $0x1, s13, s14, $0xb8;
	[tilespmem:$0x8200] =	vst v63  }
0x64: {  	_ =	swait.ge [sflag:s16], $0x1000  }
0x65: {  	[sflag:s16] =	ssyncset.done $0x0  }
0x66: {  	s20 =	simm.s32 $0x0;
	[sflag:s16] =	ssyncadd.s32 $0xFFFFF000  }
0x67: {  	[hbm4b:s6+s20] =	stream.linear.scatter [tilespmem:s12], [sflag:$0x3], $0x1000, $0x38;
	[tilespmem:$0x8200] =	vst v63  }
0x68: {  	_ =	swait.ge [sflag:s9], $0x1000  }
0x69: {  	[sflag:s9] =	ssyncset.done $0x0  }
0x6a: {  	[sflag:s9] =	ssyncadd.s32 $0xFFFFF000  }
0x6b: {  	_ =	swait.ge [sflag:s17], $0x2000  }
0x6c: {  	[sflag:s17] =	ssyncset.done $0x0  }
0x6d: {  	s20 =	simm.s32 $0x0;
	[sflag:s17] =	ssyncadd.s32 $0xFFFFE000  }
0x6e: {  	s21 =	simm.s32 $0x40;
	v24 =	vld [tilespmem:s20+$0x4200]  }
.LBB2_6:
0x6f: {  	p0 =	sne.s32 s21, $0x7FC0  }
.Ltmp2:
0x70: {  	_ = 	snop;
	(pc) =	sbr.rel @p0 .LBB2_6-.Ltmp2, $3  }
0x71: {  	_ =	sdelay $0x1  }
0x72: {  	[tilespmem:s20+$0x6200] =	vst v24;
	s20 =	sshra.s32 s21, $0x2;
	s21 =	sadd.s32 $0x40, s21  }
0x73: {  	v24 =	vld [tilespmem:s20+$0x4200]  }
0x74: {  	_ =	sdelay $0x1  }
0x75: {  	s19 =	sadd.s32 $0x1, s19  }
0x76: {  	p0 =	sne.s32 s19, s8  }
.Ltmp3:
0x77: {  	[tilespmem:s20+$0x6200] =	vst v24;
	(pc) =	sbr.rel @p0 .LBB2_1-.Ltmp3, $4  }
0x78: {  	[hbm4b:s7+s4] =	stream.linear.scatter [tilespmem:s18], [sflag:$0x3], $0x2000, $0x38;
	[tilespmem:$0x8200] =	vst v63  }
0x79: {  	_ =	swait.ge [sflag:s9], $0x2000  }
0x7a: {  	[sflag:s9] =	ssyncset.done $0x0  }
0x7b: {  	[sflag:s9] =	ssyncadd.s32 $0xFFFFE000  }
0x7c: {  	_ =	sfence.sel $0x180000  }
0x7d: {  	[bflag:$0x0] =	sbarrier.arrive $0xFFFF  }
0x7e: {  	p0 =	sne.s32 s2, $0x0;
	_ =	strace $0x90000047  }
0x7f: {  	s0 =	sadd.s32 @!p0 $0x100000, s0;
	[bflag:$0x2] =	sbarrier.arrive $0xFFFF  }
0x80: {  	[sflag:s0] =	ssyncadd.tile.s32 @!p0 $0x1;
	_ =	shalt  }
.Lfunc_end2:
_tile_overlayer_lowered:
.L_overlay_start_2:
0x81: {  	(tag) =	ssettag $0x2  }
0x82: {  	s0 =	rddreg [dreg:$0x0];
	s2 =	stileid.u32  }
0x83: {  	s1 =	rddreg [dreg:$0x1];
	p0 =	sne.s32 s2, $0x0  }
0x84: {  	s3 =	rddreg [dreg:$0x2];
	[bflag:$0x3] =	sbarrier.arrive $0xFFFF;
	s2 =	simm.s32 @!p0 $0x1C03  }
0x85: {  	[timem:s3], [sflag:s2] =	dma.local @!p0 [hbm:s0], s1  }
0x86: {  	s0 =	simm.s32 @!p0 $0x3  }
0x87: {  	_ =	swait.ge @!p0 [sflag:s0], s1  }
0x88: {  	s1 =	ssub.s32 @!p0 $0x0, s1;
	[sflag:s0] =	ssyncset.done @!p0 $0x0  }
0x89: {  	[sflag:s0] =	ssyncadd.s32 @!p0 s1  }
0x8a: {  	[bflag:$0x3] =	sbarrier.arrive $0xFFFF  }
0x8b: {  	_ =	shalt  }

// kernel: kernel.7.cloned.1.call-start
scs
__scs_entry_jumppad:
0x0: {  	(pc) =	sbr.rel $0x88, $3  }
0x1: {  	(tag) =	ssettag $0x0;
	lr =	simm.s32 $0x1  }
0x2: {  	[smem:$0x3F9D] =	sst lr;
	_ =	strace $0xD0000000  }
0x3: {  	_ = 	snop  }
0x4: {  	_ = 	snop  }
0x5: {  	_ = 	snop  }
0x6: {  	_ = 	snop  }
0x7: {  	_ = 	snop  }
__scs_overlays_trampoline_lowered:
0x8: {  	[smem:$0x3FAC] =	sst s0  }
0x9: {  	[smem:$0x3FAD] =	sst s1  }
0xa: {  	[smem:$0x3FAE] =	sst s2  }
0xb: {  	[smem:$0x3FAF] =	sst s3  }
0xc: {  	[smem:$0x3FB0] =	sst s4  }
0xd: {  	[smem:$0x3FB1] =	sst s5  }
0xe: {  	[smem:$0x3FB2] =	sst s6  }
0xf: {  	[smem:$0x3FB3] =	sst s7  }
0x10: {  	[smem:$0x3FB4] =	sst s8  }
0x11: {  	[smem:$0x3FB5] =	sst s9;
	s0 =	simm.s32 @!p0 $0x0  }
0x12: {  	s1 =	sld [smem:$0x3F9B];
	s0 =	simm.s32 @p0 $0x1  }
0x13: {  	[smem:$0x3FB6] =	sst s0;
	s0 =	simm.s32 @!p1 $0x0  }
0x14: {  	s2 =	sld [smem:$0x3F9A];
	s0 =	simm.s32 @p1 $0x1  }
0x15: {  	[smem:$0x3FB7] =	sst s0;
	s0 =	simm.s32 @!p2 $0x0  }
0x16: {  	s3 =	sld [smem:$0x3FDB];
	s0 =	simm.s32 @p2 $0x1  }
0x17: {  	s4 =	simm.s32 $0x1BF5;
	[smem:$0x3FB9] =	sst s0  }
0x18: {  	s0 =	sld [smem:$0x3F9C];
	_ =	swait.ge [sflag:s4], $0x0  }
0x19: {  	s7 =	sld [smem:$0x3F9D]  }
0x1a: {  	s8 =	sadd.s32 $0xFFFFE003, lr  }
0x1b: {  	s9 =	sadd.s32 $0xFFFFFEF7, lr;
	s5 =	simm.s32 $0xFFFFFFFF;
	p2 =	slt.u32 s8, $0xFFFFF086  }
0x1c: {  	p1 =	slt.u32 s9, $0xF7A;
	s5 =	simm.s32 @!p2 $0x0  }
0x1d: {  	s5 =	simm.s32 @p1 $0x1;
	p0 =	seq.s32 s7, s2  }
0x1e: {  	s7 =	smul.u32 @!p0 $0xF7A, s2;
	p2 =	seq.s32 @!p0 s5, $0x0  }
0x1f: {  	s9 =	smul.u32 $0xF7A, s1;
	s8 =	simm.s32 @!p0 $0x1BF5;
	p2 =	por !p2, p0  }
0x20: {  	[sflag:s8] =	ssyncset.s32 @!p0 $0xFFFFF086;
	s6 =	sadd.s32 @!p0 s3, s7;
	s7 =	simm.s32 @!p0 $0x108  }
0x21: {  	s3 =	sadd.s32 s3, s9;
	s6 =	sadd.s32 @!p0 $0x88, s6;
	s7 =	simm.s32 @p2 $0x1082  }
0x22: {  	[simem:s7], [sflag:s8] =	dma.local @!p0 [hbm:s6], $0xF7A  }
0x23: {  	s9 =	sor.u32 $0xD0000000, s2;
	s6 =	simm.s32 $0x108;
	_ =	swait.ge @!p0 [sflag:s8], $0x0  }
0x24: {  	s3 =	sadd.s32 $0x88, s3;
	s6 =	simm.s32 @!p1 $0x1082;
	[sflag:s4] =	ssyncset.s32 $0xFFFFF086  }
0x25: {  	[simem:s6], [sflag:s4] =	dma.local [hbm:s3], $0xF7A  }
0x26: {  	[smem:$0x3F9D] =	sst s1;
	(tag) =	ssettag s2;
	_ =	strace s9  }
0x27: {  	s1 =	sld [smem:$0x3FAD]  }
0x28: {  	s2 =	sld [smem:$0x3FAE]  }
0x29: {  	s4 =	sld [smem:$0x3FB0]  }
0x2a: {  	p0 =	seq.s32 s5, $0x0;
	s5 =	sld [smem:$0x3FB1]  }
0x2b: {  	s6 =	sld [smem:$0x3FB2]  }
0x2c: {  	s7 =	sld [smem:$0x3FB3]  }
0x2d: {  	s3 =	simm.s32 $0x108;
	s8 =	sld [smem:$0x3FB4]  }
0x2e: {  	s3 =	simm.s32 @!p0 $0x1082;
	s9 =	sld [smem:$0x3FB5]  }
0x2f: {  	lr =	sadd.s32 s0, s3;
	s0 =	sld [smem:$0x3FAC]  }
0x30: {  	s3 =	sld [smem:$0x3FAF]  }
0x31: {  	[smem:$0x3FB8] =	sst s10  }
0x32: {  	s10 =	sld [smem:$0x3FB6];
	_ =	sdelay $0x3  }
0x33: {  	p0 =	seq.s32 s10, $0x1;
	s10 =	sld [smem:$0x3FB8];
	_ =	sdelay $0x3  }
0x34: {  	[smem:$0x3FB8] =	sst s10  }
0x35: {  	s10 =	sld [smem:$0x3FB7];
	_ =	sdelay $0x3  }
0x36: {  	p1 =	seq.s32 s10, $0x1;
	s10 =	sld [smem:$0x3FB8];
	_ =	sdelay $0x3  }
0x37: {  	[smem:$0x3FB8] =	sst s10  }
0x38: {  	s10 =	sld [smem:$0x3FB9]  }
0x39: {  	_ = 	snop;
	(pc) =	sbr.ind lr, $3  }
0x3a: {  	_ = 	snop  }
0x3b: {  	_ = 	snop  }
0x3c: {  	p2 =	seq.s32 s10, $0x1;
	s10 =	sld [smem:$0x3FB8]  }
0x3d: {  	_ =	shalt  }
0x3e: {  	_ =	shalt  }
0x3f: {  	_ =	shalt  }
0x40: {  	_ =	shalt  }
0x41: {  	_ =	shalt  }
0x42: {  	_ =	shalt  }
0x43: {  	_ =	shalt  }
0x44: {  	_ =	shalt  }
0x45: {  	_ =	shalt  }
0x46: {  	_ =	shalt  }
0x47: {  	_ =	shalt  }
0x48: {  	_ =	shalt  }
0x49: {  	_ =	shalt  }
0x4a: {  	_ =	shalt  }
0x4b: {  	_ =	shalt  }
0x4c: {  	_ =	shalt  }
0x4d: {  	_ =	shalt  }
0x4e: {  	_ =	shalt  }
0x4f: {  	_ =	shalt  }
0x50: {  	_ =	shalt  }
0x51: {  	_ =	shalt  }
0x52: {  	_ =	shalt  }
0x53: {  	_ =	shalt  }
0x54: {  	_ =	shalt  }
0x55: {  	_ =	shalt  }
0x56: {  	_ =	shalt  }
0x57: {  	_ =	shalt  }
0x58: {  	_ =	shalt  }
0x59: {  	_ =	shalt  }
0x5a: {  	_ =	shalt  }
0x5b: {  	_ =	shalt  }
0x5c: {  	_ =	shalt  }
0x5d: {  	_ =	shalt  }
0x5e: {  	_ =	shalt  }
0x5f: {  	_ =	shalt  }
0x60: {  	_ =	shalt  }
0x61: {  	_ =	shalt  }
0x62: {  	_ =	shalt  }
0x63: {  	_ =	shalt  }
0x64: {  	_ =	shalt  }
0x65: {  	_ =	shalt  }
0x66: {  	_ =	shalt  }
0x67: {  	_ =	shalt  }
0x68: {  	_ =	shalt  }
0x69: {  	_ =	shalt  }
0x6a: {  	_ =	shalt  }
0x6b: {  	_ =	shalt  }
0x6c: {  	_ =	shalt  }
0x6d: {  	_ =	shalt  }
0x6e: {  	_ =	shalt  }
0x6f: {  	_ =	shalt  }
0x70: {  	_ =	shalt  }
0x71: {  	_ =	shalt  }
0x72: {  	_ =	shalt  }
0x73: {  	_ =	shalt  }
0x74: {  	_ =	shalt  }
0x75: {  	_ =	shalt  }
0x76: {  	_ =	shalt  }
0x77: {  	_ =	shalt  }
0x78: {  	_ =	shalt  }
0x79: {  	_ =	shalt  }
0x7a: {  	_ =	shalt  }
0x7b: {  	_ =	shalt  }
0x7c: {  	_ =	shalt  }
0x7d: {  	_ =	shalt  }
0x7e: {  	_ =	shalt  }
0x7f: {  	_ =	shalt  }
0x80: {  	_ =	shalt  }
0x81: {  	_ =	shalt  }
0x82: {  	_ =	shalt  }
0x83: {  	_ =	shalt  }
0x84: {  	_ =	shalt  }
0x85: {  	_ =	shalt  }
0x86: {  	_ =	shalt  }
0x87: {  	_ =	shalt  }
.Lfunc_end0:
.L_simem_size_0:
called_computation.2_lowered:
.L_overlay_start_0:
0x88: {  	s2 =	sld [smem:$0x3FD9]  }
0x89: {  	s3 =	sld [smem:$0x3FFE];
	_ =	sdelay $0x1  }
0x8a: {  	s1 =	srdreg.scid  }
0x8b: {  	s0 =	sand.u32 $0x1, s1  }
0x8c: {  	s17 =	sshll.u32 s0, $0xA;
	s2 =	sadd.s32 s3, s2  }
0x8d: {  	s2 =	sadd.s32 s2, s17  }
0x8e: {  	[smem:$0x3FC4] =	sst s2  }
0x8f: {  	_ = 	snop  }
0x90: {  	s2 =	sld [smem:$0x3FD0];
	(tm) =	ssettm $0x1  }
0x91: {  	s18 =	sld [smem:$0x3FFB];
	_ =	sdelay $0x3  }
0x92: {  	_ =	strace s18  }
0x93: {  	s3 =	sld [smem:$0x3FFC];
	_ =	sdelay $0x3  }
0x94: {  	_ =	strace s3  }
0x95: {  	s3 =	sld [smem:$0x3FFD];
	_ =	sdelay $0x3  }
0x96: {  	_ =	strace s3  }
0x97: {  	_ =	strace $0x8FFFFFFF  }
0x98: {  	s19 =	sld [smem:$0x3FDB];
	_ =	sdelay $0x1  }
0x99: {  	s4 =	simm.s32 $_scs_section_size  }
0x9a: {  	s5 =	simm.s32 $_size__tile_overlayer_lowered;
	s6 =	simm.s32 $_tile_overlayer_lowered  }
0x9b: {  	s22 =	simm.s32 $0x1BFF;
	s21 =	sshll.u32 s6, $0x1;
	s3 =	sadd.s32 s4, s19  }
0x9c: {  	s7 =	simm.s32 $0x0;
	s20 =	sshll.u32 s5, $0x1;
	s5 =	sadd.s32 s21, s3  }
0x9d: {  	[timem:s7], [sflag:s22] =	dma.local [hbm:s5], s20  }
0x9e: {  	_ =	swait.ge [sflag:s22], s20  }
0x9f: {  	s4 =	ssub.s32 $0x0, s20;
	[sflag:s22] =	ssyncset.done $0x0  }
0xa0: {  	[sflag:s22] =	ssyncadd.s32 s4;
	_ =	sdelay $0x1  }
0xa1: {  	s23 =	simm.s32 $0x1B8B  }
0xa2: {  	_ =	swait.ge [sflag:s23], $0x1  }
0xa3: {  	[sflag:s23] =	ssyncset.done $0x0  }
0xa4: {  	s25 =	simm.s32 $0x1B8E;
	s24 =	sld [smem:$0x3FFE];
	[sflag:s23] =	ssyncadd.s32 $0xFFFFFFFF  }
0xa5: {  	s26 =	simm.s32 $execute0_lowered;
	[smem:$0x3FD2] =	sst s25  }
0xa6: {  	s5 =	sshll.u32 s26, $0x1;
	_ =	strace $0x80000049;
	[dreg:$0x1] =	wrdreg $0xFFFFFFFF  }
0xa7: {  	s28 =	simm.s32 $_size_execute0_lowered;
	s3 =	sadd.s32 s3, s5;
	[dreg:$0x0] =	wrdreg $0x0  }
0xa8: {  	s5 =	sshll.u32 s28, $0x1;
	[dreg:$0x2] =	wrdreg s3  }
0xa9: {  	[dreg:$0x3] =	wrdreg s5  }
0xaa: {  	[dreg:$0x4] =	wrdreg $0xC0  }
0xab: {  	_ =	task [dreg:s7], $0x5FFFF  }
0xac: {  	[dreg:$0x1] =	wrdreg $0xFFFFFFFF  }
0xad: {  	[dreg:$0x0] =	wrdreg $0x60  }
0xae: {  	[dreg:$0x2] =	wrdreg s24  }
0xaf: {  	[dreg:$0x3] =	wrdreg s2  }
0xb0: {  	[dreg:$0x4] =	wrdreg $0x9  }
0xb1: {  	_ =	task.clear_ibuf [dreg:s7], $0x5FFFF;
	_ =	strace $0x90000049  }
0xb2: {  	s29 =	simm.s32 $0x9;
	_ =	strace $0x8000004B  }
0xb3: {  	_ =	swait.ge [sflag:s29], $0x1  }
0xb4: {  	[sflag:s29] =	ssyncadd.s32 $0xFFFFFFFF  }
0xb5: {  	_ =	strace $0x9000004B  }
0xb6: {  	_ =	sfence  }
0xb7: {  	s30 =	sld [smem:$0x0];
	_ =	sdelay $0x2  }
0xb8: {  	s31 =	sshll.u32 s1, $0xD;
	s1 =	sshrl.u32 s1, $0x2  }
0xb9: {  	s3 =	sand.u32 $0x4000, s31;
	s1 =	sadd.s32 s1, s30  }
0xba: {  	s0 =	sor.u32 s3, s0;
	s1 =	sshll.u32 s1, $0x11  }
0xbb: {  	s0 =	sor.u32 s1, s0  }
0xbc: {  	s0 =	sadd.s32 $0x8F2B, s0  }
0xbd: {  	[sflag:s0] =	ssyncadd.remote.s32 $0x1  }
0xbe: {  	_ =	sfence.sel $0xFFFF  }
0xbf: {  	[dreg:$0x0] =	wrdreg $0xFFFFFFFF;
	(pc) =	sbr.abs _section_cstart, $3  }
0xc0: {  	[dreg:$0x1] =	wrdreg $0xFFFFFFFF  }
0xc1: {  	_ =	task.clear_ibuf [dreg:s7], $0x2FFFF;
	_ =	strace $0x9FFFFFFF  }
0xc2: {  	(tm) =	ssettm $0x7FFFFFFF  }
0xc3: {  	_ =	shalt  }
tec
execute0_lowered:
.L_overlay_start_1:
0x0: {  	(tag) =	ssettag $0x1  }
0x1: {  	s0 =	rddreg [dreg:$0x0]  }
0x2: {  	s10 =	rddreg [dreg:$0x1]  }
0x3: {  	s1 =	srdreg.scid;
	s9 =	stileid.u32;
	s3 =	simm.s32 $0x0  }
0x4: {  	s17 =	simm.s32 $0x8;
	s19 =	simm.s32 $0x3000;
	s28 =	simm.s32 $0x14800  }
0x5: {  	s29 =	simm.s32 $0x2;
	s30 =	simm.s32 $0x4;
	s31 =	simm.s32 $0x3  }
0x6: {  	s1 =	sand.u32 $0x1, s1;
	s2 =	sshll.u32 s9, $0x1;
	[smem:$0x7FF] =	sst s3  }
0x7: {  	s26 =	sshll.u32 s9, $0xA;
	s2 =	sor.u32 s1, s2;
	_ =	strace $0x8000004A  }
0x8: {  	s21 =	ssub.s32 $0x2, s1;
	s1 =	sshll.u32 s1, $0x9;
	s4 =	sshll.u32 s2, $0x9  }
0x9: {  	s20 =	sshll.u32 s2, $0xA;
	s6 =	smul.u32 $0x42000, s2;
	s8 =	sshrl.u32 s21, $0x1  }
0xa: {  	s2 =	smul.u32 $0x8400, s2;
	s16 =	sor.u32 s1, s26;
	s26 =	simm.s32 $0x4000  }
0xb: {  	s1 =	simm.s32 $0x6;
	s5 =	sadd.s32 s4, s0;
	s7 =	sadd.s32 s20, s0  }
0xc: {  	s4 =	sadd.s32 $0x193C00, s0;
	s0 =	ssub.s32 s21, s8;
	s20 =	simm.s32 $0x800  }
0xd: {  	s21 =	simm.s32 $0x4800;
	s6 =	sshrl.u32 s6, $0x3;
	s5 =	sadd.s32 $0x1200, s5  }
0xe: {  	s23 =	sadd.s32 $0x5200, s7;
	s2 =	sadd.s32 s10, s2;
	[dreg:$0x3] =	wrdreg s5  }
0xf: {  	s15 =	smax.u32 s0, $0x1;
	s7 =	simm.s32 $0x1000;
	[dreg:$0x4] =	wrdreg s23  }
0x10: {  	s0 =	simm.s32 $0x5;
	s22 =	sadd.s32 s10, s6;
	[dreg:$0x5] =	wrdreg s2  }
0x11: {  	v0 =	vlaneseq.u32;
	s23 =	simm.s32 $0xC800;
	s2 =	simm.s32 $0x7;
	s5 =	simm.s32 $0x0  }
0x12: {  	v2 =	vand.u32 $0x1, v0;
	v1 =	vmul.u32 $0x4, v0;
	s24 =	sadd.s32 $0x1080, s22;
	s25 =	sadd.s32 $0x2100, s22;
	s10 =	sadd.s32 $0x3180, s22  }
0x13: {  	v6 =	vmul.u32 $0x21, v0;
	v2 =	vmul.u32 $0x4, v2;
	s11 =	sadd.s32 $0x4200, s22;
	s12 =	sadd.s32 $0x5280, s22;
	s13 =	sadd.s32 $0x6300, s22  }
0x14: {  	v3 =	vor.u32 $0x1, v1;
	v4 =	vor.u32 $0x2, v1;
	s14 =	sadd.s32 $0x7380, s22;
	s22 =	simm.s32 $0x3800;
	[dreg:$0x6] =	wrdreg s24  }
0x15: {  	v5 =	vor.u32 $0x3, v1;
	v6 =	vadd.s32 $0x20, v6;
	v2 =	vor.u32 $0xFFFFFFF8, v2;
	[dreg:$0x7] =	wrdreg s25;
	s24 =	simm.s32 $0x1;
	s25 =	simm.s32 $0x1C800  }
.LBB2_1:
0x16: {  	s6 =	rddreg [dreg:$0x3];
	s9 =	simm.s32 $0x0  }
0x17: {  	[tilespmem:s3], [sflag:$0x8] =	stream.linear.gather [hbm4b:s6+s3], $0x1000, $0x38;
	[tilespmem:$0x1D200] =	vst v63  }
0x18: {  	s6 =	smul.u32 $0x21, s9;
	_ =	swait.ge [sflag:s17], $0x1000  }
0x19: {  	s18 =	sand.u32 $0x10, s3;
	[sflag:s17] =	ssyncset.done $0x0  }
0x1a: {  	s8 =	rddreg [dreg:$0x4];
	s6 =	sadd.s32 s18, s6;
	[sflag:s17] =	ssyncadd.s32 $0xFFFFF000  }
0x1b: {  	v7 =	vadd.s32 s6, v0;
	[tilespmem:s7], [sflag:$0x7] =	stream.linear.gather [hbm4b:s8+s3], $0x2000, $0x38;
	[tilespmem:$0x1D200] =	vst v63  }
0x1c: {  	s6 =	simm.s32 $0x1;
	s7 =	simm.s32 $0x0;
	s8 =	simm.s32 $0x1C800;
	[tilespmem:s25+$0x0] =	vst v7  }
.LBB2_2:
0x1d: {  	s18 =	sshrl.u32 s6, $0x1  }
0x1e: {  	p0 =	sne.s32 s6, $0x7F;
	s6 =	sadd.s32 $0x1, s6;
	s18 =	smul.u32 $0x21, s18  }
.Ltmp0:
0x1f: {  	s7 =	sadd.s32 $0x10, s7;
	(pc) =	sbr.rel @p0 .LBB2_2-.Ltmp0, $4  }
0x20: {  	s9 =	sand.u32 $0x10, s7  }
0x21: {  	s9 =	sadd.s32 s9, s18  }
0x22: {  	s8 =	sadd.s32 $0x10, s8;
	v7 =	vadd.s32 s9, v0  }
0x23: {  	[tilespmem:s8+$0x0] =	vst v7  }
0x24: {  	s8 =	simm.s32 $0x0;
	s6 =	simm.s32 $0x0  }
0x25: {  	v7 =	vld [tilespmem:s6+$0x0];
	v8 =	vor.u32 s8, v1  }
0x26: {  	v8 =	vand.u32 v2, v8  }
0x27: {  	v9 =	vor.u32 s8, v3;
	_ =	sdelay $0x2  }
0x28: {  	v10 =	vor.u32 s8, v4;
	v11 =	vshll.u32 v7, $0x2  }
0x29: {  	[tilespmem:v8+s19+$0x0] =	vst.idx.msk $0xffff, v11;
	v7 =	vor.u32 $0x1, v11  }
0x2a: {  	[tilespmem:v9+s19+$0x0] =	vst.idx.msk $0xffff, v7;
	v7 =	vor.u32 s8, v5;
	_ =	sdelay $0x1  }
0x2b: {  	v8 =	vor.u32 $0x2, v11  }
0x2c: {  	s7 =	simm.s32 $0x80;
	s6 =	simm.s32 $0x40;
	[tilespmem:v10+s19+$0x0] =	vst.idx.msk $0xffff, v8;
	v8 =	vor.u32 $0x3, v11  }
.LBB2_4:
0x2d: {  	p0 =	sne.s32 s7, $0x7C0  }
0x2e: {  	s8 =	sshra.s32 s6, $0x2;
	[tilespmem:v7+s19+$0x0] =	vst.idx.msk $0xffff, v8;
	s9 =	smov.u32 s7;
	s7 =	sadd.s32 $0x40, s7  }
0x2f: {  	v7 =	vor.u32 s6, v1;
	v8 =	vld [tilespmem:s8+$0x0]  }
0x30: {  	v9 =	vand.u32 v2, v7  }
0x31: {  	v10 =	vor.u32 s6, v3  }
0x32: {  	v11 =	vor.u32 s6, v4  }
.Ltmp1:
0x33: {  	v7 =	vor.u32 s6, v5;
	s6 =	smov.u32 s9;
	(pc) =	sbr.rel @p0 .LBB2_4-.Ltmp1, $4  }
0x34: {  	v8 =	vshll.u32 v8, $0x2  }
0x35: {  	[tilespmem:v9+s19+$0x0] =	vst.idx.msk $0xffff, v8;
	v9 =	vor.u32 $0x1, v8  }
0x36: {  	[tilespmem:v10+s19+$0x0] =	vst.idx.msk $0xffff, v9;
	v9 =	vor.u32 $0x2, v8  }
0x37: {  	v8 =	vor.u32 $0x3, v8;
	[tilespmem:v11+s19+$0x0] =	vst.idx.msk $0xffff, v9  }
0x38: {  	_ =	sdelay $0x3  }
0x39: {  	s7 =	sshra.s32 s6, $0x2;
	[tilespmem:v7+s19+$0x0] =	vst.idx.msk $0xffff, v8  }
0x3a: {  	v8 =	vor.u32 s6, v1;
	v7 =	vld [tilespmem:s7+$0x0]  }
0x3b: {  	v8 =	vand.u32 v2, v8  }
0x3c: {  	v9 =	vor.u32 s6, v3  }
0x3d: {  	v10 =	vor.u32 s6, v4  }
0x3e: {  	v11 =	vor.u32 s6, v5  }
0x3f: {  	v7 =	vshll.u32 v7, $0x2  }
0x40: {  	[tilespmem:v8+s19+$0x0] =	vst.idx.msk $0xffff, v7;
	v8 =	vor.u32 $0x1, v7  }
0x41: {  	[tilespmem:v9+s19+$0x0] =	vst.idx.msk $0xffff, v8;
	v8 =	vor.u32 $0x2, v7  }
0x42: {  	v7 =	vor.u32 $0x3, v7;
	[tilespmem:v10+s19+$0x0] =	vst.idx.msk $0xffff, v8  }
0x43: {  	s8 =	simm.s32 $0x0;
	s18 =	simm.s32 $0x0;
	[tilespmem:v11+s19+$0x0] =	vst.idx.msk $0xffff, v7  }
0x44: {  	[tilespmem:s21], [sflag:$0x1] =	stream.indirect.gather [hbm4b:s4+s20], $0x10, s19, s20, $0xb8;
	[tilespmem:$0x1D200] =	vst v63  }
0x45: {  	v8 =	vor.u32 s8, v1;
	v7 =	vld [tilespmem:s18+$0x200]  }
0x46: {  	v8 =	vand.u32 v2, v8  }
0x47: {  	v9 =	vor.u32 s8, v3;
	_ =	sdelay $0x2  }
0x48: {  	v10 =	vor.u32 s8, v4;
	v11 =	vshll.u32 v7, $0x2  }
0x49: {  	[tilespmem:v8+s22+$0x0] =	vst.idx.msk $0xffff, v11;
	v7 =	vor.u32 $0x1, v11  }
0x4a: {  	[tilespmem:v9+s22+$0x0] =	vst.idx.msk $0xffff, v7;
	v7 =	vor.u32 s8, v5;
	_ =	sdelay $0x1  }
0x4b: {  	v8 =	vor.u32 $0x2, v11  }
0x4c: {  	s6 =	simm.s32 $0x40;
	s7 =	simm.s32 $0x80;
	[tilespmem:v10+s22+$0x0] =	vst.idx.msk $0xffff, v8;
	v8 =	vor.u32 $0x3, v11  }
.LBB2_6:
0x4d: {  	p0 =	sne.s32 s7, $0x7C0  }
0x4e: {  	s8 =	sshra.s32 s6, $0x2;
	[tilespmem:v7+s22+$0x0] =	vst.idx.msk $0xffff, v8;
	s9 =	smov.u32 s7;
	s7 =	sadd.s32 $0x40, s7  }
0x4f: {  	v7 =	vor.u32 s6, v1;
	v8 =	vld [tilespmem:s8+$0x200]  }
0x50: {  	v9 =	vand.u32 v2, v7  }
0x51: {  	v10 =	vor.u32 s6, v3  }
0x52: {  	v11 =	vor.u32 s6, v4  }
.Ltmp2:
0x53: {  	v7 =	vor.u32 s6, v5;
	s6 =	smov.u32 s9;
	(pc) =	sbr.rel @p0 .LBB2_6-.Ltmp2, $4  }
0x54: {  	v8 =	vshll.u32 v8, $0x2  }
0x55: {  	[tilespmem:v9+s22+$0x0] =	vst.idx.msk $0xffff, v8;
	v9 =	vor.u32 $0x1, v8  }
0x56: {  	[tilespmem:v10+s22+$0x0] =	vst.idx.msk $0xffff, v9;
	v9 =	vor.u32 $0x2, v8  }
0x57: {  	v8 =	vor.u32 $0x3, v8;
	[tilespmem:v11+s22+$0x0] =	vst.idx.msk $0xffff, v9  }
0x58: {  	_ =	sdelay $0x3  }
0x59: {  	s7 =	sshra.s32 s6, $0x2;
	[tilespmem:v7+s22+$0x0] =	vst.idx.msk $0xffff, v8  }
0x5a: {  	v8 =	vor.u32 s6, v1;
	v7 =	vld [tilespmem:s7+$0x200]  }
0x5b: {  	v8 =	vand.u32 v2, v8  }
0x5c: {  	v9 =	vor.u32 s6, v3  }
0x5d: {  	v10 =	vor.u32 s6, v4  }
0x5e: {  	v11 =	vor.u32 s6, v5  }
0x5f: {  	v7 =	vshll.u32 v7, $0x2  }
0x60: {  	[tilespmem:v8+s22+$0x0] =	vst.idx.msk $0xffff, v7;
	v8 =	vor.u32 $0x1, v7  }
0x61: {  	[tilespmem:v9+s22+$0x0] =	vst.idx.msk $0xffff, v8;
	v8 =	vor.u32 $0x2, v7  }
0x62: {  	v7 =	vor.u32 $0x3, v7;
	[tilespmem:v10+s22+$0x0] =	vst.idx.msk $0xffff, v8  }
0x63: {  	[tilespmem:v11+s22+$0x0] =	vst.idx.msk $0xffff, v7  }
0x64: {  	[tilespmem:s23], [sflag:$0x2] =	stream.indirect.gather [hbm4b:s4+s20], $0x10, s22, s20, $0xb8;
	[tilespmem:$0x1D200] =	vst v63  }
0x65: {  	_ =	swait.ge [sflag:s24], $0x8000  }
0x66: {  	s8 =	simm.s32 $0x0;
	[sflag:s24] =	ssyncset.done $0x0  }
0x67: {  	s18 =	simm.s32 $0x0;
	s9 =	rddreg [dreg:$0x5];
	[sflag:s24] =	ssyncadd.s32 $0xFFFF8000  }
0x68: {  	[hbm4b:s9+s20] =	stream.indirect.scatter [tilespmem:s21], [sflag:$0x4], $0x10, s25, s20, $0xb8;
	[tilespmem:$0x1D200] =	vst v63  }
0x69: {  	v8 =	vor.u32 s8, v1;
	v7 =	vld [tilespmem:s18+$0x400]  }
0x6a: {  	v8 =	vand.u32 v2, v8  }
0x6b: {  	v9 =	vor.u32 s8, v3;
	_ =	sdelay $0x2  }
0x6c: {  	v10 =	vor.u32 s8, v4;
	v11 =	vshll.u32 v7, $0x2  }
0x6d: {  	[tilespmem:v8+s26+$0x0] =	vst.idx.msk $0xffff, v11;
	v7 =	vor.u32 $0x1, v11  }
0x6e: {  	[tilespmem:v9+s26+$0x0] =	vst.idx.msk $0xffff, v7;
	v7 =	vor.u32 s8, v5;
	_ =	sdelay $0x1  }
0x6f: {  	v8 =	vor.u32 $0x2, v11  }
0x70: {  	s6 =	simm.s32 $0x40;
	s7 =	simm.s32 $0x80;
	[tilespmem:v10+s26+$0x0] =	vst.idx.msk $0xffff, v8;
	v8 =	vor.u32 $0x3, v11  }
.LBB2_8:
0x71: {  	p0 =	sne.s32 s7, $0x7C0  }
0x72: {  	s8 =	sshra.s32 s6, $0x2;
	[tilespmem:v7+s26+$0x0] =	vst.idx.msk $0xffff, v8;
	s9 =	smov.u32 s7;
	s7 =	sadd.s32 $0x40, s7  }
0x73: {  	v7 =	vor.u32 s6, v1;
	v8 =	vld [tilespmem:s8+$0x400]  }
0x74: {  	v9 =	vand.u32 v2, v7  }
0x75: {  	v10 =	vor.u32 s6, v3  }
0x76: {  	v11 =	vor.u32 s6, v4  }
.Ltmp3:
0x77: {  	v7 =	vor.u32 s6, v5;
	s6 =	smov.u32 s9;
	(pc) =	sbr.rel @p0 .LBB2_8-.Ltmp3, $4  }
0x78: {  	v8 =	vshll.u32 v8, $0x2  }
0x79: {  	[tilespmem:v9+s26+$0x0] =	vst.idx.msk $0xffff, v8;
	v9 =	vor.u32 $0x1, v8  }
0x7a: {  	[tilespmem:v10+s26+$0x0] =	vst.idx.msk $0xffff, v9;
	v9 =	vor.u32 $0x2, v8  }
0x7b: {  	v8 =	vor.u32 $0x3, v8;
	[tilespmem:v11+s26+$0x0] =	vst.idx.msk $0xffff, v9  }
0x7c: {  	_ =	sdelay $0x3  }
0x7d: {  	s7 =	sshra.s32 s6, $0x2;
	[tilespmem:v7+s26+$0x0] =	vst.idx.msk $0xffff, v8  }
0x7e: {  	v8 =	vor.u32 s6, v1;
	v7 =	vld [tilespmem:s7+$0x400]  }
0x7f: {  	v8 =	vand.u32 v2, v8  }
0x80: {  	v9 =	vor.u32 s6, v3  }
0x81: {  	v10 =	vor.u32 s6, v4  }
0x82: {  	v11 =	vor.u32 s6, v5  }
0x83: {  	v7 =	vshll.u32 v7, $0x2  }
0x84: {  	[tilespmem:v8+s26+$0x0] =	vst.idx.msk $0xffff, v7;
	v8 =	vor.u32 $0x1, v7  }
0x85: {  	[tilespmem:v9+s26+$0x0] =	vst.idx.msk $0xffff, v8;
	v8 =	vor.u32 $0x2, v7  }
0x86: {  	v7 =	vor.u32 $0x3, v7;
	[tilespmem:v10+s26+$0x0] =	vst.idx.msk $0xffff, v8  }
0x87: {  	[tilespmem:v11+s26+$0x0] =	vst.idx.msk $0xffff, v7  }
0x88: {  	[tilespmem:s28], [sflag:$0x3] =	stream.indirect.gather [hbm4b:s4+s20], $0x10, s26, s20, $0xb8;
	[tilespmem:$0x1D200] =	vst v63  }
0x89: {  	_ =	swait.ge [sflag:s29], $0x8000  }
0x8a: {  	[sflag:s29] =	ssyncset.done $0x0  }
0x8b: {  	s9 =	rddreg [dreg:$0x6];
	[sflag:s29] =	ssyncadd.s32 $0xFFFF8000  }
0x8c: {  	[hbm4b:s9+s20] =	stream.indirect.scatter [tilespmem:s23], [sflag:$0x5], $0x10, s25, s20, $0xb8;
	[tilespmem:$0x1D200] =	vst v63  }
0x8d: {  	_ =	swait.ge [sflag:s30], $0x8000  }
0x8e: {  	[sflag:s30] =	ssyncset.done $0x0  }
0x8f: {  	s8 =	simm.s32 $0x0;
	s18 =	simm.s32 $0x0;
	[sflag:s30] =	ssyncadd.s32 $0xFFFF8000  }
0x90: {  	v8 =	vor.u32 s8, v1;
	v7 =	vld [tilespmem:s18+$0x600]  }
0x91: {  	v8 =	vand.u32 v2, v8  }
0x92: {  	v9 =	vor.u32 s8, v3;
	_ =	sdelay $0x2  }
0x93: {  	v10 =	vor.u32 s8, v4;
	v11 =	vshll.u32 v7, $0x2  }
0x94: {  	[tilespmem:v8+s19+$0x0] =	vst.idx.msk $0xffff, v11;
	v7 =	vor.u32 $0x1, v11  }
0x95: {  	[tilespmem:v9+s19+$0x0] =	vst.idx.msk $0xffff, v7;
	v7 =	vor.u32 s8, v5;
	_ =	sdelay $0x1  }
0x96: {  	v8 =	vor.u32 $0x2, v11  }
0x97: {  	s6 =	simm.s32 $0x40;
	s7 =	simm.s32 $0x80;
	[tilespmem:v10+s19+$0x0] =	vst.idx.msk $0xffff, v8;
	v8 =	vor.u32 $0x3, v11  }
.LBB2_10:
0x98: {  	p0 =	sne.s32 s7, $0x7C0  }
0x99: {  	s8 =	sshra.s32 s6, $0x2;
	[tilespmem:v7+s19+$0x0] =	vst.idx.msk $0xffff, v8;
	s9 =	smov.u32 s7;
	s7 =	sadd.s32 $0x40, s7  }
0x9a: {  	v7 =	vor.u32 s6, v1;
	v8 =	vld [tilespmem:s8+$0x600]  }
0x9b: {  	v9 =	vand.u32 v2, v7  }
0x9c: {  	v10 =	vor.u32 s6, v3  }
0x9d: {  	v11 =	vor.u32 s6, v4  }
.Ltmp4:
0x9e: {  	v7 =	vor.u32 s6, v5;
	s6 =	smov.u32 s9;
	(pc) =	sbr.rel @p0 .LBB2_10-.Ltmp4, $4  }
0x9f: {  	v8 =	vshll.u32 v8, $0x2  }
0xa0: {  	[tilespmem:v9+s19+$0x0] =	vst.idx.msk $0xffff, v8;
	v9 =	vor.u32 $0x1, v8  }
0xa1: {  	[tilespmem:v10+s19+$0x0] =	vst.idx.msk $0xffff, v9;
	v9 =	vor.u32 $0x2, v8  }
0xa2: {  	v8 =	vor.u32 $0x3, v8;
	[tilespmem:v11+s19+$0x0] =	vst.idx.msk $0xffff, v9  }
0xa3: {  	_ =	sdelay $0x3  }
0xa4: {  	s7 =	sshra.s32 s6, $0x2;
	[tilespmem:v7+s19+$0x0] =	vst.idx.msk $0xffff, v8  }
0xa5: {  	v8 =	vor.u32 s6, v1;
	v7 =	vld [tilespmem:s7+$0x600]  }
0xa6: {  	v8 =	vand.u32 v2, v8  }
0xa7: {  	v9 =	vor.u32 s6, v3  }
0xa8: {  	v10 =	vor.u32 s6, v4  }
0xa9: {  	v11 =	vor.u32 s6, v5  }
0xaa: {  	v7 =	vshll.u32 v7, $0x2  }
0xab: {  	[tilespmem:v8+s19+$0x0] =	vst.idx.msk $0xffff, v7;
	v8 =	vor.u32 $0x1, v7  }
0xac: {  	[tilespmem:v9+s19+$0x0] =	vst.idx.msk $0xffff, v8;
	v8 =	vor.u32 $0x2, v7  }
0xad: {  	v7 =	vor.u32 $0x3, v7;
	[tilespmem:v10+s19+$0x0] =	vst.idx.msk $0xffff, v8  }
0xae: {  	[tilespmem:v11+s19+$0x0] =	vst.idx.msk $0xffff, v7  }
0xaf: {  	[tilespmem:s21], [sflag:$0x1] =	stream.indirect.gather [hbm4b:s4+s20], $0x10, s19, s20, $0xb8;
	[tilespmem:$0x1D200] =	vst v63  }
0xb0: {  	_ =	swait.ge [sflag:s31], $0x8000  }
0xb1: {  	[sflag:s31] =	ssyncset.done $0x0  }
0xb2: {  	s9 =	rddreg [dreg:$0x7];
	[sflag:s31] =	ssyncadd.s32 $0xFFFF8000  }
0xb3: {  	[hbm4b:s9+s20] =	stream.indirect.scatter [tilespmem:s28], [sflag:$0x6], $0x10, s25, s20, $0xb8;
	[tilespmem:$0x1D200] =	vst v63  }
0xb4: {  	_ =	swait.ge [sflag:s0], $0x8000  }
0xb5: {  	[sflag:s0] =	ssyncset.done $0x0  }
0xb6: {  	s8 =	simm.s32 $0x0;
	s18 =	simm.s32 $0x0;
	[sflag:s0] =	ssyncadd.s32 $0xFFFF8000  }
0xb7: {  	v8 =	vor.u32 s8, v1;
	v7 =	vld [tilespmem:s18+$0x800]  }
0xb8: {  	v8 =	vand.u32 v2, v8  }
0xb9: {  	v9 =	vor.u32 s8, v3;
	_ =	sdelay $0x2  }
0xba: {  	v10 =	vor.u32 s8, v4;
	v11 =	vshll.u32 v7, $0x2  }
0xbb: {  	[tilespmem:v8+s22+$0x0] =	vst.idx.msk $0xffff, v11;
	v7 =	vor.u32 $0x1, v11  }
0xbc: {  	[tilespmem:v9+s22+$0x0] =	vst.idx.msk $0xffff, v7;
	v7 =	vor.u32 s8, v5;
	_ =	sdelay $0x1  }
0xbd: {  	v8 =	vor.u32 $0x2, v11  }
0xbe: {  	s6 =	simm.s32 $0x40;
	s7 =	simm.s32 $0x80;
	[tilespmem:v10+s22+$0x0] =	vst.idx.msk $0xffff, v8;
	v8 =	vor.u32 $0x3, v11  }
.LBB2_12:
0xbf: {  	p0 =	sne.s32 s7, $0x7C0  }
0xc0: {  	s8 =	sshra.s32 s6, $0x2;
	[tilespmem:v7+s22+$0x0] =	vst.idx.msk $0xffff, v8;
	s9 =	smov.u32 s7;
	s7 =	sadd.s32 $0x40, s7  }
0xc1: {  	v7 =	vor.u32 s6, v1;
	v8 =	vld [tilespmem:s8+$0x800]  }
0xc2: {  	v9 =	vand.u32 v2, v7  }
0xc3: {  	v10 =	vor.u32 s6, v3  }
0xc4: {  	v11 =	vor.u32 s6, v4  }
.Ltmp5:
0xc5: {  	v7 =	vor.u32 s6, v5;
	s6 =	smov.u32 s9;
	(pc) =	sbr.rel @p0 .LBB2_12-.Ltmp5, $4  }
0xc6: {  	v8 =	vshll.u32 v8, $0x2  }
0xc7: {  	[tilespmem:v9+s22+$0x0] =	vst.idx.msk $0xffff, v8;
	v9 =	vor.u32 $0x1, v8  }
0xc8: {  	[tilespmem:v10+s22+$0x0] =	vst.idx.msk $0xffff, v9;
	v9 =	vor.u32 $0x2, v8  }
0xc9: {  	v8 =	vor.u32 $0x3, v8;
	[tilespmem:v11+s22+$0x0] =	vst.idx.msk $0xffff, v9  }
0xca: {  	_ =	sdelay $0x3  }
0xcb: {  	s7 =	sshra.s32 s6, $0x2;
	[tilespmem:v7+s22+$0x0] =	vst.idx.msk $0xffff, v8  }
0xcc: {  	v8 =	vor.u32 s6, v1;
	v7 =	vld [tilespmem:s7+$0x800]  }
0xcd: {  	v8 =	vand.u32 v2, v8  }
0xce: {  	v9 =	vor.u32 s6, v3  }
0xcf: {  	v10 =	vor.u32 s6, v4  }
0xd0: {  	v11 =	vor.u32 s6, v5  }
0xd1: {  	v7 =	vshll.u32 v7, $0x2  }
0xd2: {  	[tilespmem:v8+s22+$0x0] =	vst.idx.msk $0xffff, v7;
	v8 =	vor.u32 $0x1, v7  }
0xd3: {  	[tilespmem:v9+s22+$0x0] =	vst.idx.msk $0xffff, v8;
	v8 =	vor.u32 $0x2, v7  }
0xd4: {  	v7 =	vor.u32 $0x3, v7;
	[tilespmem:v10+s22+$0x0] =	vst.idx.msk $0xffff, v8  }
0xd5: {  	[tilespmem:v11+s22+$0x0] =	vst.idx.msk $0xffff, v7  }
0xd6: {  	[tilespmem:s23], [sflag:$0x2] =	stream.indirect.gather [hbm4b:s4+s20], $0x10, s22, s20, $0xb8;
	[tilespmem:$0x1D200] =	vst v63  }
0xd7: {  	_ =	swait.ge [sflag:s24], $0x8000  }
0xd8: {  	[sflag:s24] =	ssyncset.done $0x0  }
0xd9: {  	[sflag:s24] =	ssyncadd.s32 $0xFFFF8000  }
0xda: {  	[hbm4b:s10+s20] =	stream.indirect.scatter [tilespmem:s21], [sflag:$0x4], $0x10, s25, s20, $0xb8;
	[tilespmem:$0x1D200] =	vst v63  }
0xdb: {  	_ =	swait.ge [sflag:s1], $0x8000  }
0xdc: {  	[sflag:s1] =	ssyncset.done $0x0  }
0xdd: {  	s8 =	simm.s32 $0x0;
	s18 =	simm.s32 $0x0;
	[sflag:s1] =	ssyncadd.s32 $0xFFFF8000  }
0xde: {  	v8 =	vor.u32 s8, v1;
	v7 =	vld [tilespmem:s18+$0xA00]  }
0xdf: {  	v8 =	vand.u32 v2, v8  }
0xe0: {  	v9 =	vor.u32 s8, v3;
	_ =	sdelay $0x2  }
0xe1: {  	v10 =	vor.u32 s8, v4;
	v11 =	vshll.u32 v7, $0x2  }
0xe2: {  	[tilespmem:v8+s26+$0x0] =	vst.idx.msk $0xffff, v11;
	v7 =	vor.u32 $0x1, v11  }
0xe3: {  	[tilespmem:v9+s26+$0x0] =	vst.idx.msk $0xffff, v7;
	v7 =	vor.u32 s8, v5;
	_ =	sdelay $0x1  }
0xe4: {  	v8 =	vor.u32 $0x2, v11  }
0xe5: {  	s6 =	simm.s32 $0x40;
	s7 =	simm.s32 $0x80;
	[tilespmem:v10+s26+$0x0] =	vst.idx.msk $0xffff, v8;
	v8 =	vor.u32 $0x3, v11  }
.LBB2_14:
0xe6: {  	p0 =	sne.s32 s7, $0x7C0  }
0xe7: {  	s8 =	sshra.s32 s6, $0x2;
	[tilespmem:v7+s26+$0x0] =	vst.idx.msk $0xffff, v8;
	s9 =	smov.u32 s7;
	s7 =	sadd.s32 $0x40, s7  }
0xe8: {  	v7 =	vor.u32 s6, v1;
	v8 =	vld [tilespmem:s8+$0xA00]  }
0xe9: {  	v9 =	vand.u32 v2, v7  }
0xea: {  	v10 =	vor.u32 s6, v3  }
0xeb: {  	v11 =	vor.u32 s6, v4  }
.Ltmp6:
0xec: {  	v7 =	vor.u32 s6, v5;
	s6 =	smov.u32 s9;
	(pc) =	sbr.rel @p0 .LBB2_14-.Ltmp6, $4  }
0xed: {  	v8 =	vshll.u32 v8, $0x2  }
0xee: {  	[tilespmem:v9+s26+$0x0] =	vst.idx.msk $0xffff, v8;
	v9 =	vor.u32 $0x1, v8  }
0xef: {  	[tilespmem:v10+s26+$0x0] =	vst.idx.msk $0xffff, v9;
	v9 =	vor.u32 $0x2, v8  }
0xf0: {  	v8 =	vor.u32 $0x3, v8;
	[tilespmem:v11+s26+$0x0] =	vst.idx.msk $0xffff, v9  }
0xf1: {  	_ =	sdelay $0x3  }
0xf2: {  	s7 =	sshra.s32 s6, $0x2;
	[tilespmem:v7+s26+$0x0] =	vst.idx.msk $0xffff, v8  }
0xf3: {  	v8 =	vor.u32 s6, v1;
	v7 =	vld [tilespmem:s7+$0xA00]  }
0xf4: {  	v8 =	vand.u32 v2, v8  }
0xf5: {  	v9 =	vor.u32 s6, v3  }
0xf6: {  	v10 =	vor.u32 s6, v4  }
0xf7: {  	v11 =	vor.u32 s6, v5  }
0xf8: {  	v7 =	vshll.u32 v7, $0x2  }
0xf9: {  	[tilespmem:v8+s26+$0x0] =	vst.idx.msk $0xffff, v7;
	v8 =	vor.u32 $0x1, v7  }
0xfa: {  	[tilespmem:v9+s26+$0x0] =	vst.idx.msk $0xffff, v8;
	v8 =	vor.u32 $0x2, v7  }
0xfb: {  	v7 =	vor.u32 $0x3, v7;
	[tilespmem:v10+s26+$0x0] =	vst.idx.msk $0xffff, v8  }
0xfc: {  	[tilespmem:v11+s26+$0x0] =	vst.idx.msk $0xffff, v7  }
0xfd: {  	[tilespmem:s28], [sflag:$0x3] =	stream.indirect.gather [hbm4b:s4+s20], $0x10, s26, s20, $0xb8;
	[tilespmem:$0x1D200] =	vst v63  }
0xfe: {  	_ =	swait.ge [sflag:s29], $0x8000  }
0xff: {  	[sflag:s29] =	ssyncset.done $0x0  }
0x100: {  	[sflag:s29] =	ssyncadd.s32 $0xFFFF8000  }
0x101: {  	[hbm4b:s11+s20] =	stream.indirect.scatter [tilespmem:s23], [sflag:$0x5], $0x10, s25, s20, $0xb8;
	[tilespmem:$0x1D200] =	vst v63  }
0x102: {  	_ =	swait.ge [sflag:s30], $0x8000  }
0x103: {  	[sflag:s30] =	ssyncset.done $0x0  }
0x104: {  	s8 =	simm.s32 $0x0;
	s18 =	simm.s32 $0x0;
	[sflag:s30] =	ssyncadd.s32 $0xFFFF8000  }
0x105: {  	v8 =	vor.u32 s8, v1;
	v7 =	vld [tilespmem:s18+$0xC00]  }
0x106: {  	v8 =	vand.u32 v2, v8  }
0x107: {  	v9 =	vor.u32 s8, v3;
	_ =	sdelay $0x2  }
0x108: {  	v10 =	vor.u32 s8, v4;
	v11 =	vshll.u32 v7, $0x2  }
0x109: {  	[tilespmem:v8+s19+$0x0] =	vst.idx.msk $0xffff, v11;
	v7 =	vor.u32 $0x1, v11  }
0x10a: {  	[tilespmem:v9+s19+$0x0] =	vst.idx.msk $0xffff, v7;
	v7 =	vor.u32 s8, v5;
	_ =	sdelay $0x1  }
0x10b: {  	v8 =	vor.u32 $0x2, v11  }
0x10c: {  	s6 =	simm.s32 $0x40;
	s7 =	simm.s32 $0x80;
	[tilespmem:v10+s19+$0x0] =	vst.idx.msk $0xffff, v8;
	v8 =	vor.u32 $0x3, v11  }
.LBB2_16:
0x10d: {  	p0 =	sne.s32 s7, $0x7C0  }
0x10e: {  	s8 =	sshra.s32 s6, $0x2;
	[tilespmem:v7+s19+$0x0] =	vst.idx.msk $0xffff, v8;
	s9 =	smov.u32 s7;
	s7 =	sadd.s32 $0x40, s7  }
0x10f: {  	v7 =	vor.u32 s6, v1;
	v8 =	vld [tilespmem:s8+$0xC00]  }
0x110: {  	v9 =	vand.u32 v2, v7  }
0x111: {  	v10 =	vor.u32 s6, v3  }
0x112: {  	v11 =	vor.u32 s6, v4  }
.Ltmp7:
0x113: {  	v7 =	vor.u32 s6, v5;
	s6 =	smov.u32 s9;
	(pc) =	sbr.rel @p0 .LBB2_16-.Ltmp7, $4  }
0x114: {  	v8 =	vshll.u32 v8, $0x2  }
0x115: {  	[tilespmem:v9+s19+$0x0] =	vst.idx.msk $0xffff, v8;
	v9 =	vor.u32 $0x1, v8  }
0x116: {  	[tilespmem:v10+s19+$0x0] =	vst.idx.msk $0xffff, v9;
	v9 =	vor.u32 $0x2, v8  }
0x117: {  	v8 =	vor.u32 $0x3, v8;
	[tilespmem:v11+s19+$0x0] =	vst.idx.msk $0xffff, v9  }
0x118: {  	_ =	sdelay $0x3  }
0x119: {  	s7 =	sshra.s32 s6, $0x2;
	[tilespmem:v7+s19+$0x0] =	vst.idx.msk $0xffff, v8  }
0x11a: {  	v8 =	vor.u32 s6, v1;
	v7 =	vld [tilespmem:s7+$0xC00]  }
0x11b: {  	v8 =	vand.u32 v2, v8  }
0x11c: {  	v9 =	vor.u32 s6, v3  }
0x11d: {  	v10 =	vor.u32 s6, v4  }
0x11e: {  	v11 =	vor.u32 s6, v5  }
0x11f: {  	v7 =	vshll.u32 v7, $0x2  }
0x120: {  	[tilespmem:v8+s19+$0x0] =	vst.idx.msk $0xffff, v7;
	v8 =	vor.u32 $0x1, v7  }
0x121: {  	[tilespmem:v9+s19+$0x0] =	vst.idx.msk $0xffff, v8;
	v8 =	vor.u32 $0x2, v7  }
0x122: {  	v7 =	vor.u32 $0x3, v7;
	[tilespmem:v10+s19+$0x0] =	vst.idx.msk $0xffff, v8  }
0x123: {  	[tilespmem:v11+s19+$0x0] =	vst.idx.msk $0xffff, v7  }
0x124: {  	[tilespmem:s21], [sflag:$0x1] =	stream.indirect.gather [hbm4b:s4+s20], $0x10, s19, s20, $0xb8;
	[tilespmem:$0x1D200] =	vst v63  }
0x125: {  	_ =	swait.ge [sflag:s31], $0x8000  }
0x126: {  	[sflag:s31] =	ssyncset.done $0x0  }
0x127: {  	[sflag:s31] =	ssyncadd.s32 $0xFFFF8000  }
0x128: {  	[hbm4b:s12+s20] =	stream.indirect.scatter [tilespmem:s28], [sflag:$0x6], $0x10, s25, s20, $0xb8;
	[tilespmem:$0x1D200] =	vst v63  }
0x129: {  	_ =	swait.ge [sflag:s0], $0x8000  }
0x12a: {  	[sflag:s0] =	ssyncset.done $0x0  }
0x12b: {  	s8 =	simm.s32 $0x0;
	s18 =	simm.s32 $0x0;
	[sflag:s0] =	ssyncadd.s32 $0xFFFF8000  }
0x12c: {  	v8 =	vor.u32 s8, v1;
	v7 =	vld [tilespmem:s18+$0xE00]  }
0x12d: {  	v8 =	vand.u32 v2, v8  }
0x12e: {  	v9 =	vor.u32 s8, v3;
	_ =	sdelay $0x2  }
0x12f: {  	v10 =	vor.u32 s8, v4;
	v11 =	vshll.u32 v7, $0x2  }
0x130: {  	[tilespmem:v8+s22+$0x0] =	vst.idx.msk $0xffff, v11;
	v7 =	vor.u32 $0x1, v11  }
0x131: {  	[tilespmem:v9+s22+$0x0] =	vst.idx.msk $0xffff, v7;
	v7 =	vor.u32 s8, v5;
	_ =	sdelay $0x1  }
0x132: {  	v8 =	vor.u32 $0x2, v11  }
0x133: {  	s6 =	simm.s32 $0x40;
	s7 =	simm.s32 $0x80;
	[tilespmem:v10+s22+$0x0] =	vst.idx.msk $0xffff, v8;
	v8 =	vor.u32 $0x3, v11  }
.LBB2_18:
0x134: {  	p0 =	sne.s32 s7, $0x7C0  }
0x135: {  	s8 =	sshra.s32 s6, $0x2;
	[tilespmem:v7+s22+$0x0] =	vst.idx.msk $0xffff, v8;
	s9 =	smov.u32 s7;
	s7 =	sadd.s32 $0x40, s7  }
0x136: {  	v7 =	vor.u32 s6, v1;
	v8 =	vld [tilespmem:s8+$0xE00]  }
0x137: {  	v9 =	vand.u32 v2, v7  }
0x138: {  	v10 =	vor.u32 s6, v3  }
0x139: {  	v11 =	vor.u32 s6, v4  }
.Ltmp8:
0x13a: {  	v7 =	vor.u32 s6, v5;
	s6 =	smov.u32 s9;
	(pc) =	sbr.rel @p0 .LBB2_18-.Ltmp8, $4  }
0x13b: {  	v8 =	vshll.u32 v8, $0x2  }
0x13c: {  	[tilespmem:v9+s22+$0x0] =	vst.idx.msk $0xffff, v8;
	v9 =	vor.u32 $0x1, v8  }
0x13d: {  	[tilespmem:v10+s22+$0x0] =	vst.idx.msk $0xffff, v9;
	v9 =	vor.u32 $0x2, v8  }
0x13e: {  	v8 =	vor.u32 $0x3, v8;
	[tilespmem:v11+s22+$0x0] =	vst.idx.msk $0xffff, v9  }
0x13f: {  	_ =	sdelay $0x3  }
0x140: {  	s7 =	sshra.s32 s6, $0x2;
	[tilespmem:v7+s22+$0x0] =	vst.idx.msk $0xffff, v8  }
0x141: {  	v8 =	vor.u32 s6, v1;
	v7 =	vld [tilespmem:s7+$0xE00]  }
0x142: {  	v8 =	vand.u32 v2, v8  }
0x143: {  	v9 =	vor.u32 s6, v3  }
0x144: {  	v10 =	vor.u32 s6, v4  }
0x145: {  	v11 =	vor.u32 s6, v5  }
0x146: {  	v7 =	vshll.u32 v7, $0x2  }
0x147: {  	[tilespmem:v8+s22+$0x0] =	vst.idx.msk $0xffff, v7;
	v8 =	vor.u32 $0x1, v7  }
0x148: {  	[tilespmem:v9+s22+$0x0] =	vst.idx.msk $0xffff, v8;
	v8 =	vor.u32 $0x2, v7  }
0x149: {  	v7 =	vor.u32 $0x3, v7;
	[tilespmem:v10+s22+$0x0] =	vst.idx.msk $0xffff, v8  }
0x14a: {  	[tilespmem:v11+s22+$0x0] =	vst.idx.msk $0xffff, v7  }
0x14b: {  	[tilespmem:s23], [sflag:$0x2] =	stream.indirect.gather [hbm4b:s4+s20], $0x10, s22, s20, $0xb8;
	[tilespmem:$0x1D200] =	vst v63  }
0x14c: {  	_ =	swait.ge [sflag:s24], $0x8000  }
0x14d: {  	[sflag:s24] =	ssyncset.done $0x0  }
0x14e: {  	[sflag:s24] =	ssyncadd.s32 $0xFFFF8000  }
0x14f: {  	[hbm4b:s13+s20] =	stream.indirect.scatter [tilespmem:s21], [sflag:$0x4], $0x10, s25, s20, $0xb8;
	[tilespmem:$0x1D200] =	vst v63  }
0x150: {  	_ =	swait.ge [sflag:s29], $0x8000  }
0x151: {  	[sflag:s29] =	ssyncset.done $0x0  }
0x152: {  	[sflag:s29] =	ssyncadd.s32 $0xFFFF8000  }
0x153: {  	[hbm4b:s14+s20] =	stream.indirect.scatter [tilespmem:s23], [sflag:$0x5], $0x10, s25, s20, $0xb8;
	[tilespmem:$0x1D200] =	vst v63  }
0x154: {  	_ =	swait.ge [sflag:s1], $0x8000  }
0x155: {  	[sflag:s1] =	ssyncset.done $0x0  }
0x156: {  	[sflag:s1] =	ssyncadd.s32 $0xFFFF8000  }
0x157: {  	_ =	swait.ge [sflag:s30], $0x8000  }
0x158: {  	[sflag:s30] =	ssyncset.done $0x0  }
0x159: {  	[sflag:s30] =	ssyncadd.s32 $0xFFFF8000  }
0x15a: {  	v7 =	vmov s16;
	_ =	swait.ge [sflag:s0], $0x8000  }
0x15b: {  	v7 =	vmul.u32 $0x21, v7;
	[sflag:s0] =	ssyncset.done $0x0  }
0x15c: {  	[sflag:s0] =	ssyncadd.s32 $0xFFFF8000  }
0x15d: {  	v7 =	vbroadcast v7, $0x0;
	_ =	swait.ge [sflag:s2], $0x2000  }
0x15e: {  	s6 =	simm.s32 $0x40;
	[sflag:s2] =	ssyncset.done $0x0  }
0x15f: {  	s8 =	simm.s32 $0x0;
	s7 =	sadd.s32 $0x10, s16;
	v7 =	vadd.s32 v6, v7;
	[sflag:s2] =	ssyncadd.s32 $0xFFFFE000  }
.LBB2_20:
0x160: {  	v8 =	vmov s7;
	p0 =	sne.s32 s6, $0x7C0;
	[tilespmem:s8+$0x1D000] =	vst v7;
	s8 =	smov.u32 s6;
	s6 =	sadd.s32 $0x40, s6  }
.Ltmp9:
0x161: {  	v7 =	vmul.u32 $0x21, v8;
	(pc) =	sbr.rel @p0 .LBB2_20-.Ltmp9, $3  }
0x162: {  	_ = 	snop  }
0x163: {  	v7 =	vbroadcast v7, $0x0;
	_ =	sdelay $0x1  }
0x164: {  	s7 =	sadd.s32 $0x10, s7;
	s8 =	sshra.s32 s8, $0x2;
	v7 =	vadd.s32 v6, v7  }
0x165: {  	s5 =	sadd.s32 $0x1, s5  }
0x166: {  	s6 =	rddreg [dreg:$0x1];
	s7 =	simm.s32 $0x1000;
	p0 =	sne.s32 s5, s15  }
.Ltmp10:
0x167: {  	[tilespmem:s8+$0x1D000] =	vst v7;
	s18 =	simm.s32 $0x200;
	s9 =	simm.s32 $0x1D000;
	(pc) =	sbr.rel @p0 .LBB2_1-.Ltmp10, $4  }
0x168: {  	[hbm4b:s6+s18] =	stream.indirect.scatter [tilespmem:s7], [sflag:$0x7], $0x10, s9, s18, $0xb8;
	[tilespmem:$0x1D200] =	vst v63  }
0x169: {  	_ =	swait.ge [sflag:s2], $0x2000  }
0x16a: {  	[sflag:s2] =	ssyncset.done $0x0  }
0x16b: {  	[sflag:s2] =	ssyncadd.s32 $0xFFFFE000  }
0x16c: {  	_ =	sfence.sel $0x180000  }
0x16d: {  	[bflag:$0x0] =	sbarrier.arrive $0xFFFF  }
0x16e: {  	_ =	strace $0x9000004A  }
0x16f: {  	s0 =	stileid.u32;
	[bflag:$0x2] =	sbarrier.arrive $0xFFFF  }
0x170: {  	p0 =	sne.s32 s0, $0x0;
	s0 =	rddreg [dreg:$0x2]  }
0x171: {  	s0 =	sadd.s32 @!p0 $0x100000, s0  }
0x172: {  	[sflag:s0] =	ssyncadd.tile.s32 @!p0 $0x1;
	_ =	shalt  }
.Lfunc_end2:
_tile_overlayer_lowered:
.L_overlay_start_2:
0x173: {  	(tag) =	ssettag $0x2  }
0x174: {  	s0 =	rddreg [dreg:$0x0];
	s2 =	stileid.u32  }
0x175: {  	s1 =	rddreg [dreg:$0x1];
	p0 =	sne.s32 s2, $0x0  }
0x176: {  	s3 =	rddreg [dreg:$0x2];
	[bflag:$0x3] =	sbarrier.arrive $0xFFFF;
	s2 =	simm.s32 @!p0 $0x1C08  }
0x177: {  	[timem:s3], [sflag:s2] =	dma.local @!p0 [hbm:s0], s1  }
0x178: {  	s0 =	simm.s32 @!p0 $0x8  }
0x179: {  	_ =	swait.ge @!p0 [sflag:s0], s1  }
0x17a: {  	s1 =	ssub.s32 @!p0 $0x0, s1;
	[sflag:s0] =	ssyncset.done @!p0 $0x0  }
0x17b: {  	[sflag:s0] =	ssyncadd.s32 @!p0 s1  }
0x17c: {  	[bflag:$0x3] =	sbarrier.arrive $0xFFFF  }
0x17d: {  	_ =	shalt  }

// kernel: sparse-core-data-format-call.cloned.1.call-start
scs
called_computation_lowered:
.L_overlay_start_0:
0x0: {  	s2 =	sld [smem:$0x3FD9]  }
0x1: {  	s3 =	sld [smem:$0x3FFE];
	_ =	sdelay $0x1  }
0x2: {  	s1 =	srdreg.scid  }
0x3: {  	s0 =	sand.u32 $0x1, s1  }
0x4: {  	s18 =	sshll.u32 s0, $0xA;
	s2 =	sadd.s32 s3, s2  }
0x5: {  	s2 =	sadd.s32 s2, s18  }
0x6: {  	[smem:$0x3FC4] =	sst s2  }
0x7: {  	_ = 	snop  }
0x8: {  	s2 =	sld [smem:$0x3FD0];
	(tm) =	ssettm $0x1  }
0x9: {  	s19 =	sld [smem:$0x3FFB];
	_ =	sdelay $0x3  }
0xa: {  	_ =	strace s19  }
0xb: {  	s3 =	sld [smem:$0x3FFC];
	_ =	sdelay $0x3  }
0xc: {  	_ =	strace s3  }
0xd: {  	s3 =	sld [smem:$0x3FFD];
	_ =	sdelay $0x3  }
0xe: {  	_ =	strace s3  }
0xf: {  	_ =	strace $0x8FFFFFFF  }
0x10: {  	s20 =	sld [smem:$0x3FDB];
	_ =	sdelay $0x1  }
0x11: {  	s4 =	simm.s32 $_scs_section_size  }
0x12: {  	s5 =	simm.s32 $_size__tile_overlayer_lowered;
	s6 =	simm.s32 $_tile_overlayer_lowered  }
0x13: {  	s23 =	simm.s32 $0x1BFF;
	s22 =	sshll.u32 s6, $0x1;
	s3 =	sadd.s32 s4, s20  }
0x14: {  	s7 =	simm.s32 $0x0;
	s21 =	sshll.u32 s5, $0x1;
	s5 =	sadd.s32 s22, s3  }
0x15: {  	[timem:s7], [sflag:s23] =	dma.local [hbm:s5], s21  }
0x16: {  	_ =	swait.ge [sflag:s23], s21  }
0x17: {  	s4 =	ssub.s32 $0x0, s21;
	[sflag:s23] =	ssyncset.done $0x0  }
0x18: {  	[sflag:s23] =	ssyncadd.s32 s4;
	_ =	sdelay $0x1  }
0x19: {  	s24 =	simm.s32 $0x1B8B  }
0x1a: {  	_ =	swait.ge [sflag:s24], $0x1  }
0x1b: {  	[sflag:s24] =	ssyncset.done $0x0  }
0x1c: {  	s26 =	simm.s32 $0x1B8E;
	s25 =	sld [smem:$0x3FFE];
	[sflag:s24] =	ssyncadd.s32 $0xFFFFFFFF  }
0x1d: {  	s27 =	simm.s32 $execute0_lowered;
	[smem:$0x3FD2] =	sst s26  }
0x1e: {  	s5 =	sshll.u32 s27, $0x1;
	_ =	strace $0x8000004C;
	[dreg:$0x1] =	wrdreg $0xFFFFFFFF  }
0x1f: {  	s28 =	simm.s32 $_size_execute0_lowered;
	s3 =	sadd.s32 s3, s5;
	[dreg:$0x0] =	wrdreg $0x0  }
0x20: {  	s5 =	sshll.u32 s28, $0x1;
	[dreg:$0x2] =	wrdreg s3  }
0x21: {  	[dreg:$0x3] =	wrdreg s5  }
0x22: {  	[dreg:$0x4] =	wrdreg $0xC0  }
0x23: {  	_ =	task [dreg:s7], $0x5FFFF  }
0x24: {  	[dreg:$0x1] =	wrdreg $0xFFFFFFFF  }
0x25: {  	[dreg:$0x0] =	wrdreg $0x60  }
0x26: {  	[dreg:$0x2] =	wrdreg s25  }
0x27: {  	[dreg:$0x3] =	wrdreg s2  }
0x28: {  	[dreg:$0x4] =	wrdreg $0x9  }
0x29: {  	_ =	task.clear_ibuf [dreg:s7], $0x5FFFF;
	_ =	strace $0x9000004C  }
0x2a: {  	s29 =	simm.s32 $0x9;
	_ =	strace $0x8000004E  }
0x2b: {  	_ =	swait.ge [sflag:s29], $0x1  }
0x2c: {  	[sflag:s29] =	ssyncadd.s32 $0xFFFFFFFF  }
0x2d: {  	_ =	strace $0x9000004E  }
0x2e: {  	_ =	sfence  }
0x2f: {  	s30 =	sld [smem:$0x0];
	_ =	sdelay $0x2  }
0x30: {  	s31 =	sshll.u32 s1, $0xD;
	s1 =	sshrl.u32 s1, $0x2  }
0x31: {  	s3 =	sand.u32 $0x4000, s31;
	s1 =	sadd.s32 s1, s30  }
0x32: {  	s0 =	sor.u32 s3, s0;
	s1 =	sshll.u32 s1, $0x11  }
0x33: {  	s0 =	sor.u32 s1, s0  }
0x34: {  	s0 =	sadd.s32 $0x8F2B, s0  }
0x35: {  	[sflag:s0] =	ssyncadd.remote.s32 $0x1  }
0x36: {  	_ =	sfence.sel $0xFFFF  }
0x37: {  	[dreg:$0x0] =	wrdreg $0xFFFFFFFF;
	(pc) =	sbr.abs _section_cstart, $3  }
0x38: {  	[dreg:$0x1] =	wrdreg $0xFFFFFFFF  }
0x39: {  	_ =	task.clear_ibuf [dreg:s7], $0x2FFFF;
	_ =	strace $0x9FFFFFFF  }
0x3a: {  	(tm) =	ssettm $0x7FFFFFFF  }
0x3b: {  	_ =	shalt  }
tec
execute0_lowered:
.L_overlay_start_1:
0x0: {  	(tag) =	ssettag $0x1  }
0x1: {  	s0 =	srdreg.scid  }
0x2: {  	s1 =	sshll.u32 s0, $0x4  }
0x3: {  	s6 =	rddreg [dreg:$0x0];
	s0 =	stileid.u32;
	s1 =	sand.u32 $0x10, s1  }
0x4: {  	s3 =	rddreg [dreg:$0x1];
	s1 =	sor.u32 s0, s1  }
0x5: {  	s5 =	simm.s32 $0x1;
	s31 =	simm.s32 $0x2;
	s2 =	sshll.u32 s1, $0x7  }
0x6: {  	s15 =	simm.s32 $0x0;
	s8 =	simm.s32 $0x20000;
	s4 =	ssub.s32 $0x4000, s2  }
0x7: {  	s14 =	simm.s32 $0x0;
	s9 =	simm.s32 $0x0;
	s30 =	sand.u32 $0xF80, s4  }
0x8: {  	s10 =	simm.s32 $0x0;
	s11 =	simm.s32 $0x0;
	p0 =	sne.s32 s30, $0x0  }
.Ltmp0:
0x9: {  	s7 =	sshrl.u32 s4, $0xC;
	s5 =	simm.s32 @!p0 $0x0;
	(pc) =	sbr.rel .LBB1_1-.Ltmp0, $4  }
0xa: {  	s13 =	simm.s32 $0x0;
	s1 =	rddreg [dreg:$0x2];
	s5 =	sadd.s32 s5, s7  }
0xb: {  	_ =	strace $0x8000004D;
	s4 =	simm.s32 $0x1;
	s5 =	smul.u32 $0x5, s5  }
0xc: {  	s6 =	sadd.s32 $0x1200, s6;
	s12 =	smov.u32 s2;
	[sflag:s4] =	ssyncpa.u1 $0x0  }
0xd: {  	[sflag:s31] =	ssyncpa.u1 $0x0;
	p0 =	por $0x0, $0x0;
	s7 =	sadd.s32 $0x1, s5  }
.LBB1_4:
0xe: {  	s20 =	sshra.s32 s20, $0x2  }
0xf: {  	s28 =	sand.u32 $0x78, s10;
	s21 =	sshll.u32 s9, $0xE;
	s22 =	sshll.u32 s10, $0x3  }
0x10: {  	s24 =	sshll.u32 s9, $0x7;
	p1 =	sgt.s32 s9, $0x190;
	s30 =	sshra.s32 s9, $0x1F  }
0x11: {  	s26 =	sshra.s32 s10, $0x1F;
	s19 =	sadd.s32 s20, s19;
	s21 =	sand.u32 $0xFFFE0000, s21  }
0x12: {  	v5 =	vld [tilespmem:s17+$0xFFFFFFD0];
	[tilespmem:s18+$0x2040 ss:$0x81] =	vst.msk $0xffff, v4;
	s23 =	sand.u32 $0xFFFFFC00, s22;
	s29 =	sand.u32 $0x380, s24;
	s22 =	sand.u32 $0x3C00, s22  }
0x13: {  	v58 =	vld [tilespmem:s17+$0xFFFFFFE0];
	[tilespmem:s18+$0x2850 ss:$0x81] =	vst.msk $0xffff, v3;
	s21 =	sadd.s32 s23, s21;
	s20 =	sor.u32 s28, s22;
	s22 =	smov.u32 s9  }
0x14: {  	v59 =	vld [tilespmem:s17+$0xFFFFFFF0];
	[tilespmem:s18+$0x3060 ss:$0x81] =	vst.msk $0xffff, v2;
	s24 =	sand.u32 s30, s9;
	s21 =	sshrl.u32 s21, $0xE;
	s22 =	simm.s32 @!p1 $0x190  }
0x15: {  	v60 =	vld [tilespmem:s17+$0x0];
	[tilespmem:s18+$0x0 ss:$0x81] =	vst.msk $0xffff, v1;
	p1 =	sgt.s32 s10, $0x3F80;
	s31 =	ssub.s32 s22, s24;
	s22 =	smov.u32 s10  }
0x16: {  	v61 =	vld [tilespmem:s17+$0x10];
	[tilespmem:s19+$0x3870 ss:$0x81] =	vst.msk $0xffff, v0;
	s25 =	smulhi.u32 $0x7C1F08, s21;
	s24 =	sand.u32 s26, s10;
	s22 =	simm.s32 @!p1 $0x3F80  }
0x17: {  	v62 =	vld [tilespmem:s17+$0x20];
	s20 =	sor.u32 s29, s20;
	[tilespmem:s19+$0x810 ss:$0x81] =	vst.msk $0xffff, v5;
	s27 =	sadd.s32 $0xFFFFFE70, s31;
	s22 =	ssub.s32 s22, s24  }
0x18: {  	v63 =	vld [tilespmem:s17+$0xFFFFFFC0];
	[tilespmem:s19+$0x1020 ss:$0x81] =	vst.msk $0xffff, v58;
	s18 =	ssub.s32 $0x210, s31;
	s28 =	smul.u32 $0x210, s25;
	s29 =	sadd.s32 $0xFFFFC080, s22  }
0x19: {  	[tilespmem:s19+$0x1830 ss:$0x81] =	vst.msk $0xffff, v59;
	p1 =	sgt.s32 s27, $0x7F;
	s22 =	ssub.s32 $0x4000, s22;
	p2 =	sgt.s32 s29, $0x7F  }
0x1a: {  	s30 =	sand.u32 $0x7, s10;
	[tilespmem:s19+$0x2040 ss:$0x81] =	vst.msk $0xffff, v60;
	s18 =	simm.s32 @p1 $0x0;
	s22 =	simm.s32 @p2 $0x0  }
0x1b: {  	s20 =	sshrl.u32 s20, $0x3;
	[tilespmem:s19+$0x2850 ss:$0x81] =	vst.msk $0xffff, v61;
	s17 =	ssub.s32 s21, s28;
	s18 =	smul.u32 s22, s18  }
0x1c: {  	[tilespmem:s19+$0x3060 ss:$0x81] =	vst.msk $0xffff, v62;
	s20 =	sadd.s32 s3, s20;
	s21 =	sshll.u32 s30, $0x12;
	s17 =	sshll.u32 s17, $0xB  }
0x1d: {  	[tilespmem:s19+$0x0 ss:$0x81] =	vst.msk $0xffff, v63;
	s31 =	sor.u32 $0x400, s21;
	s17 =	sadd.s32 s17, s20;
	s18 =	sand.u32 $0x3FFFFFFF, s18  }
0x1e: {  	[hbm4b:s17+s31] =	stream.strided.scatter [tilespmem:s16], [sflag:$0x2], s18, s8, s31, $0x20;
	[tilespmem:$0x10100] =	vst v63  }
.LBB1_5:
0x1f: {  	p1 =	slt.u32 s13, $0x2  }
0x20: {  	s17 =	smov.u32 s15;
	p2 =	sgt.s32 @!p1 s15, $0x190;
	s16 =	sshra.s32 @!p1 s15, $0x1F  }
0x21: {  	p3 =	sgt.s32 @!p1 s14, $0x3F80;
	s18 =	sshra.s32 @!p1 s14, $0x1F;
	p2 =	por !p2, p1  }
0x22: {  	s15 =	sand.u32 @!p1 s16, s15;
	p3 =	por !p3, p1;
	s16 =	smov.u32 s14  }
0x23: {  	s14 =	sand.u32 @!p1 s18, s14;
	s17 =	simm.s32 @p2 $0x190;
	s16 =	simm.s32 @p3 $0x3F80  }
0x24: {  	s15 =	ssub.s32 @!p1 s17, s15;
	s14 =	ssub.s32 @!p1 s16, s14  }
0x25: {  	s18 =	smov.u32 s12;
	s16 =	sadd.s32 @!p1 $0xFFFFFE70, s15;
	s17 =	sadd.s32 @!p1 $0xFFFFC080, s14  }
0x26: {  	s15 =	ssub.s32 @!p1 $0x210, s15;
	p2 =	sgt.s32 @!p1 s16, $0x7F;
	p3 =	sgt.s32 @!p1 s17, $0x7F  }
0x27: {  	s14 =	ssub.s32 @!p1 $0x4000, s14;
	p2 =	por !p2, p1;
	p3 =	por !p3, p1  }
0x28: {  	s16 =	sadd.s32 $0x80, s11;
	s15 =	simm.s32 @!p2 $0x0;
	s14 =	simm.s32 @!p3 $0x0  }
0x29: {  	p2 =	sgt.s32 s16, $0x20F;
	s14 =	smul.u32 @!p1 s14, s15;
	s15 =	sadd.s32 $0x1000, s12  }
0x2a: {  	s18 =	smov.u32 @p2 s15  }
0x2b: {  	s16 =	simm.s32 @p2 $0x0;
	p2 =	sgt.s32 s18, $0x3FFF  }
0x2c: {  	s18 =	smov.u32 @p2 s2;
	p2 =	sne.s32 s13, s7  }
.Ltmp1:
0x2d: {  	p0 =	por !p0, !p0;
	s17 =	simm.s32 @!p1 $0x2;
	(pc) =	sbr.rel @!p2 .LBB1_6-.Ltmp1, $4  }
0x2e: {  	s15 =	smov.u32 s9;
	s9 =	smov.u32 s11;
	s14 =	sand.u32 @!p1 $0x3FFFFFFF, s14  }
0x2f: {  	s11 =	smov.u32 s16;
	_ =	swait.ge @!p1 [sflag:s17], s14;
	s19 =	ssub.s32 @!p1 $0x0, s14  }
0x30: {  	s14 =	smov.u32 s10;
	s13 =	sadd.s32 $0x1, s13;
	[sflag:s17] =	ssyncset.done @!p1 $0x0  }
0x31: {  	s10 =	smov.u32 s12;
	s12 =	smov.u32 s18;
	[sflag:s17] =	ssyncadd.s32 @!p1 s19  }
.LBB1_1:
0x32: {  	p1 =	sge.u32 s13, s5  }
0x33: {  	s16 =	sshrl.u32 @!p1 s12, $0x3  }
0x34: {  	s17 =	sshll.u32 @!p1 s11, $0x3;
	s16 =	smul.u32 @!p1 $0x1400, s16  }
0x35: {  	s18 =	sshll.u32 @!p1 s12, $0x7;
	s17 =	sand.u32 @!p1 $0xFFFFFC00, s17  }
0x36: {  	s16 =	sadd.s32 @!p1 s16, s17;
	s17 =	sand.u32 @!p1 $0x380, s18  }
0x37: {  	s18 =	sand.u32 @!p1 $0x7F, s11;
	s16 =	sor.u32 @!p1 s17, s16  }
0x38: {  	s17 =	sor.u32 @!p1 s18, s16  }
0x39: {  	s18 =	smulhi.u32 @!p1 $0xCCCCCCCD, s17;
	_ =	sdelay $0x1  }
0x3a: {  	s16 =	smulhi.u32 @!p1 $0xCCCCCCCD, s16;
	s18 =	sshrl.u32 @!p1 s18, $0x9  }
0x3b: {  	s18 =	smul.u32 @!p1 $0x280, s18  }
0x3c: {  	s31 =	sadd.s32 $0xFFFFFFFF, s13;
	s19 =	sxor.u32 @!p1 $0xFFFFFFFF, s13;
	s16 =	sshrl.u32 @!p1 s16, $0x9  }
0x3d: {  	s19 =	sshll.u32 @!p1 s19, $0xE;
	s16 =	sand.u32 @!p1 $0x3FFF, s16;
	s17 =	ssub.s32 @!p1 s17, s18  }
0x3e: {  	s16 =	smul.u32 @!p1 $0x50, s16;
	s18 =	sshrl.u32 @!p1 s17, $0x3;
	s17 =	sand.u32 @!p1 $0x7, s17  }
0x3f: {  	s19 =	sand.u32 @!p1 $0x4000, s19;
	s18 =	sadd.s32 @!p1 s6, s18;
	s17 =	sshll.u32 @!p1 s17, $0x12  }
0x40: {  	s16 =	sadd.s32 @!p1 s16, s18;
	s17 =	sor.u32 @!p1 $0x400, s17;
	s18 =	simm.s32 @!p1 $0x1400  }
0x41: {  	[tilespmem:s19], [sflag:$0x1] =	stream.strided.gather @!p1 [hbm4b:s16+s17], $0x4000, s18, s17, $0x38;
	[tilespmem:$0x10100] =	vst v63  }
0x42: {  	p1 =	sge.u32 s31, s5  }
.Ltmp2:
0x43: {  	_ = 	snop;
	(pc) =	sbr.rel @p1 .LBB1_5-.Ltmp2, $1  }
0x44: {  	_ =	sdelay $0x3  }
0x45: {  	s16 =	simm.s32 $0x1  }
0x46: {  	_ =	swait.ge [sflag:s4], $0x4000;
	s16 =	simm.s32 @!p0 $0x0  }
0x47: {  	[sflag:s4] =	ssyncset.done $0x0;
	s17 =	sshll.u32 s16, $0xE  }
0x48: {  	[sflag:s4] =	ssyncadd.s32 $0xFFFFC000;
	s17 =	sor.u32 $0x40, s17  }
0x49: {  	s16 =	smul.u32 $0x10200, s16;
	v0 =	vld [tilespmem:s17+$0x30]  }
0x4a: {  	v1 =	vld [tilespmem:s17+$0xFFFFFFD0]  }
0x4b: {  	s16 =	sshrl.u32 s16, $0x2;
	v5 =	vld [tilespmem:s17+$0xFFFFFFE0]  }
0x4c: {  	v6 =	vld [tilespmem:s17+$0xFFFFFFF0];
	s19 =	sor.u32 $0x8000, s16  }
0x4d: {  	s31 =	sand.u32 $0x1, s13;
	v4 =	vld [tilespmem:s17+$0x0];
	s18 =	sadd.s32 $0x0, s19  }
0x4e: {  	v3 =	vld [tilespmem:s17+$0x10];
	s16 =	smul.u32 $0x10200, s31;
	[tilespmem:s18+$0x3870 ss:$0x81] =	vst.msk $0xffff, v0  }
0x4f: {  	v2 =	vld [tilespmem:s17+$0x20];
	[tilespmem:s18+$0x810 ss:$0x81] =	vst.msk $0xffff, v1  }
0x50: {  	s16 =	sshrl.u32 s16, $0x2;
	v1 =	vld [tilespmem:s17+$0xFFFFFFC0];
	[tilespmem:s18+$0x1020 ss:$0x81] =	vst.msk $0xffff, v5;
	s17 =	sadd.s32 $0x80, s17  }
0x51: {  	s20 =	simm.s32 $0x4;
	s21 =	simm.s32 $0x8;
	s16 =	sor.u32 $0x8000, s16;
	[tilespmem:s18+$0x1830 ss:$0x81] =	vst.msk $0xffff, v6;
	v0 =	vld [tilespmem:s17+$0x30]  }
.LBB1_3:
0x52: {  	p1 =	sne.s32 s21, $0x1FC;
	v5 =	vld [tilespmem:s17+$0xFFFFFFD0];
	[tilespmem:s18+$0x2040 ss:$0x81] =	vst.msk $0xffff, v4  }
0x53: {  	v6 =	vld [tilespmem:s17+$0xFFFFFFE0];
	[tilespmem:s18+$0x2850 ss:$0x81] =	vst.msk $0xffff, v3  }
0x54: {  	s22 =	sshra.s32 s20, $0x2;
	s20 =	smov.u32 s21;
	v7 =	vld [tilespmem:s17+$0xFFFFFFF0];
	[tilespmem:s18+$0x3060 ss:$0x81] =	vst.msk $0xffff, v2  }
.Ltmp3:
0x55: {  	v4 =	vld [tilespmem:s17+$0x0];
	[tilespmem:s18+$0x0 ss:$0x81] =	vst.msk $0xffff, v1;
	s18 =	sadd.s32 s22, s19;
	(pc) =	sbr.rel @p1 .LBB1_3-.Ltmp3, $4  }
0x56: {  	v3 =	vld [tilespmem:s17+$0x10];
	[tilespmem:s18+$0x3870 ss:$0x81] =	vst.msk $0xffff, v0  }
0x57: {  	[tilespmem:s18+$0x810 ss:$0x81] =	vst.msk $0xffff, v5;
	v2 =	vld [tilespmem:s17+$0x20]  }
0x58: {  	v1 =	vld [tilespmem:s17+$0xFFFFFFC0];
	[tilespmem:s18+$0x1020 ss:$0x81] =	vst.msk $0xffff, v6;
	s17 =	sadd.s32 $0x80, s17  }
0x59: {  	s21 =	sadd.s32 $0x4, s21;
	v0 =	vld [tilespmem:s17+$0x30];
	[tilespmem:s18+$0x1830 ss:$0x81] =	vst.msk $0xffff, v7  }
.Ltmp4:
0x5a: {  	_ = 	snop;
	(pc) =	sbr.rel .LBB1_4-.Ltmp4, $1  }
0x5b: {  	_ =	sdelay $0x3  }
.LBB1_6:
0x5c: {  	_ =	sfence.sel $0x180000  }
0x5d: {  	s2 =	simm.s32 $0x1;
	[bflag:$0x0] =	sbarrier.arrive $0xFFFF  }
0x5e: {  	s31 =	simm.s32 $0x2;
	[sflag:s2] =	ssyncpa.u1 $0x1  }
0x5f: {  	[sflag:s31] =	ssyncpa.u1 $0x1  }
0x60: {  	p0 =	sne.s32 s0, $0x0;
	_ =	strace $0x9000004D  }
0x61: {  	s0 =	sadd.s32 @!p0 $0x100000, s1;
	[bflag:$0x2] =	sbarrier.arrive $0xFFFF  }
0x62: {  	[sflag:s0] =	ssyncadd.tile.s32 @!p0 $0x1;
	_ =	shalt  }
.Lfunc_end1:
_tile_overlayer_lowered:
.L_overlay_start_2:
0x63: {  	(tag) =	ssettag $0x2  }
0x64: {  	s0 =	rddreg [dreg:$0x0];
	s2 =	stileid.u32  }
0x65: {  	s1 =	rddreg [dreg:$0x1];
	p0 =	sne.s32 s2, $0x0  }
0x66: {  	s3 =	rddreg [dreg:$0x2];
	[bflag:$0x3] =	sbarrier.arrive $0xFFFF;
	s2 =	simm.s32 @!p0 $0x1C01  }
0x67: {  	[timem:s3], [sflag:s2] =	dma.local @!p0 [hbm:s0], s1  }
0x68: {  	s0 =	simm.s32 @!p0 $0x1  }
0x69: {  	_ =	swait.ge @!p0 [sflag:s0], s1  }
0x6a: {  	s1 =	ssub.s32 @!p0 $0x0, s1;
	[sflag:s0] =	ssyncset.done @!p0 $0x0  }
0x6b: {  	[sflag:s0] =	ssyncadd.s32 @!p0 s1  }
0x6c: {  	[bflag:$0x3] =	sbarrier.arrive $0xFFFF  }
0x6d: {  	_ =	shalt  }

</sc_bundles>
